<compile_context>
chip_gen: v7x
topology: tpu7x:2x2x1
jax: 0.10.2.dev20260603
libtpu: 0.0.44.dev20260713+nightly
codegen_flags: <defaults>
</compile_context>

<pallas_src>
import functools

import jax
import jax.numpy as jnp
from jax import lax
from jax.experimental import pallas as pl
from jax.experimental.pallas import tpu as pltpu
from jax.experimental.pallas import tpu_sc as plsc

NUM_CORES = 2
NUM_SUBCORES = 16
NUM_WORKERS = NUM_CORES * NUM_SUBCORES
LANES = 16

CHUNK = 512
NBUF = 8


def _sc_gather(table, dist_flat, n_rows, n_heads):
    rows_per_worker = n_rows // NUM_WORKERS
    n_chunks = rows_per_worker // CHUNK
    assert n_chunks >= 2 * NBUF and n_chunks % NBUF == 0
    vocab = table.shape[0]
    mesh = plsc.VectorSubcoreMesh(core_axis_name="c", subcore_axis_name="s")

    @functools.partial(
        pl.kernel,
        mesh=mesh,
        out_type=jax.ShapeDtypeStruct((n_rows, n_heads), jnp.float32),
        scratch_types=[
            [pltpu.VMEM((CHUNK,), jnp.int32) for _ in range(NBUF)],
            [pltpu.VMEM((CHUNK, n_heads), jnp.float32) for _ in range(NBUF)],
            pltpu.VMEM_SHARED((vocab, n_heads), jnp.float32),
            [pltpu.SemaphoreType.DMA for _ in range(NBUF)],
            [pltpu.SemaphoreType.DMA for _ in range(NBUF)],
            [pltpu.SemaphoreType.DMA for _ in range(NBUF)],
        ],
        compiler_params=pltpu.CompilerParams(use_tc_tiling_on_sc=False),
    )
    def k(table_hbm, dist_hbm, out_hbm, idx_b, rows_b, table_sh,
          s_in, s_g, s_out):
        wid = lax.axis_index("s") * NUM_CORES + lax.axis_index("c")
        base = wid * rows_per_worker

        def in_copy(g, b):
            off = base + g * CHUNK
            return pltpu.make_async_copy(
                dist_hbm.at[pl.ds(off, CHUNK)], idx_b[b], s_in[b])

        def gather_copy(b):
            return pltpu.make_async_copy(
                table_sh.at[idx_b[b]], rows_b[b], s_g[b])

        def out_copy(g, b):
            off = base + g * CHUNK
            return pltpu.make_async_copy(
                rows_b[b], out_hbm.at[pl.ds(off, CHUNK)], s_out[b])

        def clamp(b):
            ref = idx_b[b]

            def body(i, carry):
                v = ref[pl.ds(i * LANES, LANES)]
                ref[pl.ds(i * LANES, LANES)] = (
                    jnp.minimum(jnp.maximum(v, -1), 510) + 1
                )
                return carry

            lax.fori_loop(0, CHUNK // LANES, body, 0, unroll=8)

        @pl.when(lax.axis_index("s") == 0)
        def _():
            pltpu.sync_copy(table_hbm, table_sh)

        plsc.subcore_barrier()

        for g0 in range(NBUF):
            in_copy(g0, g0).start()

        def ring_body(gq, carry):
            for b in range(NBUF):
                g = gq * NBUF + b
                pb = (b - 1) % NBUF

                in_copy(g, b).wait()
                clamp(b)

                @pl.when(g >= NBUF)
                def _():
                    out_copy(g - NBUF, b).wait()

                gather_copy(b).start()

                @pl.when(g >= 1)
                def _():
                    gather_copy(pb).wait()
                    out_copy(g - 1, pb).start()
                    @pl.when(g + NBUF - 1 < n_chunks)
                    def _():
                        in_copy(g + NBUF - 1, pb).start()
            return carry

        lax.fori_loop(0, n_chunks // NBUF, ring_body, 0)

        lb = (n_chunks - 1) % NBUF
        gather_copy(lb).wait()
        out_copy(n_chunks - 1, lb).start()
        for g0 in range(NBUF):
            g = n_chunks - NBUF + g0
            out_copy(g, g % NBUF).wait()

    return k(table, dist_flat)


def kernel(table, dist):
    b, n, m = dist.shape
    n_rows = b * n * m
    n_heads = table.shape[1]
    dist_flat = dist.reshape(n_rows)
    out = _sc_gather(table, dist_flat, n_rows, n_heads)
    return out.reshape(b, n, m, n_heads)

# --- scband reference (transcript-rebuilt; emitter-appended) ---
"""Pipeline reference for scband-spatial-encoder-1159641170464 (READ-ONLY COPY).

The authoritative reference and input builder live on the scoring server;
editing this copy changes nothing except your own understanding.
"""

import jax, jax.numpy as jnp
import numpy as np

MAX_DIST = 510
NUM_HEADS = 16
VOCAB = MAX_DIST + 2  # 512


def setup_inputs(seed: int = 0) -> dict:
    key = jax.random.key(seed)
    k1, k2 = jax.random.split(key)
    dist = jax.random.randint(k1, (8, 512, 512), 0, 511, dtype=jnp.int32)
    table = jax.random.normal(k2, (VOCAB, NUM_HEADS), dtype=jnp.float32)
    # padding_idx=0 -> row 0 is zeros at init
    table = table.at[0].set(0.0)
    return {"table": table, "dist": dist}


def reference(table, dist):
    # SpatialEncoder.forward: embedding_table(clamp(dist, -1, max_dist) + 1)
    idx = jnp.clip(dist, -1, MAX_DIST) + 1  # in [0, max_dist+1]
    spatial_encoding = jnp.take(table, idx, axis=0)  # [B, N, N, num_heads]
    return spatial_encoding

if __name__ == "__main__":
    import jax
    _d = setup_inputs()
    print(jax.jit(kernel)(*tuple(_d.values())))

</pallas_src>

<mosaic_0001>
#map = affine_map<(d0, d1) -> (0, 0)>
#map1 = affine_map<(d0, d1) -> (0)>
module attributes {stable_mosaic.version = 14 : i64} {
  func.func @k(%arg0: i32, %arg1: i32, %arg2: memref<512x16xf32, #tpu.memory_space<hbm>>, %arg3: memref<2097152xi32, #tpu.memory_space<hbm>>, %arg4: memref<2097152x16xf32, #tpu.memory_space<hbm>>, %arg5: memref<512xi32, #tpu.memory_space<vmem>>, %arg6: memref<512xi32, #tpu.memory_space<vmem>>, %arg7: memref<512xi32, #tpu.memory_space<vmem>>, %arg8: memref<512xi32, #tpu.memory_space<vmem>>, %arg9: memref<512xi32, #tpu.memory_space<vmem>>, %arg10: memref<512xi32, #tpu.memory_space<vmem>>, %arg11: memref<512xi32, #tpu.memory_space<vmem>>, %arg12: memref<512xi32, #tpu.memory_space<vmem>>, %arg13: memref<512x16xf32, #tpu.memory_space<vmem>>, %arg14: memref<512x16xf32, #tpu.memory_space<vmem>>, %arg15: memref<512x16xf32, #tpu.memory_space<vmem>>, %arg16: memref<512x16xf32, #tpu.memory_space<vmem>>, %arg17: memref<512x16xf32, #tpu.memory_space<vmem>>, %arg18: memref<512x16xf32, #tpu.memory_space<vmem>>, %arg19: memref<512x16xf32, #tpu.memory_space<vmem>>, %arg20: memref<512x16xf32, #tpu.memory_space<vmem>>, %arg21: memref<512x16xf32, #tpu.memory_space<vmem_shared>>, %arg22: memref<!tpu.dma_semaphore, #tpu.memory_space<semaphore_mem>>, %arg23: memref<!tpu.dma_semaphore, #tpu.memory_space<semaphore_mem>>, %arg24: memref<!tpu.dma_semaphore, #tpu.memory_space<semaphore_mem>>, %arg25: memref<!tpu.dma_semaphore, #tpu.memory_space<semaphore_mem>>, %arg26: memref<!tpu.dma_semaphore, #tpu.memory_space<semaphore_mem>>, %arg27: memref<!tpu.dma_semaphore, #tpu.memory_space<semaphore_mem>>, %arg28: memref<!tpu.dma_semaphore, #tpu.memory_space<semaphore_mem>>, %arg29: memref<!tpu.dma_semaphore, #tpu.memory_space<semaphore_mem>>, %arg30: memref<!tpu.dma_semaphore, #tpu.memory_space<semaphore_mem>>, %arg31: memref<!tpu.dma_semaphore, #tpu.memory_space<semaphore_mem>>, %arg32: memref<!tpu.dma_semaphore, #tpu.memory_space<semaphore_mem>>, %arg33: memref<!tpu.dma_semaphore, #tpu.memory_space<semaphore_mem>>, %arg34: memref<!tpu.dma_semaphore, #tpu.memory_space<semaphore_mem>>, %arg35: memref<!tpu.dma_semaphore, #tpu.memory_space<semaphore_mem>>, %arg36: memref<!tpu.dma_semaphore, #tpu.memory_space<semaphore_mem>>, %arg37: memref<!tpu.dma_semaphore, #tpu.memory_space<semaphore_mem>>, %arg38: memref<!tpu.dma_semaphore, #tpu.memory_space<semaphore_mem>>, %arg39: memref<!tpu.dma_semaphore, #tpu.memory_space<semaphore_mem>>, %arg40: memref<!tpu.dma_semaphore, #tpu.memory_space<semaphore_mem>>, %arg41: memref<!tpu.dma_semaphore, #tpu.memory_space<semaphore_mem>>, %arg42: memref<!tpu.dma_semaphore, #tpu.memory_space<semaphore_mem>>, %arg43: memref<!tpu.dma_semaphore, #tpu.memory_space<semaphore_mem>>, %arg44: memref<!tpu.dma_semaphore, #tpu.memory_space<semaphore_mem>>, %arg45: memref<!tpu.dma_semaphore, #tpu.memory_space<semaphore_mem>>) attributes {dimension_semantics = [#tpu.dimension_semantics<core_parallel>, #tpu.dimension_semantics<subcore_parallel>], iteration_bounds = array<i64: 2, 16>, scalar_prefetch = 0 : i64, scratch_operands = 41 : i64, tpu.core_type = #tpu.core_type<sc_vector_subcore>, window_params = [{transform_indices = #map}, {transform_indices = #map1}, {transform_indices = #map}]} {
    %mul3A = arith.constant 2 : i32
    %mul3A_0 = arith.muli %arg1, %mul3A : i32
    %add3A = arith.addi %mul3A_0, %arg0 : i32
    %mul3A_1 = arith.constant 65536 : i32
    %mul3A_2 = arith.muli %add3A, %mul3A_1 : i32
    %eq3A = arith.constant 0 : i32
    %eq3A_3 = arith.cmpi eq, %arg1, %eq3A : i32
    %convert_element_type3A = arith.extui %eq3A_3 : i1 to i32
    %cond3A = arith.constant 0 : i32
    %cond3A_4 = arith.cmpi ne, %convert_element_type3A, %cond3A : i32
    scf.if %cond3A_4 {
      "tpu.region"() ({
        %run_scoped3A = tpu.sem_alloc : memref<!tpu.dma_semaphore, #tpu.memory_space<semaphore_mem>>
        tpu.enqueue_dma source(%arg2 : memref<512x16xf32, #tpu.memory_space<hbm>>) target(%arg21 : memref<512x16xf32, #tpu.memory_space<vmem_shared>>) target_semaphore(%run_scoped3A : memref<!tpu.dma_semaphore, #tpu.memory_space<semaphore_mem>>)
        tpu.wait_dma2 semaphore(%run_scoped3A : memref<!tpu.dma_semaphore, #tpu.memory_space<semaphore_mem>>) src(%arg2 : memref<512x16xf32, #tpu.memory_space<hbm>>) dst(%arg21 : memref<512x16xf32, #tpu.memory_space<vmem_shared>>)
        tpu.yield
      }) : () -> ()
    } else {
    }
    %barrier3A = arith.constant 0 : index
    tpu.barrier barrier_id(%barrier3A)
    %add3A_5 = arith.constant 0 : i32
    %add3A_6 = arith.addi %mul3A_2, %add3A_5 : i32
    %dma_start3A = tpu.memref_slice %arg3[%add3A_6] : memref<2097152xi32, #tpu.memory_space<hbm>> -> memref<512xi32, #tpu.memory_space<hbm>>
    %dma_start3A_7 = tpu.memref_slice %arg3[%add3A_6] : memref<2097152xi32, #tpu.memory_space<hbm>> -> memref<512xi32, #tpu.memory_space<hbm>>
    tpu.enqueue_dma source(%dma_start3A_7 : memref<512xi32, #tpu.memory_space<hbm>>) target(%arg5 : memref<512xi32, #tpu.memory_space<vmem>>) target_semaphore(%arg22 : memref<!tpu.dma_semaphore, #tpu.memory_space<semaphore_mem>>)
    %add3A_8 = arith.constant 512 : i32
    %add3A_9 = arith.addi %mul3A_2, %add3A_8 : i32
    %dma_start3A_10 = tpu.memref_slice %arg3[%add3A_9] : memref<2097152xi32, #tpu.memory_space<hbm>> -> memref<512xi32, #tpu.memory_space<hbm>>
    %dma_start3A_11 = tpu.memref_slice %arg3[%add3A_9] : memref<2097152xi32, #tpu.memory_space<hbm>> -> memref<512xi32, #tpu.memory_space<hbm>>
    tpu.enqueue_dma source(%dma_start3A_11 : memref<512xi32, #tpu.memory_space<hbm>>) target(%arg6 : memref<512xi32, #tpu.memory_space<vmem>>) target_semaphore(%arg23 : memref<!tpu.dma_semaphore, #tpu.memory_space<semaphore_mem>>)
    %add3A_12 = arith.constant 1024 : i32
    %add3A_13 = arith.addi %mul3A_2, %add3A_12 : i32
    %dma_start3A_14 = tpu.memref_slice %arg3[%add3A_13] : memref<2097152xi32, #tpu.memory_space<hbm>> -> memref<512xi32, #tpu.memory_space<hbm>>
    %dma_start3A_15 = tpu.memref_slice %arg3[%add3A_13] : memref<2097152xi32, #tpu.memory_space<hbm>> -> memref<512xi32, #tpu.memory_space<hbm>>
    tpu.enqueue_dma source(%dma_start3A_15 : memref<512xi32, #tpu.memory_space<hbm>>) target(%arg7 : memref<512xi32, #tpu.memory_space<vmem>>) target_semaphore(%arg24 : memref<!tpu.dma_semaphore, #tpu.memory_space<semaphore_mem>>)
    %add3A_16 = arith.constant 1536 : i32
    %add3A_17 = arith.addi %mul3A_2, %add3A_16 : i32
    %dma_start3A_18 = tpu.memref_slice %arg3[%add3A_17] : memref<2097152xi32, #tpu.memory_space<hbm>> -> memref<512xi32, #tpu.memory_space<hbm>>
    %dma_start3A_19 = tpu.memref_slice %arg3[%add3A_17] : memref<2097152xi32, #tpu.memory_space<hbm>> -> memref<512xi32, #tpu.memory_space<hbm>>
    tpu.enqueue_dma source(%dma_start3A_19 : memref<512xi32, #tpu.memory_space<hbm>>) target(%arg8 : memref<512xi32, #tpu.memory_space<vmem>>) target_semaphore(%arg25 : memref<!tpu.dma_semaphore, #tpu.memory_space<semaphore_mem>>)
    %add3A_20 = arith.constant 2048 : i32
    %add3A_21 = arith.addi %mul3A_2, %add3A_20 : i32
    %dma_start3A_22 = tpu.memref_slice %arg3[%add3A_21] : memref<2097152xi32, #tpu.memory_space<hbm>> -> memref<512xi32, #tpu.memory_space<hbm>>
    %dma_start3A_23 = tpu.memref_slice %arg3[%add3A_21] : memref<2097152xi32, #tpu.memory_space<hbm>> -> memref<512xi32, #tpu.memory_space<hbm>>
    tpu.enqueue_dma source(%dma_start3A_23 : memref<512xi32, #tpu.memory_space<hbm>>) target(%arg9 : memref<512xi32, #tpu.memory_space<vmem>>) target_semaphore(%arg26 : memref<!tpu.dma_semaphore, #tpu.memory_space<semaphore_mem>>)
    %add3A_24 = arith.constant 2560 : i32
    %add3A_25 = arith.addi %mul3A_2, %add3A_24 : i32
    %dma_start3A_26 = tpu.memref_slice %arg3[%add3A_25] : memref<2097152xi32, #tpu.memory_space<hbm>> -> memref<512xi32, #tpu.memory_space<hbm>>
    %dma_start3A_27 = tpu.memref_slice %arg3[%add3A_25] : memref<2097152xi32, #tpu.memory_space<hbm>> -> memref<512xi32, #tpu.memory_space<hbm>>
    tpu.enqueue_dma source(%dma_start3A_27 : memref<512xi32, #tpu.memory_space<hbm>>) target(%arg10 : memref<512xi32, #tpu.memory_space<vmem>>) target_semaphore(%arg27 : memref<!tpu.dma_semaphore, #tpu.memory_space<semaphore_mem>>)
    %add3A_28 = arith.constant 3072 : i32
    %add3A_29 = arith.addi %mul3A_2, %add3A_28 : i32
    %dma_start3A_30 = tpu.memref_slice %arg3[%add3A_29] : memref<2097152xi32, #tpu.memory_space<hbm>> -> memref<512xi32, #tpu.memory_space<hbm>>
    %dma_start3A_31 = tpu.memref_slice %arg3[%add3A_29] : memref<2097152xi32, #tpu.memory_space<hbm>> -> memref<512xi32, #tpu.memory_space<hbm>>
    tpu.enqueue_dma source(%dma_start3A_31 : memref<512xi32, #tpu.memory_space<hbm>>) target(%arg11 : memref<512xi32, #tpu.memory_space<vmem>>) target_semaphore(%arg28 : memref<!tpu.dma_semaphore, #tpu.memory_space<semaphore_mem>>)
    %add3A_32 = arith.constant 3584 : i32
    %add3A_33 = arith.addi %mul3A_2, %add3A_32 : i32
    %dma_start3A_34 = tpu.memref_slice %arg3[%add3A_33] : memref<2097152xi32, #tpu.memory_space<hbm>> -> memref<512xi32, #tpu.memory_space<hbm>>
    %dma_start3A_35 = tpu.memref_slice %arg3[%add3A_33] : memref<2097152xi32, #tpu.memory_space<hbm>> -> memref<512xi32, #tpu.memory_space<hbm>>
    tpu.enqueue_dma source(%dma_start3A_35 : memref<512xi32, #tpu.memory_space<hbm>>) target(%arg12 : memref<512xi32, #tpu.memory_space<vmem>>) target_semaphore(%arg29 : memref<!tpu.dma_semaphore, #tpu.memory_space<semaphore_mem>>)
    %scan3A = arith.constant 0 : i32
    %scan3A_36 = arith.constant 0 : i32
    %scan3A_37 = arith.constant 16 : i32
    %scan3A_38 = arith.addi %scan3A_36, %scan3A_37 : i32
    %scan3A_39 = arith.constant 1 : i32
    scf.for %scan3A_97 = %scan3A_36 to %scan3A_38 step %scan3A_39  : i32 {
      %mul3A_98 = arith.constant 8 : i32
      %mul3A_99 = arith.muli %scan3A_97, %mul3A_98 : i32
      %add3A_100 = arith.constant 0 : i32
      %add3A_101 = arith.addi %mul3A_99, %add3A_100 : i32
      %mul3A_102 = arith.constant 512 : i32
      %mul3A_103 = arith.muli %add3A_101, %mul3A_102 : i32
      %add3A_104 = arith.addi %mul3A_2, %mul3A_103 : i32
      %dma_wait3A_105 = tpu.memref_slice %arg3[%add3A_104] : memref<2097152xi32, #tpu.memory_space<hbm>> -> memref<512xi32, #tpu.memory_space<hbm>>
      %dma_wait3A_106 = tpu.memref_slice %arg3[%add3A_104] : memref<2097152xi32, #tpu.memory_space<hbm>> -> memref<512xi32, #tpu.memory_space<hbm>>
      tpu.wait_dma2 semaphore(%arg22 : memref<!tpu.dma_semaphore, #tpu.memory_space<semaphore_mem>>) src(%dma_wait3A_106 : memref<512xi32, #tpu.memory_space<hbm>>) dst(%arg5 : memref<512xi32, #tpu.memory_space<vmem>>)
      %scan3A_107 = arith.constant 0 : i32
      %scan3A_108 = arith.constant 0 : i32
      %scan3A_109 = arith.constant 32 : i32
      %scan3A_110 = arith.addi %scan3A_108, %scan3A_109 : i32
      %scan3A_111 = arith.constant 8 : i32
      scf.for %scan3A_321 = %scan3A_108 to %scan3A_110 step %scan3A_111  : i32 {
        %mul3A_322 = arith.constant 16 : i32
        %mul3A_323 = arith.muli %scan3A_321, %mul3A_322 : i32
        %get3A = arith.index_cast %mul3A_323 : i32 to index
        %get3A_324 = tpu.vector_load %arg5[%get3A] {strides = array<i32>} : memref<512xi32, #tpu.memory_space<vmem>>, vector<16xi32>,
        %get3A_325 = vector.shape_cast %get3A_324 : vector<16xi32> to vector<16xi32>
        %max3A = arith.constant -1 : i32
        %max3A_326 = vector.broadcast %max3A : i32 to vector<16xi32>
        %max3A_327 = arith.maxsi %get3A_325, %max3A_326 : vector<16xi32>
        %min3A = arith.constant 510 : i32
        %min3A_328 = vector.broadcast %min3A : i32 to vector<16xi32>
        %min3A_329 = arith.minsi %max3A_327, %min3A_328 : vector<16xi32>
        %add3A_330 = arith.constant 1 : i32
        %add3A_331 = vector.broadcast %add3A_330 : i32 to vector<16xi32>
        %add3A_332 = arith.addi %min3A_329, %add3A_331 : vector<16xi32>
        %mul3A_333 = arith.constant 16 : i32
        %mul3A_334 = arith.muli %scan3A_321, %mul3A_333 : i32
        %swap3A = arith.index_cast %mul3A_334 : i32 to index
        %swap3A_335 = tpu.vector_load %arg5[%swap3A] {strides = array<i32>} : memref<512xi32, #tpu.memory_space<vmem>>, vector<16xi32>,
        %swap3A_336 = vector.shape_cast %swap3A_335 : vector<16xi32> to vector<16xi32>
        %swap3A_337 = vector.shape_cast %add3A_332 : vector<16xi32> to vector<16xi32>
        tpu.vector_store %arg5[%swap3A], %swap3A_337 {strides = array<i32>} : memref<512xi32, #tpu.memory_space<vmem>>, vector<16xi32>,
        %scan3A_338 = arith.constant 1 : i32
        %scan3A_339 = arith.addi %scan3A_321, %scan3A_338 : i32
        %mul3A_340 = arith.constant 16 : i32
        %mul3A_341 = arith.muli %scan3A_339, %mul3A_340 : i32
        %get3A_342 = arith.index_cast %mul3A_341 : i32 to index
        %get3A_343 = tpu.vector_load %arg5[%get3A_342] {strides = array<i32>} : memref<512xi32, #tpu.memory_space<vmem>>, vector<16xi32>,
        %get3A_344 = vector.shape_cast %get3A_343 : vector<16xi32> to vector<16xi32>
        %max3A_345 = arith.constant -1 : i32
        %max3A_346 = vector.broadcast %max3A_345 : i32 to vector<16xi32>
        %max3A_347 = arith.maxsi %get3A_344, %max3A_346 : vector<16xi32>
        %min3A_348 = arith.constant 510 : i32
        %min3A_349 = vector.broadcast %min3A_348 : i32 to vector<16xi32>
        %min3A_350 = arith.minsi %max3A_347, %min3A_349 : vector<16xi32>
        %add3A_351 = arith.constant 1 : i32
        %add3A_352 = vector.broadcast %add3A_351 : i32 to vector<16xi32>
        %add3A_353 = arith.addi %min3A_350, %add3A_352 : vector<16xi32>
        %mul3A_354 = arith.constant 16 : i32
        %mul3A_355 = arith.muli %scan3A_339, %mul3A_354 : i32
        %swap3A_356 = arith.index_cast %mul3A_355 : i32 to index
        %swap3A_357 = tpu.vector_load %arg5[%swap3A_356] {strides = array<i32>} : memref<512xi32, #tpu.memory_space<vmem>>, vector<16xi32>,
        %swap3A_358 = vector.shape_cast %swap3A_357 : vector<16xi32> to vector<16xi32>
        %swap3A_359 = vector.shape_cast %add3A_353 : vector<16xi32> to vector<16xi32>
        tpu.vector_store %arg5[%swap3A_356], %swap3A_359 {strides = array<i32>} : memref<512xi32, #tpu.memory_space<vmem>>, vector<16xi32>,
        %scan3A_360 = arith.constant 2 : i32
        %scan3A_361 = arith.addi %scan3A_321, %scan3A_360 : i32
        %mul3A_362 = arith.constant 16 : i32
        %mul3A_363 = arith.muli %scan3A_361, %mul3A_362 : i32
        %get3A_364 = arith.index_cast %mul3A_363 : i32 to index
        %get3A_365 = tpu.vector_load %arg5[%get3A_364] {strides = array<i32>} : memref<512xi32, #tpu.memory_space<vmem>>, vector<16xi32>,
        %get3A_366 = vector.shape_cast %get3A_365 : vector<16xi32> to vector<16xi32>
        %max3A_367 = arith.constant -1 : i32
        %max3A_368 = vector.broadcast %max3A_367 : i32 to vector<16xi32>
        %max3A_369 = arith.maxsi %get3A_366, %max3A_368 : vector<16xi32>
        %min3A_370 = arith.constant 510 : i32
        %min3A_371 = vector.broadcast %min3A_370 : i32 to vector<16xi32>
        %min3A_372 = arith.minsi %max3A_369, %min3A_371 : vector<16xi32>
        %add3A_373 = arith.constant 1 : i32
        %add3A_374 = vector.broadcast %add3A_373 : i32 to vector<16xi32>
        %add3A_375 = arith.addi %min3A_372, %add3A_374 : vector<16xi32>
        %mul3A_376 = arith.constant 16 : i32
        %mul3A_377 = arith.muli %scan3A_361, %mul3A_376 : i32
        %swap3A_378 = arith.index_cast %mul3A_377 : i32 to index
        %swap3A_379 = tpu.vector_load %arg5[%swap3A_378] {strides = array<i32>} : memref<512xi32, #tpu.memory_space<vmem>>, vector<16xi32>,
        %swap3A_380 = vector.shape_cast %swap3A_379 : vector<16xi32> to vector<16xi32>
        %swap3A_381 = vector.shape_cast %add3A_375 : vector<16xi32> to vector<16xi32>
        tpu.vector_store %arg5[%swap3A_378], %swap3A_381 {strides = array<i32>} : memref<512xi32, #tpu.memory_space<vmem>>, vector<16xi32>,
        %scan3A_382 = arith.constant 3 : i32
        %scan3A_383 = arith.addi %scan3A_321, %scan3A_382 : i32
        %mul3A_384 = arith.constant 16 : i32
        %mul3A_385 = arith.muli %scan3A_383, %mul3A_384 : i32
        %get3A_386 = arith.index_cast %mul3A_385 : i32 to index
        %get3A_387 = tpu.vector_load %arg5[%get3A_386] {strides = array<i32>} : memref<512xi32, #tpu.memory_space<vmem>>, vector<16xi32>,
        %get3A_388 = vector.shape_cast %get3A_387 : vector<16xi32> to vector<16xi32>
        %max3A_389 = arith.constant -1 : i32
        %max3A_390 = vector.broadcast %max3A_389 : i32 to vector<16xi32>
        %max3A_391 = arith.maxsi %get3A_388, %max3A_390 : vector<16xi32>
        %min3A_392 = arith.constant 510 : i32
        %min3A_393 = vector.broadcast %min3A_392 : i32 to vector<16xi32>
        %min3A_394 = arith.minsi %max3A_391, %min3A_393 : vector<16xi32>
        %add3A_395 = arith.constant 1 : i32
        %add3A_396 = vector.broadcast %add3A_395 : i32 to vector<16xi32>
        %add3A_397 = arith.addi %min3A_394, %add3A_396 : vector<16xi32>
        %mul3A_398 = arith.constant 16 : i32
        %mul3A_399 = arith.muli %scan3A_383, %mul3A_398 : i32
        %swap3A_400 = arith.index_cast %mul3A_399 : i32 to index
        %swap3A_401 = tpu.vector_load %arg5[%swap3A_400] {strides = array<i32>} : memref<512xi32, #tpu.memory_space<vmem>>, vector<16xi32>,
        %swap3A_402 = vector.shape_cast %swap3A_401 : vector<16xi32> to vector<16xi32>
        %swap3A_403 = vector.shape_cast %add3A_397 : vector<16xi32> to vector<16xi32>
        tpu.vector_store %arg5[%swap3A_400], %swap3A_403 {strides = array<i32>} : memref<512xi32, #tpu.memory_space<vmem>>, vector<16xi32>,
        %scan3A_404 = arith.constant 4 : i32
        %scan3A_405 = arith.addi %scan3A_321, %scan3A_404 : i32
        %mul3A_406 = arith.constant 16 : i32
        %mul3A_407 = arith.muli %scan3A_405, %mul3A_406 : i32
        %get3A_408 = arith.index_cast %mul3A_407 : i32 to index
        %get3A_409 = tpu.vector_load %arg5[%get3A_408] {strides = array<i32>} : memref<512xi32, #tpu.memory_space<vmem>>, vector<16xi32>,
        %get3A_410 = vector.shape_cast %get3A_409 : vector<16xi32> to vector<16xi32>
        %max3A_411 = arith.constant -1 : i32
        %max3A_412 = vector.broadcast %max3A_411 : i32 to vector<16xi32>
        %max3A_413 = arith.maxsi %get3A_410, %max3A_412 : vector<16xi32>
        %min3A_414 = arith.constant 510 : i32
        %min3A_415 = vector.broadcast %min3A_414 : i32 to vector<16xi32>
        %min3A_416 = arith.minsi %max3A_413, %min3A_415 : vector<16xi32>
        %add3A_417 = arith.constant 1 : i32
        %add3A_418 = vector.broadcast %add3A_417 : i32 to vector<16xi32>
        %add3A_419 = arith.addi %min3A_416, %add3A_418 : vector<16xi32>
        %mul3A_420 = arith.constant 16 : i32
        %mul3A_421 = arith.muli %scan3A_405, %mul3A_420 : i32
        %swap3A_422 = arith.index_cast %mul3A_421 : i32 to index
        %swap3A_423 = tpu.vector_load %arg5[%swap3A_422] {strides = array<i32>} : memref<512xi32, #tpu.memory_space<vmem>>, vector<16xi32>,
        %swap3A_424 = vector.shape_cast %swap3A_423 : vector<16xi32> to vector<16xi32>
        %swap3A_425 = vector.shape_cast %add3A_419 : vector<16xi32> to vector<16xi32>
        tpu.vector_store %arg5[%swap3A_422], %swap3A_425 {strides = array<i32>} : memref<512xi32, #tpu.memory_space<vmem>>, vector<16xi32>,
        %scan3A_426 = arith.constant 5 : i32
        %scan3A_427 = arith.addi %scan3A_321, %scan3A_426 : i32
        %mul3A_428 = arith.constant 16 : i32
        %mul3A_429 = arith.muli %scan3A_427, %mul3A_428 : i32
        %get3A_430 = arith.index_cast %mul3A_429 : i32 to index
        %get3A_431 = tpu.vector_load %arg5[%get3A_430] {strides = array<i32>} : memref<512xi32, #tpu.memory_space<vmem>>, vector<16xi32>,
        %get3A_432 = vector.shape_cast %get3A_431 : vector<16xi32> to vector<16xi32>
        %max3A_433 = arith.constant -1 : i32
        %max3A_434 = vector.broadcast %max3A_433 : i32 to vector<16xi32>
        %max3A_435 = arith.maxsi %get3A_432, %max3A_434 : vector<16xi32>
        %min3A_436 = arith.constant 510 : i32
        %min3A_437 = vector.broadcast %min3A_436 : i32 to vector<16xi32>
        %min3A_438 = arith.minsi %max3A_435, %min3A_437 : vector<16xi32>
        %add3A_439 = arith.constant 1 : i32
        %add3A_440 = vector.broadcast %add3A_439 : i32 to vector<16xi32>
        %add3A_441 = arith.addi %min3A_438, %add3A_440 : vector<16xi32>
        %mul3A_442 = arith.constant 16 : i32
        %mul3A_443 = arith.muli %scan3A_427, %mul3A_442 : i32
        %swap3A_444 = arith.index_cast %mul3A_443 : i32 to index
        %swap3A_445 = tpu.vector_load %arg5[%swap3A_444] {strides = array<i32>} : memref<512xi32, #tpu.memory_space<vmem>>, vector<16xi32>,
        %swap3A_446 = vector.shape_cast %swap3A_445 : vector<16xi32> to vector<16xi32>
        %swap3A_447 = vector.shape_cast %add3A_441 : vector<16xi32> to vector<16xi32>
        tpu.vector_store %arg5[%swap3A_444], %swap3A_447 {strides = array<i32>} : memref<512xi32, #tpu.memory_space<vmem>>, vector<16xi32>,
        %scan3A_448 = arith.constant 6 : i32
        %scan3A_449 = arith.addi %scan3A_321, %scan3A_448 : i32
        %mul3A_450 = arith.constant 16 : i32
        %mul3A_451 = arith.muli %scan3A_449, %mul3A_450 : i32
        %get3A_452 = arith.index_cast %mul3A_451 : i32 to index
        %get3A_453 = tpu.vector_load %arg5[%get3A_452] {strides = array<i32>} : memref<512xi32, #tpu.memory_space<vmem>>, vector<16xi32>,
        %get3A_454 = vector.shape_cast %get3A_453 : vector<16xi32> to vector<16xi32>
        %max3A_455 = arith.constant -1 : i32
        %max3A_456 = vector.broadcast %max3A_455 : i32 to vector<16xi32>
        %max3A_457 = arith.maxsi %get3A_454, %max3A_456 : vector<16xi32>
        %min3A_458 = arith.constant 510 : i32
        %min3A_459 = vector.broadcast %min3A_458 : i32 to vector<16xi32>
        %min3A_460 = arith.minsi %max3A_457, %min3A_459 : vector<16xi32>
        %add3A_461 = arith.constant 1 : i32
        %add3A_462 = vector.broadcast %add3A_461 : i32 to vector<16xi32>
        %add3A_463 = arith.addi %min3A_460, %add3A_462 : vector<16xi32>
        %mul3A_464 = arith.constant 16 : i32
        %mul3A_465 = arith.muli %scan3A_449, %mul3A_464 : i32
        %swap3A_466 = arith.index_cast %mul3A_465 : i32 to index
        %swap3A_467 = tpu.vector_load %arg5[%swap3A_466] {strides = array<i32>} : memref<512xi32, #tpu.memory_space<vmem>>, vector<16xi32>,
        %swap3A_468 = vector.shape_cast %swap3A_467 : vector<16xi32> to vector<16xi32>
        %swap3A_469 = vector.shape_cast %add3A_463 : vector<16xi32> to vector<16xi32>
        tpu.vector_store %arg5[%swap3A_466], %swap3A_469 {strides = array<i32>} : memref<512xi32, #tpu.memory_space<vmem>>, vector<16xi32>,
        %scan3A_470 = arith.constant 7 : i32
        %scan3A_471 = arith.addi %scan3A_321, %scan3A_470 : i32
        %mul3A_472 = arith.constant 16 : i32
        %mul3A_473 = arith.muli %scan3A_471, %mul3A_472 : i32
        %get3A_474 = arith.index_cast %mul3A_473 : i32 to index
        %get3A_475 = tpu.vector_load %arg5[%get3A_474] {strides = array<i32>} : memref<512xi32, #tpu.memory_space<vmem>>, vector<16xi32>,
        %get3A_476 = vector.shape_cast %get3A_475 : vector<16xi32> to vector<16xi32>
        %max3A_477 = arith.constant -1 : i32
        %max3A_478 = vector.broadcast %max3A_477 : i32 to vector<16xi32>
        %max3A_479 = arith.maxsi %get3A_476, %max3A_478 : vector<16xi32>
        %min3A_480 = arith.constant 510 : i32
        %min3A_481 = vector.broadcast %min3A_480 : i32 to vector<16xi32>
        %min3A_482 = arith.minsi %max3A_479, %min3A_481 : vector<16xi32>
        %add3A_483 = arith.constant 1 : i32
        %add3A_484 = vector.broadcast %add3A_483 : i32 to vector<16xi32>
        %add3A_485 = arith.addi %min3A_482, %add3A_484 : vector<16xi32>
        %mul3A_486 = arith.constant 16 : i32
        %mul3A_487 = arith.muli %scan3A_471, %mul3A_486 : i32
        %swap3A_488 = arith.index_cast %mul3A_487 : i32 to index
        %swap3A_489 = tpu.vector_load %arg5[%swap3A_488] {strides = array<i32>} : memref<512xi32, #tpu.memory_space<vmem>>, vector<16xi32>,
        %swap3A_490 = vector.shape_cast %swap3A_489 : vector<16xi32> to vector<16xi32>
        %swap3A_491 = vector.shape_cast %add3A_485 : vector<16xi32> to vector<16xi32>
        tpu.vector_store %arg5[%swap3A_488], %swap3A_491 {strides = array<i32>} : memref<512xi32, #tpu.memory_space<vmem>>, vector<16xi32>,
      }
      %scan3A_112 = arith.constant 32 : i32
      %ge3A = arith.constant 8 : i32
      %ge3A_113 = arith.cmpi sge, %add3A_101, %ge3A : i32
      %convert_element_type3A_114 = arith.extui %ge3A_113 : i1 to i32
      %cond3A_115 = arith.constant 0 : i32
      %cond3A_116 = arith.cmpi ne, %convert_element_type3A_114, %cond3A_115 : i32
      scf.if %cond3A_116 {
        %sub3A = arith.constant 8 : i32
        %sub3A_321 = arith.subi %add3A_101, %sub3A : i32
        %mul3A_322 = arith.constant 512 : i32
        %mul3A_323 = arith.muli %sub3A_321, %mul3A_322 : i32
        %add3A_324 = arith.addi %mul3A_2, %mul3A_323 : i32
        %dma_wait3A_325 = arith.constant 0 : i32
        %dma_wait3A_326 = tpu.memref_slice %arg4[%add3A_324, %dma_wait3A_325] : memref<2097152x16xf32, #tpu.memory_space<hbm>> -> memref<512x16xf32, #tpu.memory_space<hbm>>
        %dma_wait3A_327 = arith.constant 0 : i32
        %dma_wait3A_328 = tpu.memref_slice %arg4[%add3A_324, %dma_wait3A_327] : memref<2097152x16xf32, #tpu.memory_space<hbm>> -> memref<512x16xf32, #tpu.memory_space<hbm>>
        tpu.wait_dma2 semaphore(%arg38 : memref<!tpu.dma_semaphore, #tpu.memory_space<semaphore_mem>>) src(%arg13 : memref<512x16xf32, #tpu.memory_space<vmem>>) dst(%dma_wait3A_328 : memref<512x16xf32, #tpu.memory_space<hbm>>)
      } else {
      }
      %dma_start3A_117 = arith.constant 0 : i32
      %dma_start3A_118 = arith.constant 0 : i32
      %dma_start3A_119 = tpu.memref_slice %arg21[%dma_start3A_117, %dma_start3A_118] : memref<512x16xf32, #tpu.memory_space<vmem_shared>> -> memref<512x16xf32, #tpu.memory_space<vmem_shared>>
      tpu.enqueue_indirect_dma source(%dma_start3A_119 : memref<512x16xf32, #tpu.memory_space<vmem_shared>>) target(%arg13 : memref<512x16xf32, #tpu.memory_space<vmem>>) offsets(%arg5 : memref<512xi32, #tpu.memory_space<vmem>>) semaphore(%arg30 : memref<!tpu.dma_semaphore, #tpu.memory_space<semaphore_mem>>)
      %ge3A_120 = arith.constant 1 : i32
      %ge3A_121 = arith.cmpi sge, %add3A_101, %ge3A_120 : i32
      %convert_element_type3A_122 = arith.extui %ge3A_121 : i1 to i32
      %cond3A_123 = arith.constant 0 : i32
      %cond3A_124 = arith.cmpi ne, %convert_element_type3A_122, %cond3A_123 : i32
      scf.if %cond3A_124 {
        %dma_wait3A_321 = arith.constant 0 : i32
        %dma_wait3A_322 = arith.constant 0 : i32
        %dma_wait3A_323 = tpu.memref_slice %arg21[%dma_wait3A_321, %dma_wait3A_322] : memref<512x16xf32, #tpu.memory_space<vmem_shared>> -> memref<512x16xf32, #tpu.memory_space<vmem_shared>>
        tpu.wait_indirect_dma semaphore(%arg37 : memref<!tpu.dma_semaphore, #tpu.memory_space<semaphore_mem>>) src(%dma_wait3A_323 : memref<512x16xf32, #tpu.memory_space<vmem_shared>>) dst(%arg20 : memref<512x16xf32, #tpu.memory_space<vmem>>)
        %sub3A = arith.constant 1 : i32
        %sub3A_324 = arith.subi %add3A_101, %sub3A : i32
        %mul3A_325 = arith.constant 512 : i32
        %mul3A_326 = arith.muli %sub3A_324, %mul3A_325 : i32
        %add3A_327 = arith.addi %mul3A_2, %mul3A_326 : i32
        %dma_start3A_328 = arith.constant 0 : i32
        %dma_start3A_329 = tpu.memref_slice %arg4[%add3A_327, %dma_start3A_328] : memref<2097152x16xf32, #tpu.memory_space<hbm>> -> memref<512x16xf32, #tpu.memory_space<hbm>>
        %dma_start3A_330 = arith.constant 0 : i32
        %dma_start3A_331 = tpu.memref_slice %arg4[%add3A_327, %dma_start3A_330] : memref<2097152x16xf32, #tpu.memory_space<hbm>> -> memref<512x16xf32, #tpu.memory_space<hbm>>
        tpu.enqueue_dma source(%arg20 : memref<512x16xf32, #tpu.memory_space<vmem>>) target(%dma_start3A_331 : memref<512x16xf32, #tpu.memory_space<hbm>>) target_semaphore(%arg45 : memref<!tpu.dma_semaphore, #tpu.memory_space<semaphore_mem>>)
        %add3A_332 = arith.constant 8 : i32
        %add3A_333 = arith.addi %add3A_101, %add3A_332 : i32
        %sub3A_334 = arith.constant 1 : i32
        %sub3A_335 = arith.subi %add3A_333, %sub3A_334 : i32
        %lt3A = arith.constant 128 : i32
        %lt3A_336 = arith.cmpi slt, %sub3A_335, %lt3A : i32
        %convert_element_type3A_337 = arith.extui %lt3A_336 : i1 to i32
        %cond3A_338 = arith.constant 0 : i32
        %cond3A_339 = arith.cmpi ne, %convert_element_type3A_337, %cond3A_338 : i32
        scf.if %cond3A_339 {
          %add3A_340 = arith.constant 8 : i32
          %add3A_341 = arith.addi %add3A_101, %add3A_340 : i32
          %sub3A_342 = arith.constant 1 : i32
          %sub3A_343 = arith.subi %add3A_341, %sub3A_342 : i32
          %mul3A_344 = arith.constant 512 : i32
          %mul3A_345 = arith.muli %sub3A_343, %mul3A_344 : i32
          %add3A_346 = arith.addi %mul3A_2, %mul3A_345 : i32
          %dma_start3A_347 = tpu.memref_slice %arg3[%add3A_346] : memref<2097152xi32, #tpu.memory_space<hbm>> -> memref<512xi32, #tpu.memory_space<hbm>>
          %dma_start3A_348 = tpu.memref_slice %arg3[%add3A_346] : memref<2097152xi32, #tpu.memory_space<hbm>> -> memref<512xi32, #tpu.memory_space<hbm>>
          tpu.enqueue_dma source(%dma_start3A_348 : memref<512xi32, #tpu.memory_space<hbm>>) target(%arg12 : memref<512xi32, #tpu.memory_space<vmem>>) target_semaphore(%arg29 : memref<!tpu.dma_semaphore, #tpu.memory_space<semaphore_mem>>)
        } else {
        }
      } else {
      }
      %mul3A_125 = arith.constant 8 : i32
      %mul3A_126 = arith.muli %scan3A_97, %mul3A_125 : i32
      %add3A_127 = arith.constant 1 : i32
      %add3A_128 = arith.addi %mul3A_126, %add3A_127 : i32
      %mul3A_129 = arith.constant 512 : i32
      %mul3A_130 = arith.muli %add3A_128, %mul3A_129 : i32
      %add3A_131 = arith.addi %mul3A_2, %mul3A_130 : i32
      %dma_wait3A_132 = tpu.memref_slice %arg3[%add3A_131] : memref<2097152xi32, #tpu.memory_space<hbm>> -> memref<512xi32, #tpu.memory_space<hbm>>
      %dma_wait3A_133 = tpu.memref_slice %arg3[%add3A_131] : memref<2097152xi32, #tpu.memory_space<hbm>> -> memref<512xi32, #tpu.memory_space<hbm>>
      tpu.wait_dma2 semaphore(%arg23 : memref<!tpu.dma_semaphore, #tpu.memory_space<semaphore_mem>>) src(%dma_wait3A_133 : memref<512xi32, #tpu.memory_space<hbm>>) dst(%arg6 : memref<512xi32, #tpu.memory_space<vmem>>)
      %scan3A_134 = arith.constant 0 : i32
      %scan3A_135 = arith.constant 0 : i32
      %scan3A_136 = arith.constant 32 : i32
      %scan3A_137 = arith.addi %scan3A_135, %scan3A_136 : i32
      %scan3A_138 = arith.constant 8 : i32
      scf.for %scan3A_321 = %scan3A_135 to %scan3A_137 step %scan3A_138  : i32 {
        %mul3A_322 = arith.constant 16 : i32
        %mul3A_323 = arith.muli %scan3A_321, %mul3A_322 : i32
        %get3A = arith.index_cast %mul3A_323 : i32 to index
        %get3A_324 = tpu.vector_load %arg6[%get3A] {strides = array<i32>} : memref<512xi32, #tpu.memory_space<vmem>>, vector<16xi32>,
        %get3A_325 = vector.shape_cast %get3A_324 : vector<16xi32> to vector<16xi32>
        %max3A = arith.constant -1 : i32
        %max3A_326 = vector.broadcast %max3A : i32 to vector<16xi32>
        %max3A_327 = arith.maxsi %get3A_325, %max3A_326 : vector<16xi32>
        %min3A = arith.constant 510 : i32
        %min3A_328 = vector.broadcast %min3A : i32 to vector<16xi32>
        %min3A_329 = arith.minsi %max3A_327, %min3A_328 : vector<16xi32>
        %add3A_330 = arith.constant 1 : i32
        %add3A_331 = vector.broadcast %add3A_330 : i32 to vector<16xi32>
        %add3A_332 = arith.addi %min3A_329, %add3A_331 : vector<16xi32>
        %mul3A_333 = arith.constant 16 : i32
        %mul3A_334 = arith.muli %scan3A_321, %mul3A_333 : i32
        %swap3A = arith.index_cast %mul3A_334 : i32 to index
        %swap3A_335 = tpu.vector_load %arg6[%swap3A] {strides = array<i32>} : memref<512xi32, #tpu.memory_space<vmem>>, vector<16xi32>,
        %swap3A_336 = vector.shape_cast %swap3A_335 : vector<16xi32> to vector<16xi32>
        %swap3A_337 = vector.shape_cast %add3A_332 : vector<16xi32> to vector<16xi32>
        tpu.vector_store %arg6[%swap3A], %swap3A_337 {strides = array<i32>} : memref<512xi32, #tpu.memory_space<vmem>>, vector<16xi32>,
        %scan3A_338 = arith.constant 1 : i32
        %scan3A_339 = arith.addi %scan3A_321, %scan3A_338 : i32
        %mul3A_340 = arith.constant 16 : i32
        %mul3A_341 = arith.muli %scan3A_339, %mul3A_340 : i32
        %get3A_342 = arith.index_cast %mul3A_341 : i32 to index
        %get3A_343 = tpu.vector_load %arg6[%get3A_342] {strides = array<i32>} : memref<512xi32, #tpu.memory_space<vmem>>, vector<16xi32>,
        %get3A_344 = vector.shape_cast %get3A_343 : vector<16xi32> to vector<16xi32>
        %max3A_345 = arith.constant -1 : i32
        %max3A_346 = vector.broadcast %max3A_345 : i32 to vector<16xi32>
        %max3A_347 = arith.maxsi %get3A_344, %max3A_346 : vector<16xi32>
        %min3A_348 = arith.constant 510 : i32
        %min3A_349 = vector.broadcast %min3A_348 : i32 to vector<16xi32>
        %min3A_350 = arith.minsi %max3A_347, %min3A_349 : vector<16xi32>
        %add3A_351 = arith.constant 1 : i32
        %add3A_352 = vector.broadcast %add3A_351 : i32 to vector<16xi32>
        %add3A_353 = arith.addi %min3A_350, %add3A_352 : vector<16xi32>
        %mul3A_354 = arith.constant 16 : i32
        %mul3A_355 = arith.muli %scan3A_339, %mul3A_354 : i32
        %swap3A_356 = arith.index_cast %mul3A_355 : i32 to index
        %swap3A_357 = tpu.vector_load %arg6[%swap3A_356] {strides = array<i32>} : memref<512xi32, #tpu.memory_space<vmem>>, vector<16xi32>,
        %swap3A_358 = vector.shape_cast %swap3A_357 : vector<16xi32> to vector<16xi32>
        %swap3A_359 = vector.shape_cast %add3A_353 : vector<16xi32> to vector<16xi32>
        tpu.vector_store %arg6[%swap3A_356], %swap3A_359 {strides = array<i32>} : memref<512xi32, #tpu.memory_space<vmem>>, vector<16xi32>,
        %scan3A_360 = arith.constant 2 : i32
        %scan3A_361 = arith.addi %scan3A_321, %scan3A_360 : i32
        %mul3A_362 = arith.constant 16 : i32
        %mul3A_363 = arith.muli %scan3A_361, %mul3A_362 : i32
        %get3A_364 = arith.index_cast %mul3A_363 : i32 to index
        %get3A_365 = tpu.vector_load %arg6[%get3A_364] {strides = array<i32>} : memref<512xi32, #tpu.memory_space<vmem>>, vector<16xi32>,
        %get3A_366 = vector.shape_cast %get3A_365 : vector<16xi32> to vector<16xi32>
        %max3A_367 = arith.constant -1 : i32
        %max3A_368 = vector.broadcast %max3A_367 : i32 to vector<16xi32>
        %max3A_369 = arith.maxsi %get3A_366, %max3A_368 : vector<16xi32>
        %min3A_370 = arith.constant 510 : i32
        %min3A_371 = vector.broadcast %min3A_370 : i32 to vector<16xi32>
        %min3A_372 = arith.minsi %max3A_369, %min3A_371 : vector<16xi32>
        %add3A_373 = arith.constant 1 : i32
        %add3A_374 = vector.broadcast %add3A_373 : i32 to vector<16xi32>
        %add3A_375 = arith.addi %min3A_372, %add3A_374 : vector<16xi32>
        %mul3A_376 = arith.constant 16 : i32
        %mul3A_377 = arith.muli %scan3A_361, %mul3A_376 : i32
        %swap3A_378 = arith.index_cast %mul3A_377 : i32 to index
        %swap3A_379 = tpu.vector_load %arg6[%swap3A_378] {strides = array<i32>} : memref<512xi32, #tpu.memory_space<vmem>>, vector<16xi32>,
        %swap3A_380 = vector.shape_cast %swap3A_379 : vector<16xi32> to vector<16xi32>
        %swap3A_381 = vector.shape_cast %add3A_375 : vector<16xi32> to vector<16xi32>
        tpu.vector_store %arg6[%swap3A_378], %swap3A_381 {strides = array<i32>} : memref<512xi32, #tpu.memory_space<vmem>>, vector<16xi32>,
        %scan3A_382 = arith.constant 3 : i32
        %scan3A_383 = arith.addi %scan3A_321, %scan3A_382 : i32
        %mul3A_384 = arith.constant 16 : i32
        %mul3A_385 = arith.muli %scan3A_383, %mul3A_384 : i32
        %get3A_386 = arith.index_cast %mul3A_385 : i32 to index
        %get3A_387 = tpu.vector_load %arg6[%get3A_386] {strides = array<i32>} : memref<512xi32, #tpu.memory_space<vmem>>, vector<16xi32>,
        %get3A_388 = vector.shape_cast %get3A_387 : vector<16xi32> to vector<16xi32>
        %max3A_389 = arith.constant -1 : i32
        %max3A_390 = vector.broadcast %max3A_389 : i32 to vector<16xi32>
        %max3A_391 = arith.maxsi %get3A_388, %max3A_390 : vector<16xi32>
        %min3A_392 = arith.constant 510 : i32
        %min3A_393 = vector.broadcast %min3A_392 : i32 to vector<16xi32>
        %min3A_394 = arith.minsi %max3A_391, %min3A_393 : vector<16xi32>
        %add3A_395 = arith.constant 1 : i32
        %add3A_396 = vector.broadcast %add3A_395 : i32 to vector<16xi32>
        %add3A_397 = arith.addi %min3A_394, %add3A_396 : vector<16xi32>
        %mul3A_398 = arith.constant 16 : i32
        %mul3A_399 = arith.muli %scan3A_383, %mul3A_398 : i32
        %swap3A_400 = arith.index_cast %mul3A_399 : i32 to index
        %swap3A_401 = tpu.vector_load %arg6[%swap3A_400] {strides = array<i32>} : memref<512xi32, #tpu.memory_space<vmem>>, vector<16xi32>,
        %swap3A_402 = vector.shape_cast %swap3A_401 : vector<16xi32> to vector<16xi32>
        %swap3A_403 = vector.shape_cast %add3A_397 : vector<16xi32> to vector<16xi32>
        tpu.vector_store %arg6[%swap3A_400], %swap3A_403 {strides = array<i32>} : memref<512xi32, #tpu.memory_space<vmem>>, vector<16xi32>,
        %scan3A_404 = arith.constant 4 : i32
        %scan3A_405 = arith.addi %scan3A_321, %scan3A_404 : i32
        %mul3A_406 = arith.constant 16 : i32
        %mul3A_407 = arith.muli %scan3A_405, %mul3A_406 : i32
        %get3A_408 = arith.index_cast %mul3A_407 : i32 to index
        %get3A_409 = tpu.vector_load %arg6[%get3A_408] {strides = array<i32>} : memref<512xi32, #tpu.memory_space<vmem>>, vector<16xi32>,
        %get3A_410 = vector.shape_cast %get3A_409 : vector<16xi32> to vector<16xi32>
        %max3A_411 = arith.constant -1 : i32
        %max3A_412 = vector.broadcast %max3A_411 : i32 to vector<16xi32>
        %max3A_413 = arith.maxsi %get3A_410, %max3A_412 : vector<16xi32>
        %min3A_414 = arith.constant 510 : i32
        %min3A_415 = vector.broadcast %min3A_414 : i32 to vector<16xi32>
        %min3A_416 = arith.minsi %max3A_413, %min3A_415 : vector<16xi32>
        %add3A_417 = arith.constant 1 : i32
        %add3A_418 = vector.broadcast %add3A_417 : i32 to vector<16xi32>
        %add3A_419 = arith.addi %min3A_416, %add3A_418 : vector<16xi32>
        %mul3A_420 = arith.constant 16 : i32
        %mul3A_421 = arith.muli %scan3A_405, %mul3A_420 : i32
        %swap3A_422 = arith.index_cast %mul3A_421 : i32 to index
        %swap3A_423 = tpu.vector_load %arg6[%swap3A_422] {strides = array<i32>} : memref<512xi32, #tpu.memory_space<vmem>>, vector<16xi32>,
        %swap3A_424 = vector.shape_cast %swap3A_423 : vector<16xi32> to vector<16xi32>
        %swap3A_425 = vector.shape_cast %add3A_419 : vector<16xi32> to vector<16xi32>
        tpu.vector_store %arg6[%swap3A_422], %swap3A_425 {strides = array<i32>} : memref<512xi32, #tpu.memory_space<vmem>>, vector<16xi32>,
        %scan3A_426 = arith.constant 5 : i32
        %scan3A_427 = arith.addi %scan3A_321, %scan3A_426 : i32
        %mul3A_428 = arith.constant 16 : i32
        %mul3A_429 = arith.muli %scan3A_427, %mul3A_428 : i32
        %get3A_430 = arith.index_cast %mul3A_429 : i32 to index
        %get3A_431 = tpu.vector_load %arg6[%get3A_430] {strides = array<i32>} : memref<512xi32, #tpu.memory_space<vmem>>, vector<16xi32>,
        %get3A_432 = vector.shape_cast %get3A_431 : vector<16xi32> to vector<16xi32>
        %max3A_433 = arith.constant -1 : i32
        %max3A_434 = vector.broadcast %max3A_433 : i32 to vector<16xi32>
        %max3A_435 = arith.maxsi %get3A_432, %max3A_434 : vector<16xi32>
        %min3A_436 = arith.constant 510 : i32
        %min3A_437 = vector.broadcast %min3A_436 : i32 to vector<16xi32>
        %min3A_438 = arith.minsi %max3A_435, %min3A_437 : vector<16xi32>
        %add3A_439 = arith.constant 1 : i32
        %add3A_440 = vector.broadcast %add3A_439 : i32 to vector<16xi32>
        %add3A_441 = arith.addi %min3A_438, %add3A_440 : vector<16xi32>
        %mul3A_442 = arith.constant 16 : i32
        %mul3A_443 = arith.muli %scan3A_427, %mul3A_442 : i32
        %swap3A_444 = arith.index_cast %mul3A_443 : i32 to index
        %swap3A_445 = tpu.vector_load %arg6[%swap3A_444] {strides = array<i32>} : memref<512xi32, #tpu.memory_space<vmem>>, vector<16xi32>,
        %swap3A_446 = vector.shape_cast %swap3A_445 : vector<16xi32> to vector<16xi32>
        %swap3A_447 = vector.shape_cast %add3A_441 : vector<16xi32> to vector<16xi32>
        tpu.vector_store %arg6[%swap3A_444], %swap3A_447 {strides = array<i32>} : memref<512xi32, #tpu.memory_space<vmem>>, vector<16xi32>,
        %scan3A_448 = arith.constant 6 : i32
        %scan3A_449 = arith.addi %scan3A_321, %scan3A_448 : i32
        %mul3A_450 = arith.constant 16 : i32
        %mul3A_451 = arith.muli %scan3A_449, %mul3A_450 : i32
        %get3A_452 = arith.index_cast %mul3A_451 : i32 to index
        %get3A_453 = tpu.vector_load %arg6[%get3A_452] {strides = array<i32>} : memref<512xi32, #tpu.memory_space<vmem>>, vector<16xi32>,
        %get3A_454 = vector.shape_cast %get3A_453 : vector<16xi32> to vector<16xi32>
        %max3A_455 = arith.constant -1 : i32
        %max3A_456 = vector.broadcast %max3A_455 : i32 to vector<16xi32>
        %max3A_457 = arith.maxsi %get3A_454, %max3A_456 : vector<16xi32>
        %min3A_458 = arith.constant 510 : i32
        %min3A_459 = vector.broadcast %min3A_458 : i32 to vector<16xi32>
        %min3A_460 = arith.minsi %max3A_457, %min3A_459 : vector<16xi32>
        %add3A_461 = arith.constant 1 : i32
        %add3A_462 = vector.broadcast %add3A_461 : i32 to vector<16xi32>
        %add3A_463 = arith.addi %min3A_460, %add3A_462 : vector<16xi32>
        %mul3A_464 = arith.constant 16 : i32
        %mul3A_465 = arith.muli %scan3A_449, %mul3A_464 : i32
        %swap3A_466 = arith.index_cast %mul3A_465 : i32 to index
        %swap3A_467 = tpu.vector_load %arg6[%swap3A_466] {strides = array<i32>} : memref<512xi32, #tpu.memory_space<vmem>>, vector<16xi32>,
        %swap3A_468 = vector.shape_cast %swap3A_467 : vector<16xi32> to vector<16xi32>
        %swap3A_469 = vector.shape_cast %add3A_463 : vector<16xi32> to vector<16xi32>
        tpu.vector_store %arg6[%swap3A_466], %swap3A_469 {strides = array<i32>} : memref<512xi32, #tpu.memory_space<vmem>>, vector<16xi32>,
        %scan3A_470 = arith.constant 7 : i32
        %scan3A_471 = arith.addi %scan3A_321, %scan3A_470 : i32
        %mul3A_472 = arith.constant 16 : i32
        %mul3A_473 = arith.muli %scan3A_471, %mul3A_472 : i32
        %get3A_474 = arith.index_cast %mul3A_473 : i32 to index
        %get3A_475 = tpu.vector_load %arg6[%get3A_474] {strides = array<i32>} : memref<512xi32, #tpu.memory_space<vmem>>, vector<16xi32>,
        %get3A_476 = vector.shape_cast %get3A_475 : vector<16xi32> to vector<16xi32>
        %max3A_477 = arith.constant -1 : i32
        %max3A_478 = vector.broadcast %max3A_477 : i32 to vector<16xi32>
        %max3A_479 = arith.maxsi %get3A_476, %max3A_478 : vector<16xi32>
        %min3A_480 = arith.constant 510 : i32
        %min3A_481 = vector.broadcast %min3A_480 : i32 to vector<16xi32>
        %min3A_482 = arith.minsi %max3A_479, %min3A_481 : vector<16xi32>
        %add3A_483 = arith.constant 1 : i32
        %add3A_484 = vector.broadcast %add3A_483 : i32 to vector<16xi32>
        %add3A_485 = arith.addi %min3A_482, %add3A_484 : vector<16xi32>
        %mul3A_486 = arith.constant 16 : i32
        %mul3A_487 = arith.muli %scan3A_471, %mul3A_486 : i32
        %swap3A_488 = arith.index_cast %mul3A_487 : i32 to index
        %swap3A_489 = tpu.vector_load %arg6[%swap3A_488] {strides = array<i32>} : memref<512xi32, #tpu.memory_space<vmem>>, vector<16xi32>,
        %swap3A_490 = vector.shape_cast %swap3A_489 : vector<16xi32> to vector<16xi32>
        %swap3A_491 = vector.shape_cast %add3A_485 : vector<16xi32> to vector<16xi32>
        tpu.vector_store %arg6[%swap3A_488], %swap3A_491 {strides = array<i32>} : memref<512xi32, #tpu.memory_space<vmem>>, vector<16xi32>,
      }
      %scan3A_139 = arith.constant 32 : i32
      %ge3A_140 = arith.constant 8 : i32
      %ge3A_141 = arith.cmpi sge, %add3A_128, %ge3A_140 : i32
      %convert_element_type3A_142 = arith.extui %ge3A_141 : i1 to i32
      %cond3A_143 = arith.constant 0 : i32
      %cond3A_144 = arith.cmpi ne, %convert_element_type3A_142, %cond3A_143 : i32
      scf.if %cond3A_144 {
        %sub3A = arith.constant 8 : i32
        %sub3A_321 = arith.subi %add3A_128, %sub3A : i32
        %mul3A_322 = arith.constant 512 : i32
        %mul3A_323 = arith.muli %sub3A_321, %mul3A_322 : i32
        %add3A_324 = arith.addi %mul3A_2, %mul3A_323 : i32
        %dma_wait3A_325 = arith.constant 0 : i32
        %dma_wait3A_326 = tpu.memref_slice %arg4[%add3A_324, %dma_wait3A_325] : memref<2097152x16xf32, #tpu.memory_space<hbm>> -> memref<512x16xf32, #tpu.memory_space<hbm>>
        %dma_wait3A_327 = arith.constant 0 : i32
        %dma_wait3A_328 = tpu.memref_slice %arg4[%add3A_324, %dma_wait3A_327] : memref<2097152x16xf32, #tpu.memory_space<hbm>> -> memref<512x16xf32, #tpu.memory_space<hbm>>
        tpu.wait_dma2 semaphore(%arg39 : memref<!tpu.dma_semaphore, #tpu.memory_space<semaphore_mem>>) src(%arg14 : memref<512x16xf32, #tpu.memory_space<vmem>>) dst(%dma_wait3A_328 : memref<512x16xf32, #tpu.memory_space<hbm>>)
      } else {
      }
      %dma_start3A_145 = arith.constant 0 : i32
      %dma_start3A_146 = arith.constant 0 : i32
      %dma_start3A_147 = tpu.memref_slice %arg21[%dma_start3A_145, %dma_start3A_146] : memref<512x16xf32, #tpu.memory_space<vmem_shared>> -> memref<512x16xf32, #tpu.memory_space<vmem_shared>>
      tpu.enqueue_indirect_dma source(%dma_start3A_147 : memref<512x16xf32, #tpu.memory_space<vmem_shared>>) target(%arg14 : memref<512x16xf32, #tpu.memory_space<vmem>>) offsets(%arg6 : memref<512xi32, #tpu.memory_space<vmem>>) semaphore(%arg31 : memref<!tpu.dma_semaphore, #tpu.memory_space<semaphore_mem>>)
      %ge3A_148 = arith.constant 1 : i32
      %ge3A_149 = arith.cmpi sge, %add3A_128, %ge3A_148 : i32
      %convert_element_type3A_150 = arith.extui %ge3A_149 : i1 to i32
      %cond3A_151 = arith.constant 0 : i32
      %cond3A_152 = arith.cmpi ne, %convert_element_type3A_150, %cond3A_151 : i32
      scf.if %cond3A_152 {
        %dma_wait3A_321 = arith.constant 0 : i32
        %dma_wait3A_322 = arith.constant 0 : i32
        %dma_wait3A_323 = tpu.memref_slice %arg21[%dma_wait3A_321, %dma_wait3A_322] : memref<512x16xf32, #tpu.memory_space<vmem_shared>> -> memref<512x16xf32, #tpu.memory_space<vmem_shared>>
        tpu.wait_indirect_dma semaphore(%arg30 : memref<!tpu.dma_semaphore, #tpu.memory_space<semaphore_mem>>) src(%dma_wait3A_323 : memref<512x16xf32, #tpu.memory_space<vmem_shared>>) dst(%arg13 : memref<512x16xf32, #tpu.memory_space<vmem>>)
        %sub3A = arith.constant 1 : i32
        %sub3A_324 = arith.subi %add3A_128, %sub3A : i32
        %mul3A_325 = arith.constant 512 : i32
        %mul3A_326 = arith.muli %sub3A_324, %mul3A_325 : i32
        %add3A_327 = arith.addi %mul3A_2, %mul3A_326 : i32
        %dma_start3A_328 = arith.constant 0 : i32
        %dma_start3A_329 = tpu.memref_slice %arg4[%add3A_327, %dma_start3A_328] : memref<2097152x16xf32, #tpu.memory_space<hbm>> -> memref<512x16xf32, #tpu.memory_space<hbm>>
        %dma_start3A_330 = arith.constant 0 : i32
        %dma_start3A_331 = tpu.memref_slice %arg4[%add3A_327, %dma_start3A_330] : memref<2097152x16xf32, #tpu.memory_space<hbm>> -> memref<512x16xf32, #tpu.memory_space<hbm>>
        tpu.enqueue_dma source(%arg13 : memref<512x16xf32, #tpu.memory_space<vmem>>) target(%dma_start3A_331 : memref<512x16xf32, #tpu.memory_space<hbm>>) target_semaphore(%arg38 : memref<!tpu.dma_semaphore, #tpu.memory_space<semaphore_mem>>)
        %add3A_332 = arith.constant 8 : i32
        %add3A_333 = arith.addi %add3A_128, %add3A_332 : i32
        %sub3A_334 = arith.constant 1 : i32
        %sub3A_335 = arith.subi %add3A_333, %sub3A_334 : i32
        %lt3A = arith.constant 128 : i32
        %lt3A_336 = arith.cmpi slt, %sub3A_335, %lt3A : i32
        %convert_element_type3A_337 = arith.extui %lt3A_336 : i1 to i32
        %cond3A_338 = arith.constant 0 : i32
        %cond3A_339 = arith.cmpi ne, %convert_element_type3A_337, %cond3A_338 : i32
        scf.if %cond3A_339 {
          %add3A_340 = arith.constant 8 : i32
          %add3A_341 = arith.addi %add3A_128, %add3A_340 : i32
          %sub3A_342 = arith.constant 1 : i32
          %sub3A_343 = arith.subi %add3A_341, %sub3A_342 : i32
          %mul3A_344 = arith.constant 512 : i32
          %mul3A_345 = arith.muli %sub3A_343, %mul3A_344 : i32
          %add3A_346 = arith.addi %mul3A_2, %mul3A_345 : i32
          %dma_start3A_347 = tpu.memref_slice %arg3[%add3A_346] : memref<2097152xi32, #tpu.memory_space<hbm>> -> memref<512xi32, #tpu.memory_space<hbm>>
          %dma_start3A_348 = tpu.memref_slice %arg3[%add3A_346] : memref<2097152xi32, #tpu.memory_space<hbm>> -> memref<512xi32, #tpu.memory_space<hbm>>
          tpu.enqueue_dma source(%dma_start3A_348 : memref<512xi32, #tpu.memory_space<hbm>>) target(%arg5 : memref<512xi32, #tpu.memory_space<vmem>>) target_semaphore(%arg22 : memref<!tpu.dma_semaphore, #tpu.memory_space<semaphore_mem>>)
        } else {
        }
      } else {
      }
      %mul3A_153 = arith.constant 8 : i32
      %mul3A_154 = arith.muli %scan3A_97, %mul3A_153 : i32
      %add3A_155 = arith.constant 2 : i32
      %add3A_156 = arith.addi %mul3A_154, %add3A_155 : i32
      %mul3A_157 = arith.constant 512 : i32
      %mul3A_158 = arith.muli %add3A_156, %mul3A_157 : i32
      %add3A_159 = arith.addi %mul3A_2, %mul3A_158 : i32
      %dma_wait3A_160 = tpu.memref_slice %arg3[%add3A_159] : memref<2097152xi32, #tpu.memory_space<hbm>> -> memref<512xi32, #tpu.memory_space<hbm>>
      %dma_wait3A_161 = tpu.memref_slice %arg3[%add3A_159] : memref<2097152xi32, #tpu.memory_space<hbm>> -> memref<512xi32, #tpu.memory_space<hbm>>
      tpu.wait_dma2 semaphore(%arg24 : memref<!tpu.dma_semaphore, #tpu.memory_space<semaphore_mem>>) src(%dma_wait3A_161 : memref<512xi32, #tpu.memory_space<hbm>>) dst(%arg7 : memref<512xi32, #tpu.memory_space<vmem>>)
      %scan3A_162 = arith.constant 0 : i32
      %scan3A_163 = arith.constant 0 : i32
      %scan3A_164 = arith.constant 32 : i32
      %scan3A_165 = arith.addi %scan3A_163, %scan3A_164 : i32
      %scan3A_166 = arith.constant 8 : i32
      scf.for %scan3A_321 = %scan3A_163 to %scan3A_165 step %scan3A_166  : i32 {
        %mul3A_322 = arith.constant 16 : i32
        %mul3A_323 = arith.muli %scan3A_321, %mul3A_322 : i32
        %get3A = arith.index_cast %mul3A_323 : i32 to index
        %get3A_324 = tpu.vector_load %arg7[%get3A] {strides = array<i32>} : memref<512xi32, #tpu.memory_space<vmem>>, vector<16xi32>,
        %get3A_325 = vector.shape_cast %get3A_324 : vector<16xi32> to vector<16xi32>
        %max3A = arith.constant -1 : i32
        %max3A_326 = vector.broadcast %max3A : i32 to vector<16xi32>
        %max3A_327 = arith.maxsi %get3A_325, %max3A_326 : vector<16xi32>
        %min3A = arith.constant 510 : i32
        %min3A_328 = vector.broadcast %min3A : i32 to vector<16xi32>
        %min3A_329 = arith.minsi %max3A_327, %min3A_328 : vector<16xi32>
        %add3A_330 = arith.constant 1 : i32
        %add3A_331 = vector.broadcast %add3A_330 : i32 to vector<16xi32>
        %add3A_332 = arith.addi %min3A_329, %add3A_331 : vector<16xi32>
        %mul3A_333 = arith.constant 16 : i32
        %mul3A_334 = arith.muli %scan3A_321, %mul3A_333 : i32
        %swap3A = arith.index_cast %mul3A_334 : i32 to index
        %swap3A_335 = tpu.vector_load %arg7[%swap3A] {strides = array<i32>} : memref<512xi32, #tpu.memory_space<vmem>>, vector<16xi32>,
        %swap3A_336 = vector.shape_cast %swap3A_335 : vector<16xi32> to vector<16xi32>
        %swap3A_337 = vector.shape_cast %add3A_332 : vector<16xi32> to vector<16xi32>
        tpu.vector_store %arg7[%swap3A], %swap3A_337 {strides = array<i32>} : memref<512xi32, #tpu.memory_space<vmem>>, vector<16xi32>,
        %scan3A_338 = arith.constant 1 : i32
        %scan3A_339 = arith.addi %scan3A_321, %scan3A_338 : i32
        %mul3A_340 = arith.constant 16 : i32
        %mul3A_341 = arith.muli %scan3A_339, %mul3A_340 : i32
        %get3A_342 = arith.index_cast %mul3A_341 : i32 to index
        %get3A_343 = tpu.vector_load %arg7[%get3A_342] {strides = array<i32>} : memref<512xi32, #tpu.memory_space<vmem>>, vector<16xi32>,
        %get3A_344 = vector.shape_cast %get3A_343 : vector<16xi32> to vector<16xi32>
        %max3A_345 = arith.constant -1 : i32
        %max3A_346 = vector.broadcast %max3A_345 : i32 to vector<16xi32>
        %max3A_347 = arith.maxsi %get3A_344, %max3A_346 : vector<16xi32>
        %min3A_348 = arith.constant 510 : i32
        %min3A_349 = vector.broadcast %min3A_348 : i32 to vector<16xi32>
        %min3A_350 = arith.minsi %max3A_347, %min3A_349 : vector<16xi32>
        %add3A_351 = arith.constant 1 : i32
        %add3A_352 = vector.broadcast %add3A_351 : i32 to vector<16xi32>
        %add3A_353 = arith.addi %min3A_350, %add3A_352 : vector<16xi32>
        %mul3A_354 = arith.constant 16 : i32
        %mul3A_355 = arith.muli %scan3A_339, %mul3A_354 : i32
        %swap3A_356 = arith.index_cast %mul3A_355 : i32 to index
        %swap3A_357 = tpu.vector_load %arg7[%swap3A_356] {strides = array<i32>} : memref<512xi32, #tpu.memory_space<vmem>>, vector<16xi32>,
        %swap3A_358 = vector.shape_cast %swap3A_357 : vector<16xi32> to vector<16xi32>
        %swap3A_359 = vector.shape_cast %add3A_353 : vector<16xi32> to vector<16xi32>
        tpu.vector_store %arg7[%swap3A_356], %swap3A_359 {strides = array<i32>} : memref<512xi32, #tpu.memory_space<vmem>>, vector<16xi32>,
        %scan3A_360 = arith.constant 2 : i32
        %scan3A_361 = arith.addi %scan3A_321, %scan3A_360 : i32
        %mul3A_362 = arith.constant 16 : i32
        %mul3A_363 = arith.muli %scan3A_361, %mul3A_362 : i32
        %get3A_364 = arith.index_cast %mul3A_363 : i32 to index
        %get3A_365 = tpu.vector_load %arg7[%get3A_364] {strides = array<i32>} : memref<512xi32, #tpu.memory_space<vmem>>, vector<16xi32>,
        %get3A_366 = vector.shape_cast %get3A_365 : vector<16xi32> to vector<16xi32>
        %max3A_367 = arith.constant -1 : i32
        %max3A_368 = vector.broadcast %max3A_367 : i32 to vector<16xi32>
        %max3A_369 = arith.maxsi %get3A_366, %max3A_368 : vector<16xi32>
        %min3A_370 = arith.constant 510 : i32
        %min3A_371 = vector.broadcast %min3A_370 : i32 to vector<16xi32>
        %min3A_372 = arith.minsi %max3A_369, %min3A_371 : vector<16xi32>
        %add3A_373 = arith.constant 1 : i32
        %add3A_374 = vector.broadcast %add3A_373 : i32 to vector<16xi32>
        %add3A_375 = arith.addi %min3A_372, %add3A_374 : vector<16xi32>
        %mul3A_376 = arith.constant 16 : i32
        %mul3A_377 = arith.muli %scan3A_361, %mul3A_376 : i32
        %swap3A_378 = arith.index_cast %mul3A_377 : i32 to index
        %swap3A_379 = tpu.vector_load %arg7[%swap3A_378] {strides = array<i32>} : memref<512xi32, #tpu.memory_space<vmem>>, vector<16xi32>,
        %swap3A_380 = vector.shape_cast %swap3A_379 : vector<16xi32> to vector<16xi32>
        %swap3A_381 = vector.shape_cast %add3A_375 : vector<16xi32> to vector<16xi32>
        tpu.vector_store %arg7[%swap3A_378], %swap3A_381 {strides = array<i32>} : memref<512xi32, #tpu.memory_space<vmem>>, vector<16xi32>,
        %scan3A_382 = arith.constant 3 : i32
        %scan3A_383 = arith.addi %scan3A_321, %scan3A_382 : i32
        %mul3A_384 = arith.constant 16 : i32
        %mul3A_385 = arith.muli %scan3A_383, %mul3A_384 : i32
        %get3A_386 = arith.index_cast %mul3A_385 : i32 to index
        %get3A_387 = tpu.vector_load %arg7[%get3A_386] {strides = array<i32>} : memref<512xi32, #tpu.memory_space<vmem>>, vector<16xi32>,
        %get3A_388 = vector.shape_cast %get3A_387 : vector<16xi32> to vector<16xi32>
        %max3A_389 = arith.constant -1 : i32
        %max3A_390 = vector.broadcast %max3A_389 : i32 to vector<16xi32>
        %max3A_391 = arith.maxsi %get3A_388, %max3A_390 : vector<16xi32>
        %min3A_392 = arith.constant 510 : i32
        %min3A_393 = vector.broadcast %min3A_392 : i32 to vector<16xi32>
        %min3A_394 = arith.minsi %max3A_391, %min3A_393 : vector<16xi32>
        %add3A_395 = arith.constant 1 : i32
        %add3A_396 = vector.broadcast %add3A_395 : i32 to vector<16xi32>
        %add3A_397 = arith.addi %min3A_394, %add3A_396 : vector<16xi32>
        %mul3A_398 = arith.constant 16 : i32
        %mul3A_399 = arith.muli %scan3A_383, %mul3A_398 : i32
        %swap3A_400 = arith.index_cast %mul3A_399 : i32 to index
        %swap3A_401 = tpu.vector_load %arg7[%swap3A_400] {strides = array<i32>} : memref<512xi32, #tpu.memory_space<vmem>>, vector<16xi32>,
        %swap3A_402 = vector.shape_cast %swap3A_401 : vector<16xi32> to vector<16xi32>
        %swap3A_403 = vector.shape_cast %add3A_397 : vector<16xi32> to vector<16xi32>
        tpu.vector_store %arg7[%swap3A_400], %swap3A_403 {strides = array<i32>} : memref<512xi32, #tpu.memory_space<vmem>>, vector<16xi32>,
        %scan3A_404 = arith.constant 4 : i32
        %scan3A_405 = arith.addi %scan3A_321, %scan3A_404 : i32
        %mul3A_406 = arith.constant 16 : i32
        %mul3A_407 = arith.muli %scan3A_405, %mul3A_406 : i32
        %get3A_408 = arith.index_cast %mul3A_407 : i32 to index
        %get3A_409 = tpu.vector_load %arg7[%get3A_408] {strides = array<i32>} : memref<512xi32, #tpu.memory_space<vmem>>, vector<16xi32>,
        %get3A_410 = vector.shape_cast %get3A_409 : vector<16xi32> to vector<16xi32>
        %max3A_411 = arith.constant -1 : i32
        %max3A_412 = vector.broadcast %max3A_411 : i32 to vector<16xi32>
        %max3A_413 = arith.maxsi %get3A_410, %max3A_412 : vector<16xi32>
        %min3A_414 = arith.constant 510 : i32
        %min3A_415 = vector.broadcast %min3A_414 : i32 to vector<16xi32>
        %min3A_416 = arith.minsi %max3A_413, %min3A_415 : vector<16xi32>
        %add3A_417 = arith.constant 1 : i32
        %add3A_418 = vector.broadcast %add3A_417 : i32 to vector<16xi32>
        %add3A_419 = arith.addi %min3A_416, %add3A_418 : vector<16xi32>
        %mul3A_420 = arith.constant 16 : i32
        %mul3A_421 = arith.muli %scan3A_405, %mul3A_420 : i32
        %swap3A_422 = arith.index_cast %mul3A_421 : i32 to index
        %swap3A_423 = tpu.vector_load %arg7[%swap3A_422] {strides = array<i32>} : memref<512xi32, #tpu.memory_space<vmem>>, vector<16xi32>,
        %swap3A_424 = vector.shape_cast %swap3A_423 : vector<16xi32> to vector<16xi32>
        %swap3A_425 = vector.shape_cast %add3A_419 : vector<16xi32> to vector<16xi32>
        tpu.vector_store %arg7[%swap3A_422], %swap3A_425 {strides = array<i32>} : memref<512xi32, #tpu.memory_space<vmem>>, vector<16xi32>,
        %scan3A_426 = arith.constant 5 : i32
        %scan3A_427 = arith.addi %scan3A_321, %scan3A_426 : i32
        %mul3A_428 = arith.constant 16 : i32
        %mul3A_429 = arith.muli %scan3A_427, %mul3A_428 : i32
        %get3A_430 = arith.index_cast %mul3A_429 : i32 to index
        %get3A_431 = tpu.vector_load %arg7[%get3A_430] {strides = array<i32>} : memref<512xi32, #tpu.memory_space<vmem>>, vector<16xi32>,
        %get3A_432 = vector.shape_cast %get3A_431 : vector<16xi32> to vector<16xi32>
        %max3A_433 = arith.constant -1 : i32
        %max3A_434 = vector.broadcast %max3A_433 : i32 to vector<16xi32>
        %max3A_435 = arith.maxsi %get3A_432, %max3A_434 : vector<16xi32>
        %min3A_436 = arith.constant 510 : i32
        %min3A_437 = vector.broadcast %min3A_436 : i32 to vector<16xi32>
        %min3A_438 = arith.minsi %max3A_435, %min3A_437 : vector<16xi32>
        %add3A_439 = arith.constant 1 : i32
        %add3A_440 = vector.broadcast %add3A_439 : i32 to vector<16xi32>
        %add3A_441 = arith.addi %min3A_438, %add3A_440 : vector<16xi32>
        %mul3A_442 = arith.constant 16 : i32
        %mul3A_443 = arith.muli %scan3A_427, %mul3A_442 : i32
        %swap3A_444 = arith.index_cast %mul3A_443 : i32 to index
        %swap3A_445 = tpu.vector_load %arg7[%swap3A_444] {strides = array<i32>} : memref<512xi32, #tpu.memory_space<vmem>>, vector<16xi32>,
        %swap3A_446 = vector.shape_cast %swap3A_445 : vector<16xi32> to vector<16xi32>
        %swap3A_447 = vector.shape_cast %add3A_441 : vector<16xi32> to vector<16xi32>
        tpu.vector_store %arg7[%swap3A_444], %swap3A_447 {strides = array<i32>} : memref<512xi32, #tpu.memory_space<vmem>>, vector<16xi32>,
        %scan3A_448 = arith.constant 6 : i32
        %scan3A_449 = arith.addi %scan3A_321, %scan3A_448 : i32
        %mul3A_450 = arith.constant 16 : i32
        %mul3A_451 = arith.muli %scan3A_449, %mul3A_450 : i32
        %get3A_452 = arith.index_cast %mul3A_451 : i32 to index
        %get3A_453 = tpu.vector_load %arg7[%get3A_452] {strides = array<i32>} : memref<512xi32, #tpu.memory_space<vmem>>, vector<16xi32>,
        %get3A_454 = vector.shape_cast %get3A_453 : vector<16xi32> to vector<16xi32>
        %max3A_455 = arith.constant -1 : i32
        %max3A_456 = vector.broadcast %max3A_455 : i32 to vector<16xi32>
        %max3A_457 = arith.maxsi %get3A_454, %max3A_456 : vector<16xi32>
        %min3A_458 = arith.constant 510 : i32
        %min3A_459 = vector.broadcast %min3A_458 : i32 to vector<16xi32>
        %min3A_460 = arith.minsi %max3A_457, %min3A_459 : vector<16xi32>
        %add3A_461 = arith.constant 1 : i32
        %add3A_462 = vector.broadcast %add3A_461 : i32 to vector<16xi32>
        %add3A_463 = arith.addi %min3A_460, %add3A_462 : vector<16xi32>
        %mul3A_464 = arith.constant 16 : i32
        %mul3A_465 = arith.muli %scan3A_449, %mul3A_464 : i32
        %swap3A_466 = arith.index_cast %mul3A_465 : i32 to index
        %swap3A_467 = tpu.vector_load %arg7[%swap3A_466] {strides = array<i32>} : memref<512xi32, #tpu.memory_space<vmem>>, vector<16xi32>,
        %swap3A_468 = vector.shape_cast %swap3A_467 : vector<16xi32> to vector<16xi32>
        %swap3A_469 = vector.shape_cast %add3A_463 : vector<16xi32> to vector<16xi32>
        tpu.vector_store %arg7[%swap3A_466], %swap3A_469 {strides = array<i32>} : memref<512xi32, #tpu.memory_space<vmem>>, vector<16xi32>,
        %scan3A_470 = arith.constant 7 : i32
        %scan3A_471 = arith.addi %scan3A_321, %scan3A_470 : i32
        %mul3A_472 = arith.constant 16 : i32
        %mul3A_473 = arith.muli %scan3A_471, %mul3A_472 : i32
        %get3A_474 = arith.index_cast %mul3A_473 : i32 to index
        %get3A_475 = tpu.vector_load %arg7[%get3A_474] {strides = array<i32>} : memref<512xi32, #tpu.memory_space<vmem>>, vector<16xi32>,
        %get3A_476 = vector.shape_cast %get3A_475 : vector<16xi32> to vector<16xi32>
        %max3A_477 = arith.constant -1 : i32
        %max3A_478 = vector.broadcast %max3A_477 : i32 to vector<16xi32>
        %max3A_479 = arith.maxsi %get3A_476, %max3A_478 : vector<16xi32>
        %min3A_480 = arith.constant 510 : i32
        %min3A_481 = vector.broadcast %min3A_480 : i32 to vector<16xi32>
        %min3A_482 = arith.minsi %max3A_479, %min3A_481 : vector<16xi32>
        %add3A_483 = arith.constant 1 : i32
        %add3A_484 = vector.broadcast %add3A_483 : i32 to vector<16xi32>
        %add3A_485 = arith.addi %min3A_482, %add3A_484 : vector<16xi32>
        %mul3A_486 = arith.constant 16 : i32
        %mul3A_487 = arith.muli %scan3A_471, %mul3A_486 : i32
        %swap3A_488 = arith.index_cast %mul3A_487 : i32 to index
        %swap3A_489 = tpu.vector_load %arg7[%swap3A_488] {strides = array<i32>} : memref<512xi32, #tpu.memory_space<vmem>>, vector<16xi32>,
        %swap3A_490 = vector.shape_cast %swap3A_489 : vector<16xi32> to vector<16xi32>
        %swap3A_491 = vector.shape_cast %add3A_485 : vector<16xi32> to vector<16xi32>
        tpu.vector_store %arg7[%swap3A_488], %swap3A_491 {strides = array<i32>} : memref<512xi32, #tpu.memory_space<vmem>>, vector<16xi32>,
      }
      %scan3A_167 = arith.constant 32 : i32
      %ge3A_168 = arith.constant 8 : i32
      %ge3A_169 = arith.cmpi sge, %add3A_156, %ge3A_168 : i32
      %convert_element_type3A_170 = arith.extui %ge3A_169 : i1 to i32
      %cond3A_171 = arith.constant 0 : i32
      %cond3A_172 = arith.cmpi ne, %convert_element_type3A_170, %cond3A_171 : i32
      scf.if %cond3A_172 {
        %sub3A = arith.constant 8 : i32
        %sub3A_321 = arith.subi %add3A_156, %sub3A : i32
        %mul3A_322 = arith.constant 512 : i32
        %mul3A_323 = arith.muli %sub3A_321, %mul3A_322 : i32
        %add3A_324 = arith.addi %mul3A_2, %mul3A_323 : i32
        %dma_wait3A_325 = arith.constant 0 : i32
        %dma_wait3A_326 = tpu.memref_slice %arg4[%add3A_324, %dma_wait3A_325] : memref<2097152x16xf32, #tpu.memory_space<hbm>> -> memref<512x16xf32, #tpu.memory_space<hbm>>
        %dma_wait3A_327 = arith.constant 0 : i32
        %dma_wait3A_328 = tpu.memref_slice %arg4[%add3A_324, %dma_wait3A_327] : memref<2097152x16xf32, #tpu.memory_space<hbm>> -> memref<512x16xf32, #tpu.memory_space<hbm>>
        tpu.wait_dma2 semaphore(%arg40 : memref<!tpu.dma_semaphore, #tpu.memory_space<semaphore_mem>>) src(%arg15 : memref<512x16xf32, #tpu.memory_space<vmem>>) dst(%dma_wait3A_328 : memref<512x16xf32, #tpu.memory_space<hbm>>)
      } else {
      }
      %dma_start3A_173 = arith.constant 0 : i32
      %dma_start3A_174 = arith.constant 0 : i32
      %dma_start3A_175 = tpu.memref_slice %arg21[%dma_start3A_173, %dma_start3A_174] : memref<512x16xf32, #tpu.memory_space<vmem_shared>> -> memref<512x16xf32, #tpu.memory_space<vmem_shared>>
      tpu.enqueue_indirect_dma source(%dma_start3A_175 : memref<512x16xf32, #tpu.memory_space<vmem_shared>>) target(%arg15 : memref<512x16xf32, #tpu.memory_space<vmem>>) offsets(%arg7 : memref<512xi32, #tpu.memory_space<vmem>>) semaphore(%arg32 : memref<!tpu.dma_semaphore, #tpu.memory_space<semaphore_mem>>)
      %ge3A_176 = arith.constant 1 : i32
      %ge3A_177 = arith.cmpi sge, %add3A_156, %ge3A_176 : i32
      %convert_element_type3A_178 = arith.extui %ge3A_177 : i1 to i32
      %cond3A_179 = arith.constant 0 : i32
      %cond3A_180 = arith.cmpi ne, %convert_element_type3A_178, %cond3A_179 : i32
      scf.if %cond3A_180 {
        %dma_wait3A_321 = arith.constant 0 : i32
        %dma_wait3A_322 = arith.constant 0 : i32
        %dma_wait3A_323 = tpu.memref_slice %arg21[%dma_wait3A_321, %dma_wait3A_322] : memref<512x16xf32, #tpu.memory_space<vmem_shared>> -> memref<512x16xf32, #tpu.memory_space<vmem_shared>>
        tpu.wait_indirect_dma semaphore(%arg31 : memref<!tpu.dma_semaphore, #tpu.memory_space<semaphore_mem>>) src(%dma_wait3A_323 : memref<512x16xf32, #tpu.memory_space<vmem_shared>>) dst(%arg14 : memref<512x16xf32, #tpu.memory_space<vmem>>)
        %sub3A = arith.constant 1 : i32
        %sub3A_324 = arith.subi %add3A_156, %sub3A : i32
        %mul3A_325 = arith.constant 512 : i32
        %mul3A_326 = arith.muli %sub3A_324, %mul3A_325 : i32
        %add3A_327 = arith.addi %mul3A_2, %mul3A_326 : i32
        %dma_start3A_328 = arith.constant 0 : i32
        %dma_start3A_329 = tpu.memref_slice %arg4[%add3A_327, %dma_start3A_328] : memref<2097152x16xf32, #tpu.memory_space<hbm>> -> memref<512x16xf32, #tpu.memory_space<hbm>>
        %dma_start3A_330 = arith.constant 0 : i32
        %dma_start3A_331 = tpu.memref_slice %arg4[%add3A_327, %dma_start3A_330] : memref<2097152x16xf32, #tpu.memory_space<hbm>> -> memref<512x16xf32, #tpu.memory_space<hbm>>
        tpu.enqueue_dma source(%arg14 : memref<512x16xf32, #tpu.memory_space<vmem>>) target(%dma_start3A_331 : memref<512x16xf32, #tpu.memory_space<hbm>>) target_semaphore(%arg39 : memref<!tpu.dma_semaphore, #tpu.memory_space<semaphore_mem>>)
        %add3A_332 = arith.constant 8 : i32
        %add3A_333 = arith.addi %add3A_156, %add3A_332 : i32
        %sub3A_334 = arith.constant 1 : i32
        %sub3A_335 = arith.subi %add3A_333, %sub3A_334 : i32
        %lt3A = arith.constant 128 : i32
        %lt3A_336 = arith.cmpi slt, %sub3A_335, %lt3A : i32
        %convert_element_type3A_337 = arith.extui %lt3A_336 : i1 to i32
        %cond3A_338 = arith.constant 0 : i32
        %cond3A_339 = arith.cmpi ne, %convert_element_type3A_337, %cond3A_338 : i32
        scf.if %cond3A_339 {
          %add3A_340 = arith.constant 8 : i32
          %add3A_341 = arith.addi %add3A_156, %add3A_340 : i32
          %sub3A_342 = arith.constant 1 : i32
          %sub3A_343 = arith.subi %add3A_341, %sub3A_342 : i32
          %mul3A_344 = arith.constant 512 : i32
          %mul3A_345 = arith.muli %sub3A_343, %mul3A_344 : i32
          %add3A_346 = arith.addi %mul3A_2, %mul3A_345 : i32
          %dma_start3A_347 = tpu.memref_slice %arg3[%add3A_346] : memref<2097152xi32, #tpu.memory_space<hbm>> -> memref<512xi32, #tpu.memory_space<hbm>>
          %dma_start3A_348 = tpu.memref_slice %arg3[%add3A_346] : memref<2097152xi32, #tpu.memory_space<hbm>> -> memref<512xi32, #tpu.memory_space<hbm>>
          tpu.enqueue_dma source(%dma_start3A_348 : memref<512xi32, #tpu.memory_space<hbm>>) target(%arg6 : memref<512xi32, #tpu.memory_space<vmem>>) target_semaphore(%arg23 : memref<!tpu.dma_semaphore, #tpu.memory_space<semaphore_mem>>)
        } else {
        }
      } else {
      }
      %mul3A_181 = arith.constant 8 : i32
      %mul3A_182 = arith.muli %scan3A_97, %mul3A_181 : i32
      %add3A_183 = arith.constant 3 : i32
      %add3A_184 = arith.addi %mul3A_182, %add3A_183 : i32
      %mul3A_185 = arith.constant 512 : i32
      %mul3A_186 = arith.muli %add3A_184, %mul3A_185 : i32
      %add3A_187 = arith.addi %mul3A_2, %mul3A_186 : i32
      %dma_wait3A_188 = tpu.memref_slice %arg3[%add3A_187] : memref<2097152xi32, #tpu.memory_space<hbm>> -> memref<512xi32, #tpu.memory_space<hbm>>
      %dma_wait3A_189 = tpu.memref_slice %arg3[%add3A_187] : memref<2097152xi32, #tpu.memory_space<hbm>> -> memref<512xi32, #tpu.memory_space<hbm>>
      tpu.wait_dma2 semaphore(%arg25 : memref<!tpu.dma_semaphore, #tpu.memory_space<semaphore_mem>>) src(%dma_wait3A_189 : memref<512xi32, #tpu.memory_space<hbm>>) dst(%arg8 : memref<512xi32, #tpu.memory_space<vmem>>)
      %scan3A_190 = arith.constant 0 : i32
      %scan3A_191 = arith.constant 0 : i32
      %scan3A_192 = arith.constant 32 : i32
      %scan3A_193 = arith.addi %scan3A_191, %scan3A_192 : i32
      %scan3A_194 = arith.constant 8 : i32
      scf.for %scan3A_321 = %scan3A_191 to %scan3A_193 step %scan3A_194  : i32 {
        %mul3A_322 = arith.constant 16 : i32
        %mul3A_323 = arith.muli %scan3A_321, %mul3A_322 : i32
        %get3A = arith.index_cast %mul3A_323 : i32 to index
        %get3A_324 = tpu.vector_load %arg8[%get3A] {strides = array<i32>} : memref<512xi32, #tpu.memory_space<vmem>>, vector<16xi32>,
        %get3A_325 = vector.shape_cast %get3A_324 : vector<16xi32> to vector<16xi32>
        %max3A = arith.constant -1 : i32
        %max3A_326 = vector.broadcast %max3A : i32 to vector<16xi32>
        %max3A_327 = arith.maxsi %get3A_325, %max3A_326 : vector<16xi32>
        %min3A = arith.constant 510 : i32
        %min3A_328 = vector.broadcast %min3A : i32 to vector<16xi32>
        %min3A_329 = arith.minsi %max3A_327, %min3A_328 : vector<16xi32>
        %add3A_330 = arith.constant 1 : i32
        %add3A_331 = vector.broadcast %add3A_330 : i32 to vector<16xi32>
        %add3A_332 = arith.addi %min3A_329, %add3A_331 : vector<16xi32>
        %mul3A_333 = arith.constant 16 : i32
        %mul3A_334 = arith.muli %scan3A_321, %mul3A_333 : i32
        %swap3A = arith.index_cast %mul3A_334 : i32 to index
        %swap3A_335 = tpu.vector_load %arg8[%swap3A] {strides = array<i32>} : memref<512xi32, #tpu.memory_space<vmem>>, vector<16xi32>,
        %swap3A_336 = vector.shape_cast %swap3A_335 : vector<16xi32> to vector<16xi32>
        %swap3A_337 = vector.shape_cast %add3A_332 : vector<16xi32> to vector<16xi32>
        tpu.vector_store %arg8[%swap3A], %swap3A_337 {strides = array<i32>} : memref<512xi32, #tpu.memory_space<vmem>>, vector<16xi32>,
        %scan3A_338 = arith.constant 1 : i32
        %scan3A_339 = arith.addi %scan3A_321, %scan3A_338 : i32
        %mul3A_340 = arith.constant 16 : i32
        %mul3A_341 = arith.muli %scan3A_339, %mul3A_340 : i32
        %get3A_342 = arith.index_cast %mul3A_341 : i32 to index
        %get3A_343 = tpu.vector_load %arg8[%get3A_342] {strides = array<i32>} : memref<512xi32, #tpu.memory_space<vmem>>, vector<16xi32>,
        %get3A_344 = vector.shape_cast %get3A_343 : vector<16xi32> to vector<16xi32>
        %max3A_345 = arith.constant -1 : i32
        %max3A_346 = vector.broadcast %max3A_345 : i32 to vector<16xi32>
        %max3A_347 = arith.maxsi %get3A_344, %max3A_346 : vector<16xi32>
        %min3A_348 = arith.constant 510 : i32
        %min3A_349 = vector.broadcast %min3A_348 : i32 to vector<16xi32>
        %min3A_350 = arith.minsi %max3A_347, %min3A_349 : vector<16xi32>
        %add3A_351 = arith.constant 1 : i32
        %add3A_352 = vector.broadcast %add3A_351 : i32 to vector<16xi32>
        %add3A_353 = arith.addi %min3A_350, %add3A_352 : vector<16xi32>
        %mul3A_354 = arith.constant 16 : i32
        %mul3A_355 = arith.muli %scan3A_339, %mul3A_354 : i32
        %swap3A_356 = arith.index_cast %mul3A_355 : i32 to index
        %swap3A_357 = tpu.vector_load %arg8[%swap3A_356] {strides = array<i32>} : memref<512xi32, #tpu.memory_space<vmem>>, vector<16xi32>,
        %swap3A_358 = vector.shape_cast %swap3A_357 : vector<16xi32> to vector<16xi32>
        %swap3A_359 = vector.shape_cast %add3A_353 : vector<16xi32> to vector<16xi32>
        tpu.vector_store %arg8[%swap3A_356], %swap3A_359 {strides = array<i32>} : memref<512xi32, #tpu.memory_space<vmem>>, vector<16xi32>,
        %scan3A_360 = arith.constant 2 : i32
        %scan3A_361 = arith.addi %scan3A_321, %scan3A_360 : i32
        %mul3A_362 = arith.constant 16 : i32
        %mul3A_363 = arith.muli %scan3A_361, %mul3A_362 : i32
        %get3A_364 = arith.index_cast %mul3A_363 : i32 to index
        %get3A_365 = tpu.vector_load %arg8[%get3A_364] {strides = array<i32>} : memref<512xi32, #tpu.memory_space<vmem>>, vector<16xi32>,
        %get3A_366 = vector.shape_cast %get3A_365 : vector<16xi32> to vector<16xi32>
        %max3A_367 = arith.constant -1 : i32
        %max3A_368 = vector.broadcast %max3A_367 : i32 to vector<16xi32>
        %max3A_369 = arith.maxsi %get3A_366, %max3A_368 : vector<16xi32>
        %min3A_370 = arith.constant 510 : i32
        %min3A_371 = vector.broadcast %min3A_370 : i32 to vector<16xi32>
        %min3A_372 = arith.minsi %max3A_369, %min3A_371 : vector<16xi32>
        %add3A_373 = arith.constant 1 : i32
        %add3A_374 = vector.broadcast %add3A_373 : i32 to vector<16xi32>
        %add3A_375 = arith.addi %min3A_372, %add3A_374 : vector<16xi32>
        %mul3A_376 = arith.constant 16 : i32
        %mul3A_377 = arith.muli %scan3A_361, %mul3A_376 : i32
        %swap3A_378 = arith.index_cast %mul3A_377 : i32 to index
        %swap3A_379 = tpu.vector_load %arg8[%swap3A_378] {strides = array<i32>} : memref<512xi32, #tpu.memory_space<vmem>>, vector<16xi32>,
        %swap3A_380 = vector.shape_cast %swap3A_379 : vector<16xi32> to vector<16xi32>
        %swap3A_381 = vector.shape_cast %add3A_375 : vector<16xi32> to vector<16xi32>
        tpu.vector_store %arg8[%swap3A_378], %swap3A_381 {strides = array<i32>} : memref<512xi32, #tpu.memory_space<vmem>>, vector<16xi32>,
        %scan3A_382 = arith.constant 3 : i32
        %scan3A_383 = arith.addi %scan3A_321, %scan3A_382 : i32
        %mul3A_384 = arith.constant 16 : i32
        %mul3A_385 = arith.muli %scan3A_383, %mul3A_384 : i32
        %get3A_386 = arith.index_cast %mul3A_385 : i32 to index
        %get3A_387 = tpu.vector_load %arg8[%get3A_386] {strides = array<i32>} : memref<512xi32, #tpu.memory_space<vmem>>, vector<16xi32>,
        %get3A_388 = vector.shape_cast %get3A_387 : vector<16xi32> to vector<16xi32>
        %max3A_389 = arith.constant -1 : i32
        %max3A_390 = vector.broadcast %max3A_389 : i32 to vector<16xi32>
        %max3A_391 = arith.maxsi %get3A_388, %max3A_390 : vector<16xi32>
        %min3A_392 = arith.constant 510 : i32
        %min3A_393 = vector.broadcast %min3A_392 : i32 to vector<16xi32>
        %min3A_394 = arith.minsi %max3A_391, %min3A_393 : vector<16xi32>
        %add3A_395 = arith.constant 1 : i32
        %add3A_396 = vector.broadcast %add3A_395 : i32 to vector<16xi32>
        %add3A_397 = arith.addi %min3A_394, %add3A_396 : vector<16xi32>
        %mul3A_398 = arith.constant 16 : i32
        %mul3A_399 = arith.muli %scan3A_383, %mul3A_398 : i32
        %swap3A_400 = arith.index_cast %mul3A_399 : i32 to index
        %swap3A_401 = tpu.vector_load %arg8[%swap3A_400] {strides = array<i32>} : memref<512xi32, #tpu.memory_space<vmem>>, vector<16xi32>,
        %swap3A_402 = vector.shape_cast %swap3A_401 : vector<16xi32> to vector<16xi32>
        %swap3A_403 = vector.shape_cast %add3A_397 : vector<16xi32> to vector<16xi32>
        tpu.vector_store %arg8[%swap3A_400], %swap3A_403 {strides = array<i32>} : memref<512xi32, #tpu.memory_space<vmem>>, vector<16xi32>,
        %scan3A_404 = arith.constant 4 : i32
        %scan3A_405 = arith.addi %scan3A_321, %scan3A_404 : i32
        %mul3A_406 = arith.constant 16 : i32
        %mul3A_407 = arith.muli %scan3A_405, %mul3A_406 : i32
        %get3A_408 = arith.index_cast %mul3A_407 : i32 to index
        %get3A_409 = tpu.vector_load %arg8[%get3A_408] {strides = array<i32>} : memref<512xi32, #tpu.memory_space<vmem>>, vector<16xi32>,
        %get3A_410 = vector.shape_cast %get3A_409 : vector<16xi32> to vector<16xi32>
        %max3A_411 = arith.constant -1 : i32
        %max3A_412 = vector.broadcast %max3A_411 : i32 to vector<16xi32>
        %max3A_413 = arith.maxsi %get3A_410, %max3A_412 : vector<16xi32>
        %min3A_414 = arith.constant 510 : i32
        %min3A_415 = vector.broadcast %min3A_414 : i32 to vector<16xi32>
        %min3A_416 = arith.minsi %max3A_413, %min3A_415 : vector<16xi32>
        %add3A_417 = arith.constant 1 : i32
        %add3A_418 = vector.broadcast %add3A_417 : i32 to vector<16xi32>
        %add3A_419 = arith.addi %min3A_416, %add3A_418 : vector<16xi32>
        %mul3A_420 = arith.constant 16 : i32
        %mul3A_421 = arith.muli %scan3A_405, %mul3A_420 : i32
        %swap3A_422 = arith.index_cast %mul3A_421 : i32 to index
        %swap3A_423 = tpu.vector_load %arg8[%swap3A_422] {strides = array<i32>} : memref<512xi32, #tpu.memory_space<vmem>>, vector<16xi32>,
        %swap3A_424 = vector.shape_cast %swap3A_423 : vector<16xi32> to vector<16xi32>
        %swap3A_425 = vector.shape_cast %add3A_419 : vector<16xi32> to vector<16xi32>
        tpu.vector_store %arg8[%swap3A_422], %swap3A_425 {strides = array<i32>} : memref<512xi32, #tpu.memory_space<vmem>>, vector<16xi32>,
        %scan3A_426 = arith.constant 5 : i32
        %scan3A_427 = arith.addi %scan3A_321, %scan3A_426 : i32
        %mul3A_428 = arith.constant 16 : i32
        %mul3A_429 = arith.muli %scan3A_427, %mul3A_428 : i32
        %get3A_430 = arith.index_cast %mul3A_429 : i32 to index
        %get3A_431 = tpu.vector_load %arg8[%get3A_430] {strides = array<i32>} : memref<512xi32, #tpu.memory_space<vmem>>, vector<16xi32>,
        %get3A_432 = vector.shape_cast %get3A_431 : vector<16xi32> to vector<16xi32>
        %max3A_433 = arith.constant -1 : i32
        %max3A_434 = vector.broadcast %max3A_433 : i32 to vector<16xi32>
        %max3A_435 = arith.maxsi %get3A_432, %max3A_434 : vector<16xi32>
        %min3A_436 = arith.constant 510 : i32
        %min3A_437 = vector.broadcast %min3A_436 : i32 to vector<16xi32>
        %min3A_438 = arith.minsi %max3A_435, %min3A_437 : vector<16xi32>
        %add3A_439 = arith.constant 1 : i32
        %add3A_440 = vector.broadcast %add3A_439 : i32 to vector<16xi32>
        %add3A_441 = arith.addi %min3A_438, %add3A_440 : vector<16xi32>
        %mul3A_442 = arith.constant 16 : i32
        %mul3A_443 = arith.muli %scan3A_427, %mul3A_442 : i32
        %swap3A_444 = arith.index_cast %mul3A_443 : i32 to index
        %swap3A_445 = tpu.vector_load %arg8[%swap3A_444] {strides = array<i32>} : memref<512xi32, #tpu.memory_space<vmem>>, vector<16xi32>,
        %swap3A_446 = vector.shape_cast %swap3A_445 : vector<16xi32> to vector<16xi32>
        %swap3A_447 = vector.shape_cast %add3A_441 : vector<16xi32> to vector<16xi32>
        tpu.vector_store %arg8[%swap3A_444], %swap3A_447 {strides = array<i32>} : memref<512xi32, #tpu.memory_space<vmem>>, vector<16xi32>,
        %scan3A_448 = arith.constant 6 : i32
        %scan3A_449 = arith.addi %scan3A_321, %scan3A_448 : i32
        %mul3A_450 = arith.constant 16 : i32
        %mul3A_451 = arith.muli %scan3A_449, %mul3A_450 : i32
        %get3A_452 = arith.index_cast %mul3A_451 : i32 to index
        %get3A_453 = tpu.vector_load %arg8[%get3A_452] {strides = array<i32>} : memref<512xi32, #tpu.memory_space<vmem>>, vector<16xi32>,
        %get3A_454 = vector.shape_cast %get3A_453 : vector<16xi32> to vector<16xi32>
        %max3A_455 = arith.constant -1 : i32
        %max3A_456 = vector.broadcast %max3A_455 : i32 to vector<16xi32>
        %max3A_457 = arith.maxsi %get3A_454, %max3A_456 : vector<16xi32>
        %min3A_458 = arith.constant 510 : i32
        %min3A_459 = vector.broadcast %min3A_458 : i32 to vector<16xi32>
        %min3A_460 = arith.minsi %max3A_457, %min3A_459 : vector<16xi32>
        %add3A_461 = arith.constant 1 : i32
        %add3A_462 = vector.broadcast %add3A_461 : i32 to vector<16xi32>
        %add3A_463 = arith.addi %min3A_460, %add3A_462 : vector<16xi32>
        %mul3A_464 = arith.constant 16 : i32
        %mul3A_465 = arith.muli %scan3A_449, %mul3A_464 : i32
        %swap3A_466 = arith.index_cast %mul3A_465 : i32 to index
        %swap3A_467 = tpu.vector_load %arg8[%swap3A_466] {strides = array<i32>} : memref<512xi32, #tpu.memory_space<vmem>>, vector<16xi32>,
        %swap3A_468 = vector.shape_cast %swap3A_467 : vector<16xi32> to vector<16xi32>
        %swap3A_469 = vector.shape_cast %add3A_463 : vector<16xi32> to vector<16xi32>
        tpu.vector_store %arg8[%swap3A_466], %swap3A_469 {strides = array<i32>} : memref<512xi32, #tpu.memory_space<vmem>>, vector<16xi32>,
        %scan3A_470 = arith.constant 7 : i32
        %scan3A_471 = arith.addi %scan3A_321, %scan3A_470 : i32
        %mul3A_472 = arith.constant 16 : i32
        %mul3A_473 = arith.muli %scan3A_471, %mul3A_472 : i32
        %get3A_474 = arith.index_cast %mul3A_473 : i32 to index
        %get3A_475 = tpu.vector_load %arg8[%get3A_474] {strides = array<i32>} : memref<512xi32, #tpu.memory_space<vmem>>, vector<16xi32>,
        %get3A_476 = vector.shape_cast %get3A_475 : vector<16xi32> to vector<16xi32>
        %max3A_477 = arith.constant -1 : i32
        %max3A_478 = vector.broadcast %max3A_477 : i32 to vector<16xi32>
        %max3A_479 = arith.maxsi %get3A_476, %max3A_478 : vector<16xi32>
        %min3A_480 = arith.constant 510 : i32
        %min3A_481 = vector.broadcast %min3A_480 : i32 to vector<16xi32>
        %min3A_482 = arith.minsi %max3A_479, %min3A_481 : vector<16xi32>
        %add3A_483 = arith.constant 1 : i32
        %add3A_484 = vector.broadcast %add3A_483 : i32 to vector<16xi32>
        %add3A_485 = arith.addi %min3A_482, %add3A_484 : vector<16xi32>
        %mul3A_486 = arith.constant 16 : i32
        %mul3A_487 = arith.muli %scan3A_471, %mul3A_486 : i32
        %swap3A_488 = arith.index_cast %mul3A_487 : i32 to index
        %swap3A_489 = tpu.vector_load %arg8[%swap3A_488] {strides = array<i32>} : memref<512xi32, #tpu.memory_space<vmem>>, vector<16xi32>,
        %swap3A_490 = vector.shape_cast %swap3A_489 : vector<16xi32> to vector<16xi32>
        %swap3A_491 = vector.shape_cast %add3A_485 : vector<16xi32> to vector<16xi32>
        tpu.vector_store %arg8[%swap3A_488], %swap3A_491 {strides = array<i32>} : memref<512xi32, #tpu.memory_space<vmem>>, vector<16xi32>,
      }
      %scan3A_195 = arith.constant 32 : i32
      %ge3A_196 = arith.constant 8 : i32
      %ge3A_197 = arith.cmpi sge, %add3A_184, %ge3A_196 : i32
      %convert_element_type3A_198 = arith.extui %ge3A_197 : i1 to i32
      %cond3A_199 = arith.constant 0 : i32
      %cond3A_200 = arith.cmpi ne, %convert_element_type3A_198, %cond3A_199 : i32
      scf.if %cond3A_200 {
        %sub3A = arith.constant 8 : i32
        %sub3A_321 = arith.subi %add3A_184, %sub3A : i32
        %mul3A_322 = arith.constant 512 : i32
        %mul3A_323 = arith.muli %sub3A_321, %mul3A_322 : i32
        %add3A_324 = arith.addi %mul3A_2, %mul3A_323 : i32
        %dma_wait3A_325 = arith.constant 0 : i32
        %dma_wait3A_326 = tpu.memref_slice %arg4[%add3A_324, %dma_wait3A_325] : memref<2097152x16xf32, #tpu.memory_space<hbm>> -> memref<512x16xf32, #tpu.memory_space<hbm>>
        %dma_wait3A_327 = arith.constant 0 : i32
        %dma_wait3A_328 = tpu.memref_slice %arg4[%add3A_324, %dma_wait3A_327] : memref<2097152x16xf32, #tpu.memory_space<hbm>> -> memref<512x16xf32, #tpu.memory_space<hbm>>
        tpu.wait_dma2 semaphore(%arg41 : memref<!tpu.dma_semaphore, #tpu.memory_space<semaphore_mem>>) src(%arg16 : memref<512x16xf32, #tpu.memory_space<vmem>>) dst(%dma_wait3A_328 : memref<512x16xf32, #tpu.memory_space<hbm>>)
      } else {
      }
      %dma_start3A_201 = arith.constant 0 : i32
      %dma_start3A_202 = arith.constant 0 : i32
      %dma_start3A_203 = tpu.memref_slice %arg21[%dma_start3A_201, %dma_start3A_202] : memref<512x16xf32, #tpu.memory_space<vmem_shared>> -> memref<512x16xf32, #tpu.memory_space<vmem_shared>>
      tpu.enqueue_indirect_dma source(%dma_start3A_203 : memref<512x16xf32, #tpu.memory_space<vmem_shared>>) target(%arg16 : memref<512x16xf32, #tpu.memory_space<vmem>>) offsets(%arg8 : memref<512xi32, #tpu.memory_space<vmem>>) semaphore(%arg33 : memref<!tpu.dma_semaphore, #tpu.memory_space<semaphore_mem>>)
      %ge3A_204 = arith.constant 1 : i32
      %ge3A_205 = arith.cmpi sge, %add3A_184, %ge3A_204 : i32
      %convert_element_type3A_206 = arith.extui %ge3A_205 : i1 to i32
      %cond3A_207 = arith.constant 0 : i32
      %cond3A_208 = arith.cmpi ne, %convert_element_type3A_206, %cond3A_207 : i32
      scf.if %cond3A_208 {
        %dma_wait3A_321 = arith.constant 0 : i32
        %dma_wait3A_322 = arith.constant 0 : i32
        %dma_wait3A_323 = tpu.memref_slice %arg21[%dma_wait3A_321, %dma_wait3A_322] : memref<512x16xf32, #tpu.memory_space<vmem_shared>> -> memref<512x16xf32, #tpu.memory_space<vmem_shared>>
        tpu.wait_indirect_dma semaphore(%arg32 : memref<!tpu.dma_semaphore, #tpu.memory_space<semaphore_mem>>) src(%dma_wait3A_323 : memref<512x16xf32, #tpu.memory_space<vmem_shared>>) dst(%arg15 : memref<512x16xf32, #tpu.memory_space<vmem>>)
        %sub3A = arith.constant 1 : i32
        %sub3A_324 = arith.subi %add3A_184, %sub3A : i32
        %mul3A_325 = arith.constant 512 : i32
        %mul3A_326 = arith.muli %sub3A_324, %mul3A_325 : i32
        %add3A_327 = arith.addi %mul3A_2, %mul3A_326 : i32
        %dma_start3A_328 = arith.constant 0 : i32
        %dma_start3A_329 = tpu.memref_slice %arg4[%add3A_327, %dma_start3A_328] : memref<2097152x16xf32, #tpu.memory_space<hbm>> -> memref<512x16xf32, #tpu.memory_space<hbm>>
        %dma_start3A_330 = arith.constant 0 : i32
        %dma_start3A_331 = tpu.memref_slice %arg4[%add3A_327, %dma_start3A_330] : memref<2097152x16xf32, #tpu.memory_space<hbm>> -> memref<512x16xf32, #tpu.memory_space<hbm>>
        tpu.enqueue_dma source(%arg15 : memref<512x16xf32, #tpu.memory_space<vmem>>) target(%dma_start3A_331 : memref<512x16xf32, #tpu.memory_space<hbm>>) target_semaphore(%arg40 : memref<!tpu.dma_semaphore, #tpu.memory_space<semaphore_mem>>)
        %add3A_332 = arith.constant 8 : i32
        %add3A_333 = arith.addi %add3A_184, %add3A_332 : i32
        %sub3A_334 = arith.constant 1 : i32
        %sub3A_335 = arith.subi %add3A_333, %sub3A_334 : i32
        %lt3A = arith.constant 128 : i32
        %lt3A_336 = arith.cmpi slt, %sub3A_335, %lt3A : i32
        %convert_element_type3A_337 = arith.extui %lt3A_336 : i1 to i32
        %cond3A_338 = arith.constant 0 : i32
        %cond3A_339 = arith.cmpi ne, %convert_element_type3A_337, %cond3A_338 : i32
        scf.if %cond3A_339 {
          %add3A_340 = arith.constant 8 : i32
          %add3A_341 = arith.addi %add3A_184, %add3A_340 : i32
          %sub3A_342 = arith.constant 1 : i32
          %sub3A_343 = arith.subi %add3A_341, %sub3A_342 : i32
          %mul3A_344 = arith.constant 512 : i32
          %mul3A_345 = arith.muli %sub3A_343, %mul3A_344 : i32
          %add3A_346 = arith.addi %mul3A_2, %mul3A_345 : i32
          %dma_start3A_347 = tpu.memref_slice %arg3[%add3A_346] : memref<2097152xi32, #tpu.memory_space<hbm>> -> memref<512xi32, #tpu.memory_space<hbm>>
          %dma_start3A_348 = tpu.memref_slice %arg3[%add3A_346] : memref<2097152xi32, #tpu.memory_space<hbm>> -> memref<512xi32, #tpu.memory_space<hbm>>
          tpu.enqueue_dma source(%dma_start3A_348 : memref<512xi32, #tpu.memory_space<hbm>>) target(%arg7 : memref<512xi32, #tpu.memory_space<vmem>>) target_semaphore(%arg24 : memref<!tpu.dma_semaphore, #tpu.memory_space<semaphore_mem>>)
        } else {
        }
      } else {
      }
      %mul3A_209 = arith.constant 8 : i32
      %mul3A_210 = arith.muli %scan3A_97, %mul3A_209 : i32
      %add3A_211 = arith.constant 4 : i32
      %add3A_212 = arith.addi %mul3A_210, %add3A_211 : i32
      %mul3A_213 = arith.constant 512 : i32
      %mul3A_214 = arith.muli %add3A_212, %mul3A_213 : i32
      %add3A_215 = arith.addi %mul3A_2, %mul3A_214 : i32
      %dma_wait3A_216 = tpu.memref_slice %arg3[%add3A_215] : memref<2097152xi32, #tpu.memory_space<hbm>> -> memref<512xi32, #tpu.memory_space<hbm>>
      %dma_wait3A_217 = tpu.memref_slice %arg3[%add3A_215] : memref<2097152xi32, #tpu.memory_space<hbm>> -> memref<512xi32, #tpu.memory_space<hbm>>
      tpu.wait_dma2 semaphore(%arg26 : memref<!tpu.dma_semaphore, #tpu.memory_space<semaphore_mem>>) src(%dma_wait3A_217 : memref<512xi32, #tpu.memory_space<hbm>>) dst(%arg9 : memref<512xi32, #tpu.memory_space<vmem>>)
      %scan3A_218 = arith.constant 0 : i32
      %scan3A_219 = arith.constant 0 : i32
      %scan3A_220 = arith.constant 32 : i32
      %scan3A_221 = arith.addi %scan3A_219, %scan3A_220 : i32
      %scan3A_222 = arith.constant 8 : i32
      scf.for %scan3A_321 = %scan3A_219 to %scan3A_221 step %scan3A_222  : i32 {
        %mul3A_322 = arith.constant 16 : i32
        %mul3A_323 = arith.muli %scan3A_321, %mul3A_322 : i32
        %get3A = arith.index_cast %mul3A_323 : i32 to index
        %get3A_324 = tpu.vector_load %arg9[%get3A] {strides = array<i32>} : memref<512xi32, #tpu.memory_space<vmem>>, vector<16xi32>,
        %get3A_325 = vector.shape_cast %get3A_324 : vector<16xi32> to vector<16xi32>
        %max3A = arith.constant -1 : i32
        %max3A_326 = vector.broadcast %max3A : i32 to vector<16xi32>
        %max3A_327 = arith.maxsi %get3A_325, %max3A_326 : vector<16xi32>
        %min3A = arith.constant 510 : i32
        %min3A_328 = vector.broadcast %min3A : i32 to vector<16xi32>
        %min3A_329 = arith.minsi %max3A_327, %min3A_328 : vector<16xi32>
        %add3A_330 = arith.constant 1 : i32
        %add3A_331 = vector.broadcast %add3A_330 : i32 to vector<16xi32>
        %add3A_332 = arith.addi %min3A_329, %add3A_331 : vector<16xi32>
        %mul3A_333 = arith.constant 16 : i32
        %mul3A_334 = arith.muli %scan3A_321, %mul3A_333 : i32
        %swap3A = arith.index_cast %mul3A_334 : i32 to index
        %swap3A_335 = tpu.vector_load %arg9[%swap3A] {strides = array<i32>} : memref<512xi32, #tpu.memory_space<vmem>>, vector<16xi32>,
        %swap3A_336 = vector.shape_cast %swap3A_335 : vector<16xi32> to vector<16xi32>
        %swap3A_337 = vector.shape_cast %add3A_332 : vector<16xi32> to vector<16xi32>
        tpu.vector_store %arg9[%swap3A], %swap3A_337 {strides = array<i32>} : memref<512xi32, #tpu.memory_space<vmem>>, vector<16xi32>,
        %scan3A_338 = arith.constant 1 : i32
        %scan3A_339 = arith.addi %scan3A_321, %scan3A_338 : i32
        %mul3A_340 = arith.constant 16 : i32
        %mul3A_341 = arith.muli %scan3A_339, %mul3A_340 : i32
        %get3A_342 = arith.index_cast %mul3A_341 : i32 to index
        %get3A_343 = tpu.vector_load %arg9[%get3A_342] {strides = array<i32>} : memref<512xi32, #tpu.memory_space<vmem>>, vector<16xi32>,
        %get3A_344 = vector.shape_cast %get3A_343 : vector<16xi32> to vector<16xi32>
        %max3A_345 = arith.constant -1 : i32
        %max3A_346 = vector.broadcast %max3A_345 : i32 to vector<16xi32>
        %max3A_347 = arith.maxsi %get3A_344, %max3A_346 : vector<16xi32>
        %min3A_348 = arith.constant 510 : i32
        %min3A_349 = vector.broadcast %min3A_348 : i32 to vector<16xi32>
        %min3A_350 = arith.minsi %max3A_347, %min3A_349 : vector<16xi32>
        %add3A_351 = arith.constant 1 : i32
        %add3A_352 = vector.broadcast %add3A_351 : i32 to vector<16xi32>
        %add3A_353 = arith.addi %min3A_350, %add3A_352 : vector<16xi32>
        %mul3A_354 = arith.constant 16 : i32
        %mul3A_355 = arith.muli %scan3A_339, %mul3A_354 : i32
        %swap3A_356 = arith.index_cast %mul3A_355 : i32 to index
        %swap3A_357 = tpu.vector_load %arg9[%swap3A_356] {strides = array<i32>} : memref<512xi32, #tpu.memory_space<vmem>>, vector<16xi32>,
        %swap3A_358 = vector.shape_cast %swap3A_357 : vector<16xi32> to vector<16xi32>
        %swap3A_359 = vector.shape_cast %add3A_353 : vector<16xi32> to vector<16xi32>
        tpu.vector_store %arg9[%swap3A_356], %swap3A_359 {strides = array<i32>} : memref<512xi32, #tpu.memory_space<vmem>>, vector<16xi32>,
        %scan3A_360 = arith.constant 2 : i32
        %scan3A_361 = arith.addi %scan3A_321, %scan3A_360 : i32
        %mul3A_362 = arith.constant 16 : i32
        %mul3A_363 = arith.muli %scan3A_361, %mul3A_362 : i32
        %get3A_364 = arith.index_cast %mul3A_363 : i32 to index
        %get3A_365 = tpu.vector_load %arg9[%get3A_364] {strides = array<i32>} : memref<512xi32, #tpu.memory_space<vmem>>, vector<16xi32>,
        %get3A_366 = vector.shape_cast %get3A_365 : vector<16xi32> to vector<16xi32>
        %max3A_367 = arith.constant -1 : i32
        %max3A_368 = vector.broadcast %max3A_367 : i32 to vector<16xi32>
        %max3A_369 = arith.maxsi %get3A_366, %max3A_368 : vector<16xi32>
        %min3A_370 = arith.constant 510 : i32
        %min3A_371 = vector.broadcast %min3A_370 : i32 to vector<16xi32>
        %min3A_372 = arith.minsi %max3A_369, %min3A_371 : vector<16xi32>
        %add3A_373 = arith.constant 1 : i32
        %add3A_374 = vector.broadcast %add3A_373 : i32 to vector<16xi32>
        %add3A_375 = arith.addi %min3A_372, %add3A_374 : vector<16xi32>
        %mul3A_376 = arith.constant 16 : i32
        %mul3A_377 = arith.muli %scan3A_361, %mul3A_376 : i32
        %swap3A_378 = arith.index_cast %mul3A_377 : i32 to index
        %swap3A_379 = tpu.vector_load %arg9[%swap3A_378] {strides = array<i32>} : memref<512xi32, #tpu.memory_space<vmem>>, vector<16xi32>,
        %swap3A_380 = vector.shape_cast %swap3A_379 : vector<16xi32> to vector<16xi32>
        %swap3A_381 = vector.shape_cast %add3A_375 : vector<16xi32> to vector<16xi32>
        tpu.vector_store %arg9[%swap3A_378], %swap3A_381 {strides = array<i32>} : memref<512xi32, #tpu.memory_space<vmem>>, vector<16xi32>,
        %scan3A_382 = arith.constant 3 : i32
        %scan3A_383 = arith.addi %scan3A_321, %scan3A_382 : i32
        %mul3A_384 = arith.constant 16 : i32
        %mul3A_385 = arith.muli %scan3A_383, %mul3A_384 : i32
        %get3A_386 = arith.index_cast %mul3A_385 : i32 to index
        %get3A_387 = tpu.vector_load %arg9[%get3A_386] {strides = array<i32>} : memref<512xi32, #tpu.memory_space<vmem>>, vector<16xi32>,
        %get3A_388 = vector.shape_cast %get3A_387 : vector<16xi32> to vector<16xi32>
        %max3A_389 = arith.constant -1 : i32
        %max3A_390 = vector.broadcast %max3A_389 : i32 to vector<16xi32>
        %max3A_391 = arith.maxsi %get3A_388, %max3A_390 : vector<16xi32>
        %min3A_392 = arith.constant 510 : i32
        %min3A_393 = vector.broadcast %min3A_392 : i32 to vector<16xi32>
        %min3A_394 = arith.minsi %max3A_391, %min3A_393 : vector<16xi32>
        %add3A_395 = arith.constant 1 : i32
        %add3A_396 = vector.broadcast %add3A_395 : i32 to vector<16xi32>
        %add3A_397 = arith.addi %min3A_394, %add3A_396 : vector<16xi32>
        %mul3A_398 = arith.constant 16 : i32
        %mul3A_399 = arith.muli %scan3A_383, %mul3A_398 : i32
        %swap3A_400 = arith.index_cast %mul3A_399 : i32 to index
        %swap3A_401 = tpu.vector_load %arg9[%swap3A_400] {strides = array<i32>} : memref<512xi32, #tpu.memory_space<vmem>>, vector<16xi32>,
        %swap3A_402 = vector.shape_cast %swap3A_401 : vector<16xi32> to vector<16xi32>
        %swap3A_403 = vector.shape_cast %add3A_397 : vector<16xi32> to vector<16xi32>
        tpu.vector_store %arg9[%swap3A_400], %swap3A_403 {strides = array<i32>} : memref<512xi32, #tpu.memory_space<vmem>>, vector<16xi32>,
        %scan3A_404 = arith.constant 4 : i32
        %scan3A_405 = arith.addi %scan3A_321, %scan3A_404 : i32
        %mul3A_406 = arith.constant 16 : i32
        %mul3A_407 = arith.muli %scan3A_405, %mul3A_406 : i32
        %get3A_408 = arith.index_cast %mul3A_407 : i32 to index
        %get3A_409 = tpu.vector_load %arg9[%get3A_408] {strides = array<i32>} : memref<512xi32, #tpu.memory_space<vmem>>, vector<16xi32>,
        %get3A_410 = vector.shape_cast %get3A_409 : vector<16xi32> to vector<16xi32>
        %max3A_411 = arith.constant -1 : i32
        %max3A_412 = vector.broadcast %max3A_411 : i32 to vector<16xi32>
        %max3A_413 = arith.maxsi %get3A_410, %max3A_412 : vector<16xi32>
        %min3A_414 = arith.constant 510 : i32
        %min3A_415 = vector.broadcast %min3A_414 : i32 to vector<16xi32>
        %min3A_416 = arith.minsi %max3A_413, %min3A_415 : vector<16xi32>
        %add3A_417 = arith.constant 1 : i32
        %add3A_418 = vector.broadcast %add3A_417 : i32 to vector<16xi32>
        %add3A_419 = arith.addi %min3A_416, %add3A_418 : vector<16xi32>
        %mul3A_420 = arith.constant 16 : i32
        %mul3A_421 = arith.muli %scan3A_405, %mul3A_420 : i32
        %swap3A_422 = arith.index_cast %mul3A_421 : i32 to index
        %swap3A_423 = tpu.vector_load %arg9[%swap3A_422] {strides = array<i32>} : memref<512xi32, #tpu.memory_space<vmem>>, vector<16xi32>,
        %swap3A_424 = vector.shape_cast %swap3A_423 : vector<16xi32> to vector<16xi32>
        %swap3A_425 = vector.shape_cast %add3A_419 : vector<16xi32> to vector<16xi32>
        tpu.vector_store %arg9[%swap3A_422], %swap3A_425 {strides = array<i32>} : memref<512xi32, #tpu.memory_space<vmem>>, vector<16xi32>,
        %scan3A_426 = arith.constant 5 : i32
        %scan3A_427 = arith.addi %scan3A_321, %scan3A_426 : i32
        %mul3A_428 = arith.constant 16 : i32
        %mul3A_429 = arith.muli %scan3A_427, %mul3A_428 : i32
        %get3A_430 = arith.index_cast %mul3A_429 : i32 to index
        %get3A_431 = tpu.vector_load %arg9[%get3A_430] {strides = array<i32>} : memref<512xi32, #tpu.memory_space<vmem>>, vector<16xi32>,
        %get3A_432 = vector.shape_cast %get3A_431 : vector<16xi32> to vector<16xi32>
        %max3A_433 = arith.constant -1 : i32
        %max3A_434 = vector.broadcast %max3A_433 : i32 to vector<16xi32>
        %max3A_435 = arith.maxsi %get3A_432, %max3A_434 : vector<16xi32>
        %min3A_436 = arith.constant 510 : i32
        %min3A_437 = vector.broadcast %min3A_436 : i32 to vector<16xi32>
        %min3A_438 = arith.minsi %max3A_435, %min3A_437 : vector<16xi32>
        %add3A_439 = arith.constant 1 : i32
        %add3A_440 = vector.broadcast %add3A_439 : i32 to vector<16xi32>
        %add3A_441 = arith.addi %min3A_438, %add3A_440 : vector<16xi32>
        %mul3A_442 = arith.constant 16 : i32
        %mul3A_443 = arith.muli %scan3A_427, %mul3A_442 : i32
        %swap3A_444 = arith.index_cast %mul3A_443 : i32 to index
        %swap3A_445 = tpu.vector_load %arg9[%swap3A_444] {strides = array<i32>} : memref<512xi32, #tpu.memory_space<vmem>>, vector<16xi32>,
        %swap3A_446 = vector.shape_cast %swap3A_445 : vector<16xi32> to vector<16xi32>
        %swap3A_447 = vector.shape_cast %add3A_441 : vector<16xi32> to vector<16xi32>
        tpu.vector_store %arg9[%swap3A_444], %swap3A_447 {strides = array<i32>} : memref<512xi32, #tpu.memory_space<vmem>>, vector<16xi32>,
        %scan3A_448 = arith.constant 6 : i32
        %scan3A_449 = arith.addi %scan3A_321, %scan3A_448 : i32
        %mul3A_450 = arith.constant 16 : i32
        %mul3A_451 = arith.muli %scan3A_449, %mul3A_450 : i32
        %get3A_452 = arith.index_cast %mul3A_451 : i32 to index
        %get3A_453 = tpu.vector_load %arg9[%get3A_452] {strides = array<i32>} : memref<512xi32, #tpu.memory_space<vmem>>, vector<16xi32>,
        %get3A_454 = vector.shape_cast %get3A_453 : vector<16xi32> to vector<16xi32>
        %max3A_455 = arith.constant -1 : i32
        %max3A_456 = vector.broadcast %max3A_455 : i32 to vector<16xi32>
        %max3A_457 = arith.maxsi %get3A_454, %max3A_456 : vector<16xi32>
        %min3A_458 = arith.constant 510 : i32
        %min3A_459 = vector.broadcast %min3A_458 : i32 to vector<16xi32>
        %min3A_460 = arith.minsi %max3A_457, %min3A_459 : vector<16xi32>
        %add3A_461 = arith.constant 1 : i32
        %add3A_462 = vector.broadcast %add3A_461 : i32 to vector<16xi32>
        %add3A_463 = arith.addi %min3A_460, %add3A_462 : vector<16xi32>
        %mul3A_464 = arith.constant 16 : i32
        %mul3A_465 = arith.muli %scan3A_449, %mul3A_464 : i32
        %swap3A_466 = arith.index_cast %mul3A_465 : i32 to index
        %swap3A_467 = tpu.vector_load %arg9[%swap3A_466] {strides = array<i32>} : memref<512xi32, #tpu.memory_space<vmem>>, vector<16xi32>,
        %swap3A_468 = vector.shape_cast %swap3A_467 : vector<16xi32> to vector<16xi32>
        %swap3A_469 = vector.shape_cast %add3A_463 : vector<16xi32> to vector<16xi32>
        tpu.vector_store %arg9[%swap3A_466], %swap3A_469 {strides = array<i32>} : memref<512xi32, #tpu.memory_space<vmem>>, vector<16xi32>,
        %scan3A_470 = arith.constant 7 : i32
        %scan3A_471 = arith.addi %scan3A_321, %scan3A_470 : i32
        %mul3A_472 = arith.constant 16 : i32
        %mul3A_473 = arith.muli %scan3A_471, %mul3A_472 : i32
        %get3A_474 = arith.index_cast %mul3A_473 : i32 to index
        %get3A_475 = tpu.vector_load %arg9[%get3A_474] {strides = array<i32>} : memref<512xi32, #tpu.memory_space<vmem>>, vector<16xi32>,
        %get3A_476 = vector.shape_cast %get3A_475 : vector<16xi32> to vector<16xi32>
        %max3A_477 = arith.constant -1 : i32
        %max3A_478 = vector.broadcast %max3A_477 : i32 to vector<16xi32>
        %max3A_479 = arith.maxsi %get3A_476, %max3A_478 : vector<16xi32>
        %min3A_480 = arith.constant 510 : i32
        %min3A_481 = vector.broadcast %min3A_480 : i32 to vector<16xi32>
        %min3A_482 = arith.minsi %max3A_479, %min3A_481 : vector<16xi32>
        %add3A_483 = arith.constant 1 : i32
        %add3A_484 = vector.broadcast %add3A_483 : i32 to vector<16xi32>
        %add3A_485 = arith.addi %min3A_482, %add3A_484 : vector<16xi32>
        %mul3A_486 = arith.constant 16 : i32
        %mul3A_487 = arith.muli %scan3A_471, %mul3A_486 : i32
        %swap3A_488 = arith.index_cast %mul3A_487 : i32 to index
        %swap3A_489 = tpu.vector_load %arg9[%swap3A_488] {strides = array<i32>} : memref<512xi32, #tpu.memory_space<vmem>>, vector<16xi32>,
        %swap3A_490 = vector.shape_cast %swap3A_489 : vector<16xi32> to vector<16xi32>
        %swap3A_491 = vector.shape_cast %add3A_485 : vector<16xi32> to vector<16xi32>
        tpu.vector_store %arg9[%swap3A_488], %swap3A_491 {strides = array<i32>} : memref<512xi32, #tpu.memory_space<vmem>>, vector<16xi32>,
      }
      %scan3A_223 = arith.constant 32 : i32
      %ge3A_224 = arith.constant 8 : i32
      %ge3A_225 = arith.cmpi sge, %add3A_212, %ge3A_224 : i32
      %convert_element_type3A_226 = arith.extui %ge3A_225 : i1 to i32
      %cond3A_227 = arith.constant 0 : i32
      %cond3A_228 = arith.cmpi ne, %convert_element_type3A_226, %cond3A_227 : i32
      scf.if %cond3A_228 {
        %sub3A = arith.constant 8 : i32
        %sub3A_321 = arith.subi %add3A_212, %sub3A : i32
        %mul3A_322 = arith.constant 512 : i32
        %mul3A_323 = arith.muli %sub3A_321, %mul3A_322 : i32
        %add3A_324 = arith.addi %mul3A_2, %mul3A_323 : i32
        %dma_wait3A_325 = arith.constant 0 : i32
        %dma_wait3A_326 = tpu.memref_slice %arg4[%add3A_324, %dma_wait3A_325] : memref<2097152x16xf32, #tpu.memory_space<hbm>> -> memref<512x16xf32, #tpu.memory_space<hbm>>
        %dma_wait3A_327 = arith.constant 0 : i32
        %dma_wait3A_328 = tpu.memref_slice %arg4[%add3A_324, %dma_wait3A_327] : memref<2097152x16xf32, #tpu.memory_space<hbm>> -> memref<512x16xf32, #tpu.memory_space<hbm>>
        tpu.wait_dma2 semaphore(%arg42 : memref<!tpu.dma_semaphore, #tpu.memory_space<semaphore_mem>>) src(%arg17 : memref<512x16xf32, #tpu.memory_space<vmem>>) dst(%dma_wait3A_328 : memref<512x16xf32, #tpu.memory_space<hbm>>)
      } else {
      }
      %dma_start3A_229 = arith.constant 0 : i32
      %dma_start3A_230 = arith.constant 0 : i32
      %dma_start3A_231 = tpu.memref_slice %arg21[%dma_start3A_229, %dma_start3A_230] : memref<512x16xf32, #tpu.memory_space<vmem_shared>> -> memref<512x16xf32, #tpu.memory_space<vmem_shared>>
      tpu.enqueue_indirect_dma source(%dma_start3A_231 : memref<512x16xf32, #tpu.memory_space<vmem_shared>>) target(%arg17 : memref<512x16xf32, #tpu.memory_space<vmem>>) offsets(%arg9 : memref<512xi32, #tpu.memory_space<vmem>>) semaphore(%arg34 : memref<!tpu.dma_semaphore, #tpu.memory_space<semaphore_mem>>)
      %ge3A_232 = arith.constant 1 : i32
      %ge3A_233 = arith.cmpi sge, %add3A_212, %ge3A_232 : i32
      %convert_element_type3A_234 = arith.extui %ge3A_233 : i1 to i32
      %cond3A_235 = arith.constant 0 : i32
      %cond3A_236 = arith.cmpi ne, %convert_element_type3A_234, %cond3A_235 : i32
      scf.if %cond3A_236 {
        %dma_wait3A_321 = arith.constant 0 : i32
        %dma_wait3A_322 = arith.constant 0 : i32
        %dma_wait3A_323 = tpu.memref_slice %arg21[%dma_wait3A_321, %dma_wait3A_322] : memref<512x16xf32, #tpu.memory_space<vmem_shared>> -> memref<512x16xf32, #tpu.memory_space<vmem_shared>>
        tpu.wait_indirect_dma semaphore(%arg33 : memref<!tpu.dma_semaphore, #tpu.memory_space<semaphore_mem>>) src(%dma_wait3A_323 : memref<512x16xf32, #tpu.memory_space<vmem_shared>>) dst(%arg16 : memref<512x16xf32, #tpu.memory_space<vmem>>)
        %sub3A = arith.constant 1 : i32
        %sub3A_324 = arith.subi %add3A_212, %sub3A : i32
        %mul3A_325 = arith.constant 512 : i32
        %mul3A_326 = arith.muli %sub3A_324, %mul3A_325 : i32
        %add3A_327 = arith.addi %mul3A_2, %mul3A_326 : i32
        %dma_start3A_328 = arith.constant 0 : i32
        %dma_start3A_329 = tpu.memref_slice %arg4[%add3A_327, %dma_start3A_328] : memref<2097152x16xf32, #tpu.memory_space<hbm>> -> memref<512x16xf32, #tpu.memory_space<hbm>>
        %dma_start3A_330 = arith.constant 0 : i32
        %dma_start3A_331 = tpu.memref_slice %arg4[%add3A_327, %dma_start3A_330] : memref<2097152x16xf32, #tpu.memory_space<hbm>> -> memref<512x16xf32, #tpu.memory_space<hbm>>
        tpu.enqueue_dma source(%arg16 : memref<512x16xf32, #tpu.memory_space<vmem>>) target(%dma_start3A_331 : memref<512x16xf32, #tpu.memory_space<hbm>>) target_semaphore(%arg41 : memref<!tpu.dma_semaphore, #tpu.memory_space<semaphore_mem>>)
        %add3A_332 = arith.constant 8 : i32
        %add3A_333 = arith.addi %add3A_212, %add3A_332 : i32
        %sub3A_334 = arith.constant 1 : i32
        %sub3A_335 = arith.subi %add3A_333, %sub3A_334 : i32
        %lt3A = arith.constant 128 : i32
        %lt3A_336 = arith.cmpi slt, %sub3A_335, %lt3A : i32
        %convert_element_type3A_337 = arith.extui %lt3A_336 : i1 to i32
        %cond3A_338 = arith.constant 0 : i32
        %cond3A_339 = arith.cmpi ne, %convert_element_type3A_337, %cond3A_338 : i32
        scf.if %cond3A_339 {
          %add3A_340 = arith.constant 8 : i32
          %add3A_341 = arith.addi %add3A_212, %add3A_340 : i32
          %sub3A_342 = arith.constant 1 : i32
          %sub3A_343 = arith.subi %add3A_341, %sub3A_342 : i32
          %mul3A_344 = arith.constant 512 : i32
          %mul3A_345 = arith.muli %sub3A_343, %mul3A_344 : i32
          %add3A_346 = arith.addi %mul3A_2, %mul3A_345 : i32
          %dma_start3A_347 = tpu.memref_slice %arg3[%add3A_346] : memref<2097152xi32, #tpu.memory_space<hbm>> -> memref<512xi32, #tpu.memory_space<hbm>>
          %dma_start3A_348 = tpu.memref_slice %arg3[%add3A_346] : memref<2097152xi32, #tpu.memory_space<hbm>> -> memref<512xi32, #tpu.memory_space<hbm>>
          tpu.enqueue_dma source(%dma_start3A_348 : memref<512xi32, #tpu.memory_space<hbm>>) target(%arg8 : memref<512xi32, #tpu.memory_space<vmem>>) target_semaphore(%arg25 : memref<!tpu.dma_semaphore, #tpu.memory_space<semaphore_mem>>)
        } else {
        }
      } else {
      }
      %mul3A_237 = arith.constant 8 : i32
      %mul3A_238 = arith.muli %scan3A_97, %mul3A_237 : i32
      %add3A_239 = arith.constant 5 : i32
      %add3A_240 = arith.addi %mul3A_238, %add3A_239 : i32
      %mul3A_241 = arith.constant 512 : i32
      %mul3A_242 = arith.muli %add3A_240, %mul3A_241 : i32
      %add3A_243 = arith.addi %mul3A_2, %mul3A_242 : i32
      %dma_wait3A_244 = tpu.memref_slice %arg3[%add3A_243] : memref<2097152xi32, #tpu.memory_space<hbm>> -> memref<512xi32, #tpu.memory_space<hbm>>
      %dma_wait3A_245 = tpu.memref_slice %arg3[%add3A_243] : memref<2097152xi32, #tpu.memory_space<hbm>> -> memref<512xi32, #tpu.memory_space<hbm>>
      tpu.wait_dma2 semaphore(%arg27 : memref<!tpu.dma_semaphore, #tpu.memory_space<semaphore_mem>>) src(%dma_wait3A_245 : memref<512xi32, #tpu.memory_space<hbm>>) dst(%arg10 : memref<512xi32, #tpu.memory_space<vmem>>)
      %scan3A_246 = arith.constant 0 : i32
      %scan3A_247 = arith.constant 0 : i32
      %scan3A_248 = arith.constant 32 : i32
      %scan3A_249 = arith.addi %scan3A_247, %scan3A_248 : i32
      %scan3A_250 = arith.constant 8 : i32
      scf.for %scan3A_321 = %scan3A_247 to %scan3A_249 step %scan3A_250  : i32 {
        %mul3A_322 = arith.constant 16 : i32
        %mul3A_323 = arith.muli %scan3A_321, %mul3A_322 : i32
        %get3A = arith.index_cast %mul3A_323 : i32 to index
        %get3A_324 = tpu.vector_load %arg10[%get3A] {strides = array<i32>} : memref<512xi32, #tpu.memory_space<vmem>>, vector<16xi32>,
        %get3A_325 = vector.shape_cast %get3A_324 : vector<16xi32> to vector<16xi32>
        %max3A = arith.constant -1 : i32
        %max3A_326 = vector.broadcast %max3A : i32 to vector<16xi32>
        %max3A_327 = arith.maxsi %get3A_325, %max3A_326 : vector<16xi32>
        %min3A = arith.constant 510 : i32
        %min3A_328 = vector.broadcast %min3A : i32 to vector<16xi32>
        %min3A_329 = arith.minsi %max3A_327, %min3A_328 : vector<16xi32>
        %add3A_330 = arith.constant 1 : i32
        %add3A_331 = vector.broadcast %add3A_330 : i32 to vector<16xi32>
        %add3A_332 = arith.addi %min3A_329, %add3A_331 : vector<16xi32>
        %mul3A_333 = arith.constant 16 : i32
        %mul3A_334 = arith.muli %scan3A_321, %mul3A_333 : i32
        %swap3A = arith.index_cast %mul3A_334 : i32 to index
        %swap3A_335 = tpu.vector_load %arg10[%swap3A] {strides = array<i32>} : memref<512xi32, #tpu.memory_space<vmem>>, vector<16xi32>,
        %swap3A_336 = vector.shape_cast %swap3A_335 : vector<16xi32> to vector<16xi32>
        %swap3A_337 = vector.shape_cast %add3A_332 : vector<16xi32> to vector<16xi32>
        tpu.vector_store %arg10[%swap3A], %swap3A_337 {strides = array<i32>} : memref<512xi32, #tpu.memory_space<vmem>>, vector<16xi32>,
        %scan3A_338 = arith.constant 1 : i32
        %scan3A_339 = arith.addi %scan3A_321, %scan3A_338 : i32
        %mul3A_340 = arith.constant 16 : i32
        %mul3A_341 = arith.muli %scan3A_339, %mul3A_340 : i32
        %get3A_342 = arith.index_cast %mul3A_341 : i32 to index
        %get3A_343 = tpu.vector_load %arg10[%get3A_342] {strides = array<i32>} : memref<512xi32, #tpu.memory_space<vmem>>, vector<16xi32>,
        %get3A_344 = vector.shape_cast %get3A_343 : vector<16xi32> to vector<16xi32>
        %max3A_345 = arith.constant -1 : i32
        %max3A_346 = vector.broadcast %max3A_345 : i32 to vector<16xi32>
        %max3A_347 = arith.maxsi %get3A_344, %max3A_346 : vector<16xi32>
        %min3A_348 = arith.constant 510 : i32
        %min3A_349 = vector.broadcast %min3A_348 : i32 to vector<16xi32>
        %min3A_350 = arith.minsi %max3A_347, %min3A_349 : vector<16xi32>
        %add3A_351 = arith.constant 1 : i32
        %add3A_352 = vector.broadcast %add3A_351 : i32 to vector<16xi32>
        %add3A_353 = arith.addi %min3A_350, %add3A_352 : vector<16xi32>
        %mul3A_354 = arith.constant 16 : i32
        %mul3A_355 = arith.muli %scan3A_339, %mul3A_354 : i32
        %swap3A_356 = arith.index_cast %mul3A_355 : i32 to index
        %swap3A_357 = tpu.vector_load %arg10[%swap3A_356] {strides = array<i32>} : memref<512xi32, #tpu.memory_space<vmem>>, vector<16xi32>,
        %swap3A_358 = vector.shape_cast %swap3A_357 : vector<16xi32> to vector<16xi32>
        %swap3A_359 = vector.shape_cast %add3A_353 : vector<16xi32> to vector<16xi32>
        tpu.vector_store %arg10[%swap3A_356], %swap3A_359 {strides = array<i32>} : memref<512xi32, #tpu.memory_space<vmem>>, vector<16xi32>,
        %scan3A_360 = arith.constant 2 : i32
        %scan3A_361 = arith.addi %scan3A_321, %scan3A_360 : i32
        %mul3A_362 = arith.constant 16 : i32
        %mul3A_363 = arith.muli %scan3A_361, %mul3A_362 : i32
        %get3A_364 = arith.index_cast %mul3A_363 : i32 to index
        %get3A_365 = tpu.vector_load %arg10[%get3A_364] {strides = array<i32>} : memref<512xi32, #tpu.memory_space<vmem>>, vector<16xi32>,
        %get3A_366 = vector.shape_cast %get3A_365 : vector<16xi32> to vector<16xi32>
        %max3A_367 = arith.constant -1 : i32
        %max3A_368 = vector.broadcast %max3A_367 : i32 to vector<16xi32>
        %max3A_369 = arith.maxsi %get3A_366, %max3A_368 : vector<16xi32>
        %min3A_370 = arith.constant 510 : i32
        %min3A_371 = vector.broadcast %min3A_370 : i32 to vector<16xi32>
        %min3A_372 = arith.minsi %max3A_369, %min3A_371 : vector<16xi32>
        %add3A_373 = arith.constant 1 : i32
        %add3A_374 = vector.broadcast %add3A_373 : i32 to vector<16xi32>
        %add3A_375 = arith.addi %min3A_372, %add3A_374 : vector<16xi32>
        %mul3A_376 = arith.constant 16 : i32
        %mul3A_377 = arith.muli %scan3A_361, %mul3A_376 : i32
        %swap3A_378 = arith.index_cast %mul3A_377 : i32 to index
        %swap3A_379 = tpu.vector_load %arg10[%swap3A_378] {strides = array<i32>} : memref<512xi32, #tpu.memory_space<vmem>>, vector<16xi32>,
        %swap3A_380 = vector.shape_cast %swap3A_379 : vector<16xi32> to vector<16xi32>
        %swap3A_381 = vector.shape_cast %add3A_375 : vector<16xi32> to vector<16xi32>
        tpu.vector_store %arg10[%swap3A_378], %swap3A_381 {strides = array<i32>} : memref<512xi32, #tpu.memory_space<vmem>>, vector<16xi32>,
        %scan3A_382 = arith.constant 3 : i32
        %scan3A_383 = arith.addi %scan3A_321, %scan3A_382 : i32
        %mul3A_384 = arith.constant 16 : i32
        %mul3A_385 = arith.muli %scan3A_383, %mul3A_384 : i32
        %get3A_386 = arith.index_cast %mul3A_385 : i32 to index
        %get3A_387 = tpu.vector_load %arg10[%get3A_386] {strides = array<i32>} : memref<512xi32, #tpu.memory_space<vmem>>, vector<16xi32>,
        %get3A_388 = vector.shape_cast %get3A_387 : vector<16xi32> to vector<16xi32>
        %max3A_389 = arith.constant -1 : i32
        %max3A_390 = vector.broadcast %max3A_389 : i32 to vector<16xi32>
        %max3A_391 = arith.maxsi %get3A_388, %max3A_390 : vector<16xi32>
        %min3A_392 = arith.constant 510 : i32
        %min3A_393 = vector.broadcast %min3A_392 : i32 to vector<16xi32>
        %min3A_394 = arith.minsi %max3A_391, %min3A_393 : vector<16xi32>
        %add3A_395 = arith.constant 1 : i32
        %add3A_396 = vector.broadcast %add3A_395 : i32 to vector<16xi32>
        %add3A_397 = arith.addi %min3A_394, %add3A_396 : vector<16xi32>
        %mul3A_398 = arith.constant 16 : i32
        %mul3A_399 = arith.muli %scan3A_383, %mul3A_398 : i32
        %swap3A_400 = arith.index_cast %mul3A_399 : i32 to index
        %swap3A_401 = tpu.vector_load %arg10[%swap3A_400] {strides = array<i32>} : memref<512xi32, #tpu.memory_space<vmem>>, vector<16xi32>,
        %swap3A_402 = vector.shape_cast %swap3A_401 : vector<16xi32> to vector<16xi32>
        %swap3A_403 = vector.shape_cast %add3A_397 : vector<16xi32> to vector<16xi32>
        tpu.vector_store %arg10[%swap3A_400], %swap3A_403 {strides = array<i32>} : memref<512xi32, #tpu.memory_space<vmem>>, vector<16xi32>,
        %scan3A_404 = arith.constant 4 : i32
        %scan3A_405 = arith.addi %scan3A_321, %scan3A_404 : i32
        %mul3A_406 = arith.constant 16 : i32
        %mul3A_407 = arith.muli %scan3A_405, %mul3A_406 : i32
        %get3A_408 = arith.index_cast %mul3A_407 : i32 to index
        %get3A_409 = tpu.vector_load %arg10[%get3A_408] {strides = array<i32>} : memref<512xi32, #tpu.memory_space<vmem>>, vector<16xi32>,
        %get3A_410 = vector.shape_cast %get3A_409 : vector<16xi32> to vector<16xi32>
        %max3A_411 = arith.constant -1 : i32
        %max3A_412 = vector.broadcast %max3A_411 : i32 to vector<16xi32>
        %max3A_413 = arith.maxsi %get3A_410, %max3A_412 : vector<16xi32>
        %min3A_414 = arith.constant 510 : i32
        %min3A_415 = vector.broadcast %min3A_414 : i32 to vector<16xi32>
        %min3A_416 = arith.minsi %max3A_413, %min3A_415 : vector<16xi32>
        %add3A_417 = arith.constant 1 : i32
        %add3A_418 = vector.broadcast %add3A_417 : i32 to vector<16xi32>
        %add3A_419 = arith.addi %min3A_416, %add3A_418 : vector<16xi32>
        %mul3A_420 = arith.constant 16 : i32
        %mul3A_421 = arith.muli %scan3A_405, %mul3A_420 : i32
        %swap3A_422 = arith.index_cast %mul3A_421 : i32 to index
        %swap3A_423 = tpu.vector_load %arg10[%swap3A_422] {strides = array<i32>} : memref<512xi32, #tpu.memory_space<vmem>>, vector<16xi32>,
        %swap3A_424 = vector.shape_cast %swap3A_423 : vector<16xi32> to vector<16xi32>
        %swap3A_425 = vector.shape_cast %add3A_419 : vector<16xi32> to vector<16xi32>
        tpu.vector_store %arg10[%swap3A_422], %swap3A_425 {strides = array<i32>} : memref<512xi32, #tpu.memory_space<vmem>>, vector<16xi32>,
        %scan3A_426 = arith.constant 5 : i32
        %scan3A_427 = arith.addi %scan3A_321, %scan3A_426 : i32
        %mul3A_428 = arith.constant 16 : i32
        %mul3A_429 = arith.muli %scan3A_427, %mul3A_428 : i32
        %get3A_430 = arith.index_cast %mul3A_429 : i32 to index
        %get3A_431 = tpu.vector_load %arg10[%get3A_430] {strides = array<i32>} : memref<512xi32, #tpu.memory_space<vmem>>, vector<16xi32>,
        %get3A_432 = vector.shape_cast %get3A_431 : vector<16xi32> to vector<16xi32>
        %max3A_433 = arith.constant -1 : i32
        %max3A_434 = vector.broadcast %max3A_433 : i32 to vector<16xi32>
        %max3A_435 = arith.maxsi %get3A_432, %max3A_434 : vector<16xi32>
        %min3A_436 = arith.constant 510 : i32
        %min3A_437 = vector.broadcast %min3A_436 : i32 to vector<16xi32>
        %min3A_438 = arith.minsi %max3A_435, %min3A_437 : vector<16xi32>
        %add3A_439 = arith.constant 1 : i32
        %add3A_440 = vector.broadcast %add3A_439 : i32 to vector<16xi32>
        %add3A_441 = arith.addi %min3A_438, %add3A_440 : vector<16xi32>
        %mul3A_442 = arith.constant 16 : i32
        %mul3A_443 = arith.muli %scan3A_427, %mul3A_442 : i32
        %swap3A_444 = arith.index_cast %mul3A_443 : i32 to index
        %swap3A_445 = tpu.vector_load %arg10[%swap3A_444] {strides = array<i32>} : memref<512xi32, #tpu.memory_space<vmem>>, vector<16xi32>,
        %swap3A_446 = vector.shape_cast %swap3A_445 : vector<16xi32> to vector<16xi32>
        %swap3A_447 = vector.shape_cast %add3A_441 : vector<16xi32> to vector<16xi32>
        tpu.vector_store %arg10[%swap3A_444], %swap3A_447 {strides = array<i32>} : memref<512xi32, #tpu.memory_space<vmem>>, vector<16xi32>,
        %scan3A_448 = arith.constant 6 : i32
        %scan3A_449 = arith.addi %scan3A_321, %scan3A_448 : i32
        %mul3A_450 = arith.constant 16 : i32
        %mul3A_451 = arith.muli %scan3A_449, %mul3A_450 : i32
        %get3A_452 = arith.index_cast %mul3A_451 : i32 to index
        %get3A_453 = tpu.vector_load %arg10[%get3A_452] {strides = array<i32>} : memref<512xi32, #tpu.memory_space<vmem>>, vector<16xi32>,
        %get3A_454 = vector.shape_cast %get3A_453 : vector<16xi32> to vector<16xi32>
        %max3A_455 = arith.constant -1 : i32
        %max3A_456 = vector.broadcast %max3A_455 : i32 to vector<16xi32>
        %max3A_457 = arith.maxsi %get3A_454, %max3A_456 : vector<16xi32>
        %min3A_458 = arith.constant 510 : i32
        %min3A_459 = vector.broadcast %min3A_458 : i32 to vector<16xi32>
        %min3A_460 = arith.minsi %max3A_457, %min3A_459 : vector<16xi32>
        %add3A_461 = arith.constant 1 : i32
        %add3A_462 = vector.broadcast %add3A_461 : i32 to vector<16xi32>
        %add3A_463 = arith.addi %min3A_460, %add3A_462 : vector<16xi32>
        %mul3A_464 = arith.constant 16 : i32
        %mul3A_465 = arith.muli %scan3A_449, %mul3A_464 : i32
        %swap3A_466 = arith.index_cast %mul3A_465 : i32 to index
        %swap3A_467 = tpu.vector_load %arg10[%swap3A_466] {strides = array<i32>} : memref<512xi32, #tpu.memory_space<vmem>>, vector<16xi32>,
        %swap3A_468 = vector.shape_cast %swap3A_467 : vector<16xi32> to vector<16xi32>
        %swap3A_469 = vector.shape_cast %add3A_463 : vector<16xi32> to vector<16xi32>
        tpu.vector_store %arg10[%swap3A_466], %swap3A_469 {strides = array<i32>} : memref<512xi32, #tpu.memory_space<vmem>>, vector<16xi32>,
        %scan3A_470 = arith.constant 7 : i32
        %scan3A_471 = arith.addi %scan3A_321, %scan3A_470 : i32
        %mul3A_472 = arith.constant 16 : i32
        %mul3A_473 = arith.muli %scan3A_471, %mul3A_472 : i32
        %get3A_474 = arith.index_cast %mul3A_473 : i32 to index
        %get3A_475 = tpu.vector_load %arg10[%get3A_474] {strides = array<i32>} : memref<512xi32, #tpu.memory_space<vmem>>, vector<16xi32>,
        %get3A_476 = vector.shape_cast %get3A_475 : vector<16xi32> to vector<16xi32>
        %max3A_477 = arith.constant -1 : i32
        %max3A_478 = vector.broadcast %max3A_477 : i32 to vector<16xi32>
        %max3A_479 = arith.maxsi %get3A_476, %max3A_478 : vector<16xi32>
        %min3A_480 = arith.constant 510 : i32
        %min3A_481 = vector.broadcast %min3A_480 : i32 to vector<16xi32>
        %min3A_482 = arith.minsi %max3A_479, %min3A_481 : vector<16xi32>
        %add3A_483 = arith.constant 1 : i32
        %add3A_484 = vector.broadcast %add3A_483 : i32 to vector<16xi32>
        %add3A_485 = arith.addi %min3A_482, %add3A_484 : vector<16xi32>
        %mul3A_486 = arith.constant 16 : i32
        %mul3A_487 = arith.muli %scan3A_471, %mul3A_486 : i32
        %swap3A_488 = arith.index_cast %mul3A_487 : i32 to index
        %swap3A_489 = tpu.vector_load %arg10[%swap3A_488] {strides = array<i32>} : memref<512xi32, #tpu.memory_space<vmem>>, vector<16xi32>,
        %swap3A_490 = vector.shape_cast %swap3A_489 : vector<16xi32> to vector<16xi32>
        %swap3A_491 = vector.shape_cast %add3A_485 : vector<16xi32> to vector<16xi32>
        tpu.vector_store %arg10[%swap3A_488], %swap3A_491 {strides = array<i32>} : memref<512xi32, #tpu.memory_space<vmem>>, vector<16xi32>,
      }
      %scan3A_251 = arith.constant 32 : i32
      %ge3A_252 = arith.constant 8 : i32
      %ge3A_253 = arith.cmpi sge, %add3A_240, %ge3A_252 : i32
      %convert_element_type3A_254 = arith.extui %ge3A_253 : i1 to i32
      %cond3A_255 = arith.constant 0 : i32
      %cond3A_256 = arith.cmpi ne, %convert_element_type3A_254, %cond3A_255 : i32
      scf.if %cond3A_256 {
        %sub3A = arith.constant 8 : i32
        %sub3A_321 = arith.subi %add3A_240, %sub3A : i32
        %mul3A_322 = arith.constant 512 : i32
        %mul3A_323 = arith.muli %sub3A_321, %mul3A_322 : i32
        %add3A_324 = arith.addi %mul3A_2, %mul3A_323 : i32
        %dma_wait3A_325 = arith.constant 0 : i32
        %dma_wait3A_326 = tpu.memref_slice %arg4[%add3A_324, %dma_wait3A_325] : memref<2097152x16xf32, #tpu.memory_space<hbm>> -> memref<512x16xf32, #tpu.memory_space<hbm>>
        %dma_wait3A_327 = arith.constant 0 : i32
        %dma_wait3A_328 = tpu.memref_slice %arg4[%add3A_324, %dma_wait3A_327] : memref<2097152x16xf32, #tpu.memory_space<hbm>> -> memref<512x16xf32, #tpu.memory_space<hbm>>
        tpu.wait_dma2 semaphore(%arg43 : memref<!tpu.dma_semaphore, #tpu.memory_space<semaphore_mem>>) src(%arg18 : memref<512x16xf32, #tpu.memory_space<vmem>>) dst(%dma_wait3A_328 : memref<512x16xf32, #tpu.memory_space<hbm>>)
      } else {
      }
      %dma_start3A_257 = arith.constant 0 : i32
      %dma_start3A_258 = arith.constant 0 : i32
      %dma_start3A_259 = tpu.memref_slice %arg21[%dma_start3A_257, %dma_start3A_258] : memref<512x16xf32, #tpu.memory_space<vmem_shared>> -> memref<512x16xf32, #tpu.memory_space<vmem_shared>>
      tpu.enqueue_indirect_dma source(%dma_start3A_259 : memref<512x16xf32, #tpu.memory_space<vmem_shared>>) target(%arg18 : memref<512x16xf32, #tpu.memory_space<vmem>>) offsets(%arg10 : memref<512xi32, #tpu.memory_space<vmem>>) semaphore(%arg35 : memref<!tpu.dma_semaphore, #tpu.memory_space<semaphore_mem>>)
      %ge3A_260 = arith.constant 1 : i32
      %ge3A_261 = arith.cmpi sge, %add3A_240, %ge3A_260 : i32
      %convert_element_type3A_262 = arith.extui %ge3A_261 : i1 to i32
      %cond3A_263 = arith.constant 0 : i32
      %cond3A_264 = arith.cmpi ne, %convert_element_type3A_262, %cond3A_263 : i32
      scf.if %cond3A_264 {
        %dma_wait3A_321 = arith.constant 0 : i32
        %dma_wait3A_322 = arith.constant 0 : i32
        %dma_wait3A_323 = tpu.memref_slice %arg21[%dma_wait3A_321, %dma_wait3A_322] : memref<512x16xf32, #tpu.memory_space<vmem_shared>> -> memref<512x16xf32, #tpu.memory_space<vmem_shared>>
        tpu.wait_indirect_dma semaphore(%arg34 : memref<!tpu.dma_semaphore, #tpu.memory_space<semaphore_mem>>) src(%dma_wait3A_323 : memref<512x16xf32, #tpu.memory_space<vmem_shared>>) dst(%arg17 : memref<512x16xf32, #tpu.memory_space<vmem>>)
        %sub3A = arith.constant 1 : i32
        %sub3A_324 = arith.subi %add3A_240, %sub3A : i32
        %mul3A_325 = arith.constant 512 : i32
        %mul3A_326 = arith.muli %sub3A_324, %mul3A_325 : i32
        %add3A_327 = arith.addi %mul3A_2, %mul3A_326 : i32
        %dma_start3A_328 = arith.constant 0 : i32
        %dma_start3A_329 = tpu.memref_slice %arg4[%add3A_327, %dma_start3A_328] : memref<2097152x16xf32, #tpu.memory_space<hbm>> -> memref<512x16xf32, #tpu.memory_space<hbm>>
        %dma_start3A_330 = arith.constant 0 : i32
        %dma_start3A_331 = tpu.memref_slice %arg4[%add3A_327, %dma_start3A_330] : memref<2097152x16xf32, #tpu.memory_space<hbm>> -> memref<512x16xf32, #tpu.memory_space<hbm>>
        tpu.enqueue_dma source(%arg17 : memref<512x16xf32, #tpu.memory_space<vmem>>) target(%dma_start3A_331 : memref<512x16xf32, #tpu.memory_space<hbm>>) target_semaphore(%arg42 : memref<!tpu.dma_semaphore, #tpu.memory_space<semaphore_mem>>)
        %add3A_332 = arith.constant 8 : i32
        %add3A_333 = arith.addi %add3A_240, %add3A_332 : i32
        %sub3A_334 = arith.constant 1 : i32
        %sub3A_335 = arith.subi %add3A_333, %sub3A_334 : i32
        %lt3A = arith.constant 128 : i32
        %lt3A_336 = arith.cmpi slt, %sub3A_335, %lt3A : i32
        %convert_element_type3A_337 = arith.extui %lt3A_336 : i1 to i32
        %cond3A_338 = arith.constant 0 : i32
        %cond3A_339 = arith.cmpi ne, %convert_element_type3A_337, %cond3A_338 : i32
        scf.if %cond3A_339 {
          %add3A_340 = arith.constant 8 : i32
          %add3A_341 = arith.addi %add3A_240, %add3A_340 : i32
          %sub3A_342 = arith.constant 1 : i32
          %sub3A_343 = arith.subi %add3A_341, %sub3A_342 : i32
          %mul3A_344 = arith.constant 512 : i32
          %mul3A_345 = arith.muli %sub3A_343, %mul3A_344 : i32
          %add3A_346 = arith.addi %mul3A_2, %mul3A_345 : i32
          %dma_start3A_347 = tpu.memref_slice %arg3[%add3A_346] : memref<2097152xi32, #tpu.memory_space<hbm>> -> memref<512xi32, #tpu.memory_space<hbm>>
          %dma_start3A_348 = tpu.memref_slice %arg3[%add3A_346] : memref<2097152xi32, #tpu.memory_space<hbm>> -> memref<512xi32, #tpu.memory_space<hbm>>
          tpu.enqueue_dma source(%dma_start3A_348 : memref<512xi32, #tpu.memory_space<hbm>>) target(%arg9 : memref<512xi32, #tpu.memory_space<vmem>>) target_semaphore(%arg26 : memref<!tpu.dma_semaphore, #tpu.memory_space<semaphore_mem>>)
        } else {
        }
      } else {
      }
      %mul3A_265 = arith.constant 8 : i32
      %mul3A_266 = arith.muli %scan3A_97, %mul3A_265 : i32
      %add3A_267 = arith.constant 6 : i32
      %add3A_268 = arith.addi %mul3A_266, %add3A_267 : i32
      %mul3A_269 = arith.constant 512 : i32
      %mul3A_270 = arith.muli %add3A_268, %mul3A_269 : i32
      %add3A_271 = arith.addi %mul3A_2, %mul3A_270 : i32
      %dma_wait3A_272 = tpu.memref_slice %arg3[%add3A_271] : memref<2097152xi32, #tpu.memory_space<hbm>> -> memref<512xi32, #tpu.memory_space<hbm>>
      %dma_wait3A_273 = tpu.memref_slice %arg3[%add3A_271] : memref<2097152xi32, #tpu.memory_space<hbm>> -> memref<512xi32, #tpu.memory_space<hbm>>
      tpu.wait_dma2 semaphore(%arg28 : memref<!tpu.dma_semaphore, #tpu.memory_space<semaphore_mem>>) src(%dma_wait3A_273 : memref<512xi32, #tpu.memory_space<hbm>>) dst(%arg11 : memref<512xi32, #tpu.memory_space<vmem>>)
      %scan3A_274 = arith.constant 0 : i32
      %scan3A_275 = arith.constant 0 : i32
      %scan3A_276 = arith.constant 32 : i32
      %scan3A_277 = arith.addi %scan3A_275, %scan3A_276 : i32
      %scan3A_278 = arith.constant 8 : i32
      scf.for %scan3A_321 = %scan3A_275 to %scan3A_277 step %scan3A_278  : i32 {
        %mul3A_322 = arith.constant 16 : i32
        %mul3A_323 = arith.muli %scan3A_321, %mul3A_322 : i32
        %get3A = arith.index_cast %mul3A_323 : i32 to index
        %get3A_324 = tpu.vector_load %arg11[%get3A] {strides = array<i32>} : memref<512xi32, #tpu.memory_space<vmem>>, vector<16xi32>,
        %get3A_325 = vector.shape_cast %get3A_324 : vector<16xi32> to vector<16xi32>
        %max3A = arith.constant -1 : i32
        %max3A_326 = vector.broadcast %max3A : i32 to vector<16xi32>
        %max3A_327 = arith.maxsi %get3A_325, %max3A_326 : vector<16xi32>
        %min3A = arith.constant 510 : i32
        %min3A_328 = vector.broadcast %min3A : i32 to vector<16xi32>
        %min3A_329 = arith.minsi %max3A_327, %min3A_328 : vector<16xi32>
        %add3A_330 = arith.constant 1 : i32
        %add3A_331 = vector.broadcast %add3A_330 : i32 to vector<16xi32>
        %add3A_332 = arith.addi %min3A_329, %add3A_331 : vector<16xi32>
        %mul3A_333 = arith.constant 16 : i32
        %mul3A_334 = arith.muli %scan3A_321, %mul3A_333 : i32
        %swap3A = arith.index_cast %mul3A_334 : i32 to index
        %swap3A_335 = tpu.vector_load %arg11[%swap3A] {strides = array<i32>} : memref<512xi32, #tpu.memory_space<vmem>>, vector<16xi32>,
        %swap3A_336 = vector.shape_cast %swap3A_335 : vector<16xi32> to vector<16xi32>
        %swap3A_337 = vector.shape_cast %add3A_332 : vector<16xi32> to vector<16xi32>
        tpu.vector_store %arg11[%swap3A], %swap3A_337 {strides = array<i32>} : memref<512xi32, #tpu.memory_space<vmem>>, vector<16xi32>,
        %scan3A_338 = arith.constant 1 : i32
        %scan3A_339 = arith.addi %scan3A_321, %scan3A_338 : i32
        %mul3A_340 = arith.constant 16 : i32
        %mul3A_341 = arith.muli %scan3A_339, %mul3A_340 : i32
        %get3A_342 = arith.index_cast %mul3A_341 : i32 to index
        %get3A_343 = tpu.vector_load %arg11[%get3A_342] {strides = array<i32>} : memref<512xi32, #tpu.memory_space<vmem>>, vector<16xi32>,
        %get3A_344 = vector.shape_cast %get3A_343 : vector<16xi32> to vector<16xi32>
        %max3A_345 = arith.constant -1 : i32
        %max3A_346 = vector.broadcast %max3A_345 : i32 to vector<16xi32>
        %max3A_347 = arith.maxsi %get3A_344, %max3A_346 : vector<16xi32>
        %min3A_348 = arith.constant 510 : i32
        %min3A_349 = vector.broadcast %min3A_348 : i32 to vector<16xi32>
        %min3A_350 = arith.minsi %max3A_347, %min3A_349 : vector<16xi32>
        %add3A_351 = arith.constant 1 : i32
        %add3A_352 = vector.broadcast %add3A_351 : i32 to vector<16xi32>
        %add3A_353 = arith.addi %min3A_350, %add3A_352 : vector<16xi32>
        %mul3A_354 = arith.constant 16 : i32
        %mul3A_355 = arith.muli %scan3A_339, %mul3A_354 : i32
        %swap3A_356 = arith.index_cast %mul3A_355 : i32 to index
        %swap3A_357 = tpu.vector_load %arg11[%swap3A_356] {strides = array<i32>} : memref<512xi32, #tpu.memory_space<vmem>>, vector<16xi32>,
        %swap3A_358 = vector.shape_cast %swap3A_357 : vector<16xi32> to vector<16xi32>
        %swap3A_359 = vector.shape_cast %add3A_353 : vector<16xi32> to vector<16xi32>
        tpu.vector_store %arg11[%swap3A_356], %swap3A_359 {strides = array<i32>} : memref<512xi32, #tpu.memory_space<vmem>>, vector<16xi32>,
        %scan3A_360 = arith.constant 2 : i32
        %scan3A_361 = arith.addi %scan3A_321, %scan3A_360 : i32
        %mul3A_362 = arith.constant 16 : i32
        %mul3A_363 = arith.muli %scan3A_361, %mul3A_362 : i32
        %get3A_364 = arith.index_cast %mul3A_363 : i32 to index
        %get3A_365 = tpu.vector_load %arg11[%get3A_364] {strides = array<i32>} : memref<512xi32, #tpu.memory_space<vmem>>, vector<16xi32>,
        %get3A_366 = vector.shape_cast %get3A_365 : vector<16xi32> to vector<16xi32>
        %max3A_367 = arith.constant -1 : i32
        %max3A_368 = vector.broadcast %max3A_367 : i32 to vector<16xi32>
        %max3A_369 = arith.maxsi %get3A_366, %max3A_368 : vector<16xi32>
        %min3A_370 = arith.constant 510 : i32
        %min3A_371 = vector.broadcast %min3A_370 : i32 to vector<16xi32>
        %min3A_372 = arith.minsi %max3A_369, %min3A_371 : vector<16xi32>
        %add3A_373 = arith.constant 1 : i32
        %add3A_374 = vector.broadcast %add3A_373 : i32 to vector<16xi32>
        %add3A_375 = arith.addi %min3A_372, %add3A_374 : vector<16xi32>
        %mul3A_376 = arith.constant 16 : i32
        %mul3A_377 = arith.muli %scan3A_361, %mul3A_376 : i32
        %swap3A_378 = arith.index_cast %mul3A_377 : i32 to index
        %swap3A_379 = tpu.vector_load %arg11[%swap3A_378] {strides = array<i32>} : memref<512xi32, #tpu.memory_space<vmem>>, vector<16xi32>,
        %swap3A_380 = vector.shape_cast %swap3A_379 : vector<16xi32> to vector<16xi32>
        %swap3A_381 = vector.shape_cast %add3A_375 : vector<16xi32> to vector<16xi32>
        tpu.vector_store %arg11[%swap3A_378], %swap3A_381 {strides = array<i32>} : memref<512xi32, #tpu.memory_space<vmem>>, vector<16xi32>,
        %scan3A_382 = arith.constant 3 : i32
        %scan3A_383 = arith.addi %scan3A_321, %scan3A_382 : i32
        %mul3A_384 = arith.constant 16 : i32
        %mul3A_385 = arith.muli %scan3A_383, %mul3A_384 : i32
        %get3A_386 = arith.index_cast %mul3A_385 : i32 to index
        %get3A_387 = tpu.vector_load %arg11[%get3A_386] {strides = array<i32>} : memref<512xi32, #tpu.memory_space<vmem>>, vector<16xi32>,
        %get3A_388 = vector.shape_cast %get3A_387 : vector<16xi32> to vector<16xi32>
        %max3A_389 = arith.constant -1 : i32
        %max3A_390 = vector.broadcast %max3A_389 : i32 to vector<16xi32>
        %max3A_391 = arith.maxsi %get3A_388, %max3A_390 : vector<16xi32>
        %min3A_392 = arith.constant 510 : i32
        %min3A_393 = vector.broadcast %min3A_392 : i32 to vector<16xi32>
        %min3A_394 = arith.minsi %max3A_391, %min3A_393 : vector<16xi32>
        %add3A_395 = arith.constant 1 : i32
        %add3A_396 = vector.broadcast %add3A_395 : i32 to vector<16xi32>
        %add3A_397 = arith.addi %min3A_394, %add3A_396 : vector<16xi32>
        %mul3A_398 = arith.constant 16 : i32
        %mul3A_399 = arith.muli %scan3A_383, %mul3A_398 : i32
        %swap3A_400 = arith.index_cast %mul3A_399 : i32 to index
        %swap3A_401 = tpu.vector_load %arg11[%swap3A_400] {strides = array<i32>} : memref<512xi32, #tpu.memory_space<vmem>>, vector<16xi32>,
        %swap3A_402 = vector.shape_cast %swap3A_401 : vector<16xi32> to vector<16xi32>
        %swap3A_403 = vector.shape_cast %add3A_397 : vector<16xi32> to vector<16xi32>
        tpu.vector_store %arg11[%swap3A_400], %swap3A_403 {strides = array<i32>} : memref<512xi32, #tpu.memory_space<vmem>>, vector<16xi32>,
        %scan3A_404 = arith.constant 4 : i32
        %scan3A_405 = arith.addi %scan3A_321, %scan3A_404 : i32
        %mul3A_406 = arith.constant 16 : i32
        %mul3A_407 = arith.muli %scan3A_405, %mul3A_406 : i32
        %get3A_408 = arith.index_cast %mul3A_407 : i32 to index
        %get3A_409 = tpu.vector_load %arg11[%get3A_408] {strides = array<i32>} : memref<512xi32, #tpu.memory_space<vmem>>, vector<16xi32>,
        %get3A_410 = vector.shape_cast %get3A_409 : vector<16xi32> to vector<16xi32>
        %max3A_411 = arith.constant -1 : i32
        %max3A_412 = vector.broadcast %max3A_411 : i32 to vector<16xi32>
        %max3A_413 = arith.maxsi %get3A_410, %max3A_412 : vector<16xi32>
        %min3A_414 = arith.constant 510 : i32
        %min3A_415 = vector.broadcast %min3A_414 : i32 to vector<16xi32>
        %min3A_416 = arith.minsi %max3A_413, %min3A_415 : vector<16xi32>
        %add3A_417 = arith.constant 1 : i32
        %add3A_418 = vector.broadcast %add3A_417 : i32 to vector<16xi32>
        %add3A_419 = arith.addi %min3A_416, %add3A_418 : vector<16xi32>
        %mul3A_420 = arith.constant 16 : i32
        %mul3A_421 = arith.muli %scan3A_405, %mul3A_420 : i32
        %swap3A_422 = arith.index_cast %mul3A_421 : i32 to index
        %swap3A_423 = tpu.vector_load %arg11[%swap3A_422] {strides = array<i32>} : memref<512xi32, #tpu.memory_space<vmem>>, vector<16xi32>,
        %swap3A_424 = vector.shape_cast %swap3A_423 : vector<16xi32> to vector<16xi32>
        %swap3A_425 = vector.shape_cast %add3A_419 : vector<16xi32> to vector<16xi32>
        tpu.vector_store %arg11[%swap3A_422], %swap3A_425 {strides = array<i32>} : memref<512xi32, #tpu.memory_space<vmem>>, vector<16xi32>,
        %scan3A_426 = arith.constant 5 : i32
        %scan3A_427 = arith.addi %scan3A_321, %scan3A_426 : i32
        %mul3A_428 = arith.constant 16 : i32
        %mul3A_429 = arith.muli %scan3A_427, %mul3A_428 : i32
        %get3A_430 = arith.index_cast %mul3A_429 : i32 to index
        %get3A_431 = tpu.vector_load %arg11[%get3A_430] {strides = array<i32>} : memref<512xi32, #tpu.memory_space<vmem>>, vector<16xi32>,
        %get3A_432 = vector.shape_cast %get3A_431 : vector<16xi32> to vector<16xi32>
        %max3A_433 = arith.constant -1 : i32
        %max3A_434 = vector.broadcast %max3A_433 : i32 to vector<16xi32>
        %max3A_435 = arith.maxsi %get3A_432, %max3A_434 : vector<16xi32>
        %min3A_436 = arith.constant 510 : i32
        %min3A_437 = vector.broadcast %min3A_436 : i32 to vector<16xi32>
        %min3A_438 = arith.minsi %max3A_435, %min3A_437 : vector<16xi32>
        %add3A_439 = arith.constant 1 : i32
        %add3A_440 = vector.broadcast %add3A_439 : i32 to vector<16xi32>
        %add3A_441 = arith.addi %min3A_438, %add3A_440 : vector<16xi32>
        %mul3A_442 = arith.constant 16 : i32
        %mul3A_443 = arith.muli %scan3A_427, %mul3A_442 : i32
        %swap3A_444 = arith.index_cast %mul3A_443 : i32 to index
        %swap3A_445 = tpu.vector_load %arg11[%swap3A_444] {strides = array<i32>} : memref<512xi32, #tpu.memory_space<vmem>>, vector<16xi32>,
        %swap3A_446 = vector.shape_cast %swap3A_445 : vector<16xi32> to vector<16xi32>
        %swap3A_447 = vector.shape_cast %add3A_441 : vector<16xi32> to vector<16xi32>
        tpu.vector_store %arg11[%swap3A_444], %swap3A_447 {strides = array<i32>} : memref<512xi32, #tpu.memory_space<vmem>>, vector<16xi32>,
        %scan3A_448 = arith.constant 6 : i32
        %scan3A_449 = arith.addi %scan3A_321, %scan3A_448 : i32
        %mul3A_450 = arith.constant 16 : i32
        %mul3A_451 = arith.muli %scan3A_449, %mul3A_450 : i32
        %get3A_452 = arith.index_cast %mul3A_451 : i32 to index
        %get3A_453 = tpu.vector_load %arg11[%get3A_452] {strides = array<i32>} : memref<512xi32, #tpu.memory_space<vmem>>, vector<16xi32>,
        %get3A_454 = vector.shape_cast %get3A_453 : vector<16xi32> to vector<16xi32>
        %max3A_455 = arith.constant -1 : i32
        %max3A_456 = vector.broadcast %max3A_455 : i32 to vector<16xi32>
        %max3A_457 = arith.maxsi %get3A_454, %max3A_456 : vector<16xi32>
        %min3A_458 = arith.constant 510 : i32
        %min3A_459 = vector.broadcast %min3A_458 : i32 to vector<16xi32>
        %min3A_460 = arith.minsi %max3A_457, %min3A_459 : vector<16xi32>
        %add3A_461 = arith.constant 1 : i32
        %add3A_462 = vector.broadcast %add3A_461 : i32 to vector<16xi32>
        %add3A_463 = arith.addi %min3A_460, %add3A_462 : vector<16xi32>
        %mul3A_464 = arith.constant 16 : i32
        %mul3A_465 = arith.muli %scan3A_449, %mul3A_464 : i32
        %swap3A_466 = arith.index_cast %mul3A_465 : i32 to index
        %swap3A_467 = tpu.vector_load %arg11[%swap3A_466] {strides = array<i32>} : memref<512xi32, #tpu.memory_space<vmem>>, vector<16xi32>,
        %swap3A_468 = vector.shape_cast %swap3A_467 : vector<16xi32> to vector<16xi32>
        %swap3A_469 = vector.shape_cast %add3A_463 : vector<16xi32> to vector<16xi32>
        tpu.vector_store %arg11[%swap3A_466], %swap3A_469 {strides = array<i32>} : memref<512xi32, #tpu.memory_space<vmem>>, vector<16xi32>,
        %scan3A_470 = arith.constant 7 : i32
        %scan3A_471 = arith.addi %scan3A_321, %scan3A_470 : i32
        %mul3A_472 = arith.constant 16 : i32
        %mul3A_473 = arith.muli %scan3A_471, %mul3A_472 : i32
        %get3A_474 = arith.index_cast %mul3A_473 : i32 to index
        %get3A_475 = tpu.vector_load %arg11[%get3A_474] {strides = array<i32>} : memref<512xi32, #tpu.memory_space<vmem>>, vector<16xi32>,
        %get3A_476 = vector.shape_cast %get3A_475 : vector<16xi32> to vector<16xi32>
        %max3A_477 = arith.constant -1 : i32
        %max3A_478 = vector.broadcast %max3A_477 : i32 to vector<16xi32>
        %max3A_479 = arith.maxsi %get3A_476, %max3A_478 : vector<16xi32>
        %min3A_480 = arith.constant 510 : i32
        %min3A_481 = vector.broadcast %min3A_480 : i32 to vector<16xi32>
        %min3A_482 = arith.minsi %max3A_479, %min3A_481 : vector<16xi32>
        %add3A_483 = arith.constant 1 : i32
        %add3A_484 = vector.broadcast %add3A_483 : i32 to vector<16xi32>
        %add3A_485 = arith.addi %min3A_482, %add3A_484 : vector<16xi32>
        %mul3A_486 = arith.constant 16 : i32
        %mul3A_487 = arith.muli %scan3A_471, %mul3A_486 : i32
        %swap3A_488 = arith.index_cast %mul3A_487 : i32 to index
        %swap3A_489 = tpu.vector_load %arg11[%swap3A_488] {strides = array<i32>} : memref<512xi32, #tpu.memory_space<vmem>>, vector<16xi32>,
        %swap3A_490 = vector.shape_cast %swap3A_489 : vector<16xi32> to vector<16xi32>
        %swap3A_491 = vector.shape_cast %add3A_485 : vector<16xi32> to vector<16xi32>
        tpu.vector_store %arg11[%swap3A_488], %swap3A_491 {strides = array<i32>} : memref<512xi32, #tpu.memory_space<vmem>>, vector<16xi32>,
      }
      %scan3A_279 = arith.constant 32 : i32
      %ge3A_280 = arith.constant 8 : i32
      %ge3A_281 = arith.cmpi sge, %add3A_268, %ge3A_280 : i32
      %convert_element_type3A_282 = arith.extui %ge3A_281 : i1 to i32
      %cond3A_283 = arith.constant 0 : i32
      %cond3A_284 = arith.cmpi ne, %convert_element_type3A_282, %cond3A_283 : i32
      scf.if %cond3A_284 {
        %sub3A = arith.constant 8 : i32
        %sub3A_321 = arith.subi %add3A_268, %sub3A : i32
        %mul3A_322 = arith.constant 512 : i32
        %mul3A_323 = arith.muli %sub3A_321, %mul3A_322 : i32
        %add3A_324 = arith.addi %mul3A_2, %mul3A_323 : i32
        %dma_wait3A_325 = arith.constant 0 : i32
        %dma_wait3A_326 = tpu.memref_slice %arg4[%add3A_324, %dma_wait3A_325] : memref<2097152x16xf32, #tpu.memory_space<hbm>> -> memref<512x16xf32, #tpu.memory_space<hbm>>
        %dma_wait3A_327 = arith.constant 0 : i32
        %dma_wait3A_328 = tpu.memref_slice %arg4[%add3A_324, %dma_wait3A_327] : memref<2097152x16xf32, #tpu.memory_space<hbm>> -> memref<512x16xf32, #tpu.memory_space<hbm>>
        tpu.wait_dma2 semaphore(%arg44 : memref<!tpu.dma_semaphore, #tpu.memory_space<semaphore_mem>>) src(%arg19 : memref<512x16xf32, #tpu.memory_space<vmem>>) dst(%dma_wait3A_328 : memref<512x16xf32, #tpu.memory_space<hbm>>)
      } else {
      }
      %dma_start3A_285 = arith.constant 0 : i32
      %dma_start3A_286 = arith.constant 0 : i32
      %dma_start3A_287 = tpu.memref_slice %arg21[%dma_start3A_285, %dma_start3A_286] : memref<512x16xf32, #tpu.memory_space<vmem_shared>> -> memref<512x16xf32, #tpu.memory_space<vmem_shared>>
      tpu.enqueue_indirect_dma source(%dma_start3A_287 : memref<512x16xf32, #tpu.memory_space<vmem_shared>>) target(%arg19 : memref<512x16xf32, #tpu.memory_space<vmem>>) offsets(%arg11 : memref<512xi32, #tpu.memory_space<vmem>>) semaphore(%arg36 : memref<!tpu.dma_semaphore, #tpu.memory_space<semaphore_mem>>)
      %ge3A_288 = arith.constant 1 : i32
      %ge3A_289 = arith.cmpi sge, %add3A_268, %ge3A_288 : i32
      %convert_element_type3A_290 = arith.extui %ge3A_289 : i1 to i32
      %cond3A_291 = arith.constant 0 : i32
      %cond3A_292 = arith.cmpi ne, %convert_element_type3A_290, %cond3A_291 : i32
      scf.if %cond3A_292 {
        %dma_wait3A_321 = arith.constant 0 : i32
        %dma_wait3A_322 = arith.constant 0 : i32
        %dma_wait3A_323 = tpu.memref_slice %arg21[%dma_wait3A_321, %dma_wait3A_322] : memref<512x16xf32, #tpu.memory_space<vmem_shared>> -> memref<512x16xf32, #tpu.memory_space<vmem_shared>>
        tpu.wait_indirect_dma semaphore(%arg35 : memref<!tpu.dma_semaphore, #tpu.memory_space<semaphore_mem>>) src(%dma_wait3A_323 : memref<512x16xf32, #tpu.memory_space<vmem_shared>>) dst(%arg18 : memref<512x16xf32, #tpu.memory_space<vmem>>)
        %sub3A = arith.constant 1 : i32
        %sub3A_324 = arith.subi %add3A_268, %sub3A : i32
        %mul3A_325 = arith.constant 512 : i32
        %mul3A_326 = arith.muli %sub3A_324, %mul3A_325 : i32
        %add3A_327 = arith.addi %mul3A_2, %mul3A_326 : i32
        %dma_start3A_328 = arith.constant 0 : i32
        %dma_start3A_329 = tpu.memref_slice %arg4[%add3A_327, %dma_start3A_328] : memref<2097152x16xf32, #tpu.memory_space<hbm>> -> memref<512x16xf32, #tpu.memory_space<hbm>>
        %dma_start3A_330 = arith.constant 0 : i32
        %dma_start3A_331 = tpu.memref_slice %arg4[%add3A_327, %dma_start3A_330] : memref<2097152x16xf32, #tpu.memory_space<hbm>> -> memref<512x16xf32, #tpu.memory_space<hbm>>
        tpu.enqueue_dma source(%arg18 : memref<512x16xf32, #tpu.memory_space<vmem>>) target(%dma_start3A_331 : memref<512x16xf32, #tpu.memory_space<hbm>>) target_semaphore(%arg43 : memref<!tpu.dma_semaphore, #tpu.memory_space<semaphore_mem>>)
        %add3A_332 = arith.constant 8 : i32
        %add3A_333 = arith.addi %add3A_268, %add3A_332 : i32
        %sub3A_334 = arith.constant 1 : i32
        %sub3A_335 = arith.subi %add3A_333, %sub3A_334 : i32
        %lt3A = arith.constant 128 : i32
        %lt3A_336 = arith.cmpi slt, %sub3A_335, %lt3A : i32
        %convert_element_type3A_337 = arith.extui %lt3A_336 : i1 to i32
        %cond3A_338 = arith.constant 0 : i32
        %cond3A_339 = arith.cmpi ne, %convert_element_type3A_337, %cond3A_338 : i32
        scf.if %cond3A_339 {
          %add3A_340 = arith.constant 8 : i32
          %add3A_341 = arith.addi %add3A_268, %add3A_340 : i32
          %sub3A_342 = arith.constant 1 : i32
          %sub3A_343 = arith.subi %add3A_341, %sub3A_342 : i32
          %mul3A_344 = arith.constant 512 : i32
          %mul3A_345 = arith.muli %sub3A_343, %mul3A_344 : i32
          %add3A_346 = arith.addi %mul3A_2, %mul3A_345 : i32
          %dma_start3A_347 = tpu.memref_slice %arg3[%add3A_346] : memref<2097152xi32, #tpu.memory_space<hbm>> -> memref<512xi32, #tpu.memory_space<hbm>>
          %dma_start3A_348 = tpu.memref_slice %arg3[%add3A_346] : memref<2097152xi32, #tpu.memory_space<hbm>> -> memref<512xi32, #tpu.memory_space<hbm>>
          tpu.enqueue_dma source(%dma_start3A_348 : memref<512xi32, #tpu.memory_space<hbm>>) target(%arg10 : memref<512xi32, #tpu.memory_space<vmem>>) target_semaphore(%arg27 : memref<!tpu.dma_semaphore, #tpu.memory_space<semaphore_mem>>)
        } else {
        }
      } else {
      }
      %mul3A_293 = arith.constant 8 : i32
      %mul3A_294 = arith.muli %scan3A_97, %mul3A_293 : i32
      %add3A_295 = arith.constant 7 : i32
      %add3A_296 = arith.addi %mul3A_294, %add3A_295 : i32
      %mul3A_297 = arith.constant 512 : i32
      %mul3A_298 = arith.muli %add3A_296, %mul3A_297 : i32
      %add3A_299 = arith.addi %mul3A_2, %mul3A_298 : i32
      %dma_wait3A_300 = tpu.memref_slice %arg3[%add3A_299] : memref<2097152xi32, #tpu.memory_space<hbm>> -> memref<512xi32, #tpu.memory_space<hbm>>
      %dma_wait3A_301 = tpu.memref_slice %arg3[%add3A_299] : memref<2097152xi32, #tpu.memory_space<hbm>> -> memref<512xi32, #tpu.memory_space<hbm>>
      tpu.wait_dma2 semaphore(%arg29 : memref<!tpu.dma_semaphore, #tpu.memory_space<semaphore_mem>>) src(%dma_wait3A_301 : memref<512xi32, #tpu.memory_space<hbm>>) dst(%arg12 : memref<512xi32, #tpu.memory_space<vmem>>)
      %scan3A_302 = arith.constant 0 : i32
      %scan3A_303 = arith.constant 0 : i32
      %scan3A_304 = arith.constant 32 : i32
      %scan3A_305 = arith.addi %scan3A_303, %scan3A_304 : i32
      %scan3A_306 = arith.constant 8 : i32
      scf.for %scan3A_321 = %scan3A_303 to %scan3A_305 step %scan3A_306  : i32 {
        %mul3A_322 = arith.constant 16 : i32
        %mul3A_323 = arith.muli %scan3A_321, %mul3A_322 : i32
        %get3A = arith.index_cast %mul3A_323 : i32 to index
        %get3A_324 = tpu.vector_load %arg12[%get3A] {strides = array<i32>} : memref<512xi32, #tpu.memory_space<vmem>>, vector<16xi32>,
        %get3A_325 = vector.shape_cast %get3A_324 : vector<16xi32> to vector<16xi32>
        %max3A = arith.constant -1 : i32
        %max3A_326 = vector.broadcast %max3A : i32 to vector<16xi32>
        %max3A_327 = arith.maxsi %get3A_325, %max3A_326 : vector<16xi32>
        %min3A = arith.constant 510 : i32
        %min3A_328 = vector.broadcast %min3A : i32 to vector<16xi32>
        %min3A_329 = arith.minsi %max3A_327, %min3A_328 : vector<16xi32>
        %add3A_330 = arith.constant 1 : i32
        %add3A_331 = vector.broadcast %add3A_330 : i32 to vector<16xi32>
        %add3A_332 = arith.addi %min3A_329, %add3A_331 : vector<16xi32>
        %mul3A_333 = arith.constant 16 : i32
        %mul3A_334 = arith.muli %scan3A_321, %mul3A_333 : i32
        %swap3A = arith.index_cast %mul3A_334 : i32 to index
        %swap3A_335 = tpu.vector_load %arg12[%swap3A] {strides = array<i32>} : memref<512xi32, #tpu.memory_space<vmem>>, vector<16xi32>,
        %swap3A_336 = vector.shape_cast %swap3A_335 : vector<16xi32> to vector<16xi32>
        %swap3A_337 = vector.shape_cast %add3A_332 : vector<16xi32> to vector<16xi32>
        tpu.vector_store %arg12[%swap3A], %swap3A_337 {strides = array<i32>} : memref<512xi32, #tpu.memory_space<vmem>>, vector<16xi32>,
        %scan3A_338 = arith.constant 1 : i32
        %scan3A_339 = arith.addi %scan3A_321, %scan3A_338 : i32
        %mul3A_340 = arith.constant 16 : i32
        %mul3A_341 = arith.muli %scan3A_339, %mul3A_340 : i32
        %get3A_342 = arith.index_cast %mul3A_341 : i32 to index
        %get3A_343 = tpu.vector_load %arg12[%get3A_342] {strides = array<i32>} : memref<512xi32, #tpu.memory_space<vmem>>, vector<16xi32>,
        %get3A_344 = vector.shape_cast %get3A_343 : vector<16xi32> to vector<16xi32>
        %max3A_345 = arith.constant -1 : i32
        %max3A_346 = vector.broadcast %max3A_345 : i32 to vector<16xi32>
        %max3A_347 = arith.maxsi %get3A_344, %max3A_346 : vector<16xi32>
        %min3A_348 = arith.constant 510 : i32
        %min3A_349 = vector.broadcast %min3A_348 : i32 to vector<16xi32>
        %min3A_350 = arith.minsi %max3A_347, %min3A_349 : vector<16xi32>
        %add3A_351 = arith.constant 1 : i32
        %add3A_352 = vector.broadcast %add3A_351 : i32 to vector<16xi32>
        %add3A_353 = arith.addi %min3A_350, %add3A_352 : vector<16xi32>
        %mul3A_354 = arith.constant 16 : i32
        %mul3A_355 = arith.muli %scan3A_339, %mul3A_354 : i32
        %swap3A_356 = arith.index_cast %mul3A_355 : i32 to index
        %swap3A_357 = tpu.vector_load %arg12[%swap3A_356] {strides = array<i32>} : memref<512xi32, #tpu.memory_space<vmem>>, vector<16xi32>,
        %swap3A_358 = vector.shape_cast %swap3A_357 : vector<16xi32> to vector<16xi32>
        %swap3A_359 = vector.shape_cast %add3A_353 : vector<16xi32> to vector<16xi32>
        tpu.vector_store %arg12[%swap3A_356], %swap3A_359 {strides = array<i32>} : memref<512xi32, #tpu.memory_space<vmem>>, vector<16xi32>,
        %scan3A_360 = arith.constant 2 : i32
        %scan3A_361 = arith.addi %scan3A_321, %scan3A_360 : i32
        %mul3A_362 = arith.constant 16 : i32
        %mul3A_363 = arith.muli %scan3A_361, %mul3A_362 : i32
        %get3A_364 = arith.index_cast %mul3A_363 : i32 to index
        %get3A_365 = tpu.vector_load %arg12[%get3A_364] {strides = array<i32>} : memref<512xi32, #tpu.memory_space<vmem>>, vector<16xi32>,
        %get3A_366 = vector.shape_cast %get3A_365 : vector<16xi32> to vector<16xi32>
        %max3A_367 = arith.constant -1 : i32
        %max3A_368 = vector.broadcast %max3A_367 : i32 to vector<16xi32>
        %max3A_369 = arith.maxsi %get3A_366, %max3A_368 : vector<16xi32>
        %min3A_370 = arith.constant 510 : i32
        %min3A_371 = vector.broadcast %min3A_370 : i32 to vector<16xi32>
        %min3A_372 = arith.minsi %max3A_369, %min3A_371 : vector<16xi32>
        %add3A_373 = arith.constant 1 : i32
        %add3A_374 = vector.broadcast %add3A_373 : i32 to vector<16xi32>
        %add3A_375 = arith.addi %min3A_372, %add3A_374 : vector<16xi32>
        %mul3A_376 = arith.constant 16 : i32
        %mul3A_377 = arith.muli %scan3A_361, %mul3A_376 : i32
        %swap3A_378 = arith.index_cast %mul3A_377 : i32 to index
        %swap3A_379 = tpu.vector_load %arg12[%swap3A_378] {strides = array<i32>} : memref<512xi32, #tpu.memory_space<vmem>>, vector<16xi32>,
        %swap3A_380 = vector.shape_cast %swap3A_379 : vector<16xi32> to vector<16xi32>
        %swap3A_381 = vector.shape_cast %add3A_375 : vector<16xi32> to vector<16xi32>
        tpu.vector_store %arg12[%swap3A_378], %swap3A_381 {strides = array<i32>} : memref<512xi32, #tpu.memory_space<vmem>>, vector<16xi32>,
        %scan3A_382 = arith.constant 3 : i32
        %scan3A_383 = arith.addi %scan3A_321, %scan3A_382 : i32
        %mul3A_384 = arith.constant 16 : i32
        %mul3A_385 = arith.muli %scan3A_383, %mul3A_384 : i32
        %get3A_386 = arith.index_cast %mul3A_385 : i32 to index
        %get3A_387 = tpu.vector_load %arg12[%get3A_386] {strides = array<i32>} : memref<512xi32, #tpu.memory_space<vmem>>, vector<16xi32>,
        %get3A_388 = vector.shape_cast %get3A_387 : vector<16xi32> to vector<16xi32>
        %max3A_389 = arith.constant -1 : i32
        %max3A_390 = vector.broadcast %max3A_389 : i32 to vector<16xi32>
        %max3A_391 = arith.maxsi %get3A_388, %max3A_390 : vector<16xi32>
        %min3A_392 = arith.constant 510 : i32
        %min3A_393 = vector.broadcast %min3A_392 : i32 to vector<16xi32>
        %min3A_394 = arith.minsi %max3A_391, %min3A_393 : vector<16xi32>
        %add3A_395 = arith.constant 1 : i32
        %add3A_396 = vector.broadcast %add3A_395 : i32 to vector<16xi32>
        %add3A_397 = arith.addi %min3A_394, %add3A_396 : vector<16xi32>
        %mul3A_398 = arith.constant 16 : i32
        %mul3A_399 = arith.muli %scan3A_383, %mul3A_398 : i32
        %swap3A_400 = arith.index_cast %mul3A_399 : i32 to index
        %swap3A_401 = tpu.vector_load %arg12[%swap3A_400] {strides = array<i32>} : memref<512xi32, #tpu.memory_space<vmem>>, vector<16xi32>,
        %swap3A_402 = vector.shape_cast %swap3A_401 : vector<16xi32> to vector<16xi32>
        %swap3A_403 = vector.shape_cast %add3A_397 : vector<16xi32> to vector<16xi32>
        tpu.vector_store %arg12[%swap3A_400], %swap3A_403 {strides = array<i32>} : memref<512xi32, #tpu.memory_space<vmem>>, vector<16xi32>,
        %scan3A_404 = arith.constant 4 : i32
        %scan3A_405 = arith.addi %scan3A_321, %scan3A_404 : i32
        %mul3A_406 = arith.constant 16 : i32
        %mul3A_407 = arith.muli %scan3A_405, %mul3A_406 : i32
        %get3A_408 = arith.index_cast %mul3A_407 : i32 to index
        %get3A_409 = tpu.vector_load %arg12[%get3A_408] {strides = array<i32>} : memref<512xi32, #tpu.memory_space<vmem>>, vector<16xi32>,
        %get3A_410 = vector.shape_cast %get3A_409 : vector<16xi32> to vector<16xi32>
        %max3A_411 = arith.constant -1 : i32
        %max3A_412 = vector.broadcast %max3A_411 : i32 to vector<16xi32>
        %max3A_413 = arith.maxsi %get3A_410, %max3A_412 : vector<16xi32>
        %min3A_414 = arith.constant 510 : i32
        %min3A_415 = vector.broadcast %min3A_414 : i32 to vector<16xi32>
        %min3A_416 = arith.minsi %max3A_413, %min3A_415 : vector<16xi32>
        %add3A_417 = arith.constant 1 : i32
        %add3A_418 = vector.broadcast %add3A_417 : i32 to vector<16xi32>
        %add3A_419 = arith.addi %min3A_416, %add3A_418 : vector<16xi32>
        %mul3A_420 = arith.constant 16 : i32
        %mul3A_421 = arith.muli %scan3A_405, %mul3A_420 : i32
        %swap3A_422 = arith.index_cast %mul3A_421 : i32 to index
        %swap3A_423 = tpu.vector_load %arg12[%swap3A_422] {strides = array<i32>} : memref<512xi32, #tpu.memory_space<vmem>>, vector<16xi32>,
        %swap3A_424 = vector.shape_cast %swap3A_423 : vector<16xi32> to vector<16xi32>
        %swap3A_425 = vector.shape_cast %add3A_419 : vector<16xi32> to vector<16xi32>
        tpu.vector_store %arg12[%swap3A_422], %swap3A_425 {strides = array<i32>} : memref<512xi32, #tpu.memory_space<vmem>>, vector<16xi32>,
        %scan3A_426 = arith.constant 5 : i32
        %scan3A_427 = arith.addi %scan3A_321, %scan3A_426 : i32
        %mul3A_428 = arith.constant 16 : i32
        %mul3A_429 = arith.muli %scan3A_427, %mul3A_428 : i32
        %get3A_430 = arith.index_cast %mul3A_429 : i32 to index
        %get3A_431 = tpu.vector_load %arg12[%get3A_430] {strides = array<i32>} : memref<512xi32, #tpu.memory_space<vmem>>, vector<16xi32>,
        %get3A_432 = vector.shape_cast %get3A_431 : vector<16xi32> to vector<16xi32>
        %max3A_433 = arith.constant -1 : i32
        %max3A_434 = vector.broadcast %max3A_433 : i32 to vector<16xi32>
        %max3A_435 = arith.maxsi %get3A_432, %max3A_434 : vector<16xi32>
        %min3A_436 = arith.constant 510 : i32
        %min3A_437 = vector.broadcast %min3A_436 : i32 to vector<16xi32>
        %min3A_438 = arith.minsi %max3A_435, %min3A_437 : vector<16xi32>
        %add3A_439 = arith.constant 1 : i32
        %add3A_440 = vector.broadcast %add3A_439 : i32 to vector<16xi32>
        %add3A_441 = arith.addi %min3A_438, %add3A_440 : vector<16xi32>
        %mul3A_442 = arith.constant 16 : i32
        %mul3A_443 = arith.muli %scan3A_427, %mul3A_442 : i32
        %swap3A_444 = arith.index_cast %mul3A_443 : i32 to index
        %swap3A_445 = tpu.vector_load %arg12[%swap3A_444] {strides = array<i32>} : memref<512xi32, #tpu.memory_space<vmem>>, vector<16xi32>,
        %swap3A_446 = vector.shape_cast %swap3A_445 : vector<16xi32> to vector<16xi32>
        %swap3A_447 = vector.shape_cast %add3A_441 : vector<16xi32> to vector<16xi32>
        tpu.vector_store %arg12[%swap3A_444], %swap3A_447 {strides = array<i32>} : memref<512xi32, #tpu.memory_space<vmem>>, vector<16xi32>,
        %scan3A_448 = arith.constant 6 : i32
        %scan3A_449 = arith.addi %scan3A_321, %scan3A_448 : i32
        %mul3A_450 = arith.constant 16 : i32
        %mul3A_451 = arith.muli %scan3A_449, %mul3A_450 : i32
        %get3A_452 = arith.index_cast %mul3A_451 : i32 to index
        %get3A_453 = tpu.vector_load %arg12[%get3A_452] {strides = array<i32>} : memref<512xi32, #tpu.memory_space<vmem>>, vector<16xi32>,
        %get3A_454 = vector.shape_cast %get3A_453 : vector<16xi32> to vector<16xi32>
        %max3A_455 = arith.constant -1 : i32
        %max3A_456 = vector.broadcast %max3A_455 : i32 to vector<16xi32>
        %max3A_457 = arith.maxsi %get3A_454, %max3A_456 : vector<16xi32>
        %min3A_458 = arith.constant 510 : i32
        %min3A_459 = vector.broadcast %min3A_458 : i32 to vector<16xi32>
        %min3A_460 = arith.minsi %max3A_457, %min3A_459 : vector<16xi32>
        %add3A_461 = arith.constant 1 : i32
        %add3A_462 = vector.broadcast %add3A_461 : i32 to vector<16xi32>
        %add3A_463 = arith.addi %min3A_460, %add3A_462 : vector<16xi32>
        %mul3A_464 = arith.constant 16 : i32
        %mul3A_465 = arith.muli %scan3A_449, %mul3A_464 : i32
        %swap3A_466 = arith.index_cast %mul3A_465 : i32 to index
        %swap3A_467 = tpu.vector_load %arg12[%swap3A_466] {strides = array<i32>} : memref<512xi32, #tpu.memory_space<vmem>>, vector<16xi32>,
        %swap3A_468 = vector.shape_cast %swap3A_467 : vector<16xi32> to vector<16xi32>
        %swap3A_469 = vector.shape_cast %add3A_463 : vector<16xi32> to vector<16xi32>
        tpu.vector_store %arg12[%swap3A_466], %swap3A_469 {strides = array<i32>} : memref<512xi32, #tpu.memory_space<vmem>>, vector<16xi32>,
        %scan3A_470 = arith.constant 7 : i32
        %scan3A_471 = arith.addi %scan3A_321, %scan3A_470 : i32
        %mul3A_472 = arith.constant 16 : i32
        %mul3A_473 = arith.muli %scan3A_471, %mul3A_472 : i32
        %get3A_474 = arith.index_cast %mul3A_473 : i32 to index
        %get3A_475 = tpu.vector_load %arg12[%get3A_474] {strides = array<i32>} : memref<512xi32, #tpu.memory_space<vmem>>, vector<16xi32>,
        %get3A_476 = vector.shape_cast %get3A_475 : vector<16xi32> to vector<16xi32>
        %max3A_477 = arith.constant -1 : i32
        %max3A_478 = vector.broadcast %max3A_477 : i32 to vector<16xi32>
        %max3A_479 = arith.maxsi %get3A_476, %max3A_478 : vector<16xi32>
        %min3A_480 = arith.constant 510 : i32
        %min3A_481 = vector.broadcast %min3A_480 : i32 to vector<16xi32>
        %min3A_482 = arith.minsi %max3A_479, %min3A_481 : vector<16xi32>
        %add3A_483 = arith.constant 1 : i32
        %add3A_484 = vector.broadcast %add3A_483 : i32 to vector<16xi32>
        %add3A_485 = arith.addi %min3A_482, %add3A_484 : vector<16xi32>
        %mul3A_486 = arith.constant 16 : i32
        %mul3A_487 = arith.muli %scan3A_471, %mul3A_486 : i32
        %swap3A_488 = arith.index_cast %mul3A_487 : i32 to index
        %swap3A_489 = tpu.vector_load %arg12[%swap3A_488] {strides = array<i32>} : memref<512xi32, #tpu.memory_space<vmem>>, vector<16xi32>,
        %swap3A_490 = vector.shape_cast %swap3A_489 : vector<16xi32> to vector<16xi32>
        %swap3A_491 = vector.shape_cast %add3A_485 : vector<16xi32> to vector<16xi32>
        tpu.vector_store %arg12[%swap3A_488], %swap3A_491 {strides = array<i32>} : memref<512xi32, #tpu.memory_space<vmem>>, vector<16xi32>,
      }
      %scan3A_307 = arith.constant 32 : i32
      %ge3A_308 = arith.constant 8 : i32
      %ge3A_309 = arith.cmpi sge, %add3A_296, %ge3A_308 : i32
      %convert_element_type3A_310 = arith.extui %ge3A_309 : i1 to i32
      %cond3A_311 = arith.constant 0 : i32
      %cond3A_312 = arith.cmpi ne, %convert_element_type3A_310, %cond3A_311 : i32
      scf.if %cond3A_312 {
        %sub3A = arith.constant 8 : i32
        %sub3A_321 = arith.subi %add3A_296, %sub3A : i32
        %mul3A_322 = arith.constant 512 : i32
        %mul3A_323 = arith.muli %sub3A_321, %mul3A_322 : i32
        %add3A_324 = arith.addi %mul3A_2, %mul3A_323 : i32
        %dma_wait3A_325 = arith.constant 0 : i32
        %dma_wait3A_326 = tpu.memref_slice %arg4[%add3A_324, %dma_wait3A_325] : memref<2097152x16xf32, #tpu.memory_space<hbm>> -> memref<512x16xf32, #tpu.memory_space<hbm>>
        %dma_wait3A_327 = arith.constant 0 : i32
        %dma_wait3A_328 = tpu.memref_slice %arg4[%add3A_324, %dma_wait3A_327] : memref<2097152x16xf32, #tpu.memory_space<hbm>> -> memref<512x16xf32, #tpu.memory_space<hbm>>
        tpu.wait_dma2 semaphore(%arg45 : memref<!tpu.dma_semaphore, #tpu.memory_space<semaphore_mem>>) src(%arg20 : memref<512x16xf32, #tpu.memory_space<vmem>>) dst(%dma_wait3A_328 : memref<512x16xf32, #tpu.memory_space<hbm>>)
      } else {
      }
      %dma_start3A_313 = arith.constant 0 : i32
      %dma_start3A_314 = arith.constant 0 : i32
      %dma_start3A_315 = tpu.memref_slice %arg21[%dma_start3A_313, %dma_start3A_314] : memref<512x16xf32, #tpu.memory_space<vmem_shared>> -> memref<512x16xf32, #tpu.memory_space<vmem_shared>>
      tpu.enqueue_indirect_dma source(%dma_start3A_315 : memref<512x16xf32, #tpu.memory_space<vmem_shared>>) target(%arg20 : memref<512x16xf32, #tpu.memory_space<vmem>>) offsets(%arg12 : memref<512xi32, #tpu.memory_space<vmem>>) semaphore(%arg37 : memref<!tpu.dma_semaphore, #tpu.memory_space<semaphore_mem>>)
      %ge3A_316 = arith.constant 1 : i32
      %ge3A_317 = arith.cmpi sge, %add3A_296, %ge3A_316 : i32
      %convert_element_type3A_318 = arith.extui %ge3A_317 : i1 to i32
      %cond3A_319 = arith.constant 0 : i32
      %cond3A_320 = arith.cmpi ne, %convert_element_type3A_318, %cond3A_319 : i32
      scf.if %cond3A_320 {
        %dma_wait3A_321 = arith.constant 0 : i32
        %dma_wait3A_322 = arith.constant 0 : i32
        %dma_wait3A_323 = tpu.memref_slice %arg21[%dma_wait3A_321, %dma_wait3A_322] : memref<512x16xf32, #tpu.memory_space<vmem_shared>> -> memref<512x16xf32, #tpu.memory_space<vmem_shared>>
        tpu.wait_indirect_dma semaphore(%arg36 : memref<!tpu.dma_semaphore, #tpu.memory_space<semaphore_mem>>) src(%dma_wait3A_323 : memref<512x16xf32, #tpu.memory_space<vmem_shared>>) dst(%arg19 : memref<512x16xf32, #tpu.memory_space<vmem>>)
        %sub3A = arith.constant 1 : i32
        %sub3A_324 = arith.subi %add3A_296, %sub3A : i32
        %mul3A_325 = arith.constant 512 : i32
        %mul3A_326 = arith.muli %sub3A_324, %mul3A_325 : i32
        %add3A_327 = arith.addi %mul3A_2, %mul3A_326 : i32
        %dma_start3A_328 = arith.constant 0 : i32
        %dma_start3A_329 = tpu.memref_slice %arg4[%add3A_327, %dma_start3A_328] : memref<2097152x16xf32, #tpu.memory_space<hbm>> -> memref<512x16xf32, #tpu.memory_space<hbm>>
        %dma_start3A_330 = arith.constant 0 : i32
        %dma_start3A_331 = tpu.memref_slice %arg4[%add3A_327, %dma_start3A_330] : memref<2097152x16xf32, #tpu.memory_space<hbm>> -> memref<512x16xf32, #tpu.memory_space<hbm>>
        tpu.enqueue_dma source(%arg19 : memref<512x16xf32, #tpu.memory_space<vmem>>) target(%dma_start3A_331 : memref<512x16xf32, #tpu.memory_space<hbm>>) target_semaphore(%arg44 : memref<!tpu.dma_semaphore, #tpu.memory_space<semaphore_mem>>)
        %add3A_332 = arith.constant 8 : i32
        %add3A_333 = arith.addi %add3A_296, %add3A_332 : i32
        %sub3A_334 = arith.constant 1 : i32
        %sub3A_335 = arith.subi %add3A_333, %sub3A_334 : i32
        %lt3A = arith.constant 128 : i32
        %lt3A_336 = arith.cmpi slt, %sub3A_335, %lt3A : i32
        %convert_element_type3A_337 = arith.extui %lt3A_336 : i1 to i32
        %cond3A_338 = arith.constant 0 : i32
        %cond3A_339 = arith.cmpi ne, %convert_element_type3A_337, %cond3A_338 : i32
        scf.if %cond3A_339 {
          %add3A_340 = arith.constant 8 : i32
          %add3A_341 = arith.addi %add3A_296, %add3A_340 : i32
          %sub3A_342 = arith.constant 1 : i32
          %sub3A_343 = arith.subi %add3A_341, %sub3A_342 : i32
          %mul3A_344 = arith.constant 512 : i32
          %mul3A_345 = arith.muli %sub3A_343, %mul3A_344 : i32
          %add3A_346 = arith.addi %mul3A_2, %mul3A_345 : i32
          %dma_start3A_347 = tpu.memref_slice %arg3[%add3A_346] : memref<2097152xi32, #tpu.memory_space<hbm>> -> memref<512xi32, #tpu.memory_space<hbm>>
          %dma_start3A_348 = tpu.memref_slice %arg3[%add3A_346] : memref<2097152xi32, #tpu.memory_space<hbm>> -> memref<512xi32, #tpu.memory_space<hbm>>
          tpu.enqueue_dma source(%dma_start3A_348 : memref<512xi32, #tpu.memory_space<hbm>>) target(%arg11 : memref<512xi32, #tpu.memory_space<vmem>>) target_semaphore(%arg28 : memref<!tpu.dma_semaphore, #tpu.memory_space<semaphore_mem>>)
        } else {
        }
      } else {
      }
    }
    %scan3A_40 = arith.constant 16 : i32
    %dma_wait3A = arith.constant 0 : i32
    %dma_wait3A_41 = arith.constant 0 : i32
    %dma_wait3A_42 = tpu.memref_slice %arg21[%dma_wait3A, %dma_wait3A_41] : memref<512x16xf32, #tpu.memory_space<vmem_shared>> -> memref<512x16xf32, #tpu.memory_space<vmem_shared>>
    tpu.wait_indirect_dma semaphore(%arg37 : memref<!tpu.dma_semaphore, #tpu.memory_space<semaphore_mem>>) src(%dma_wait3A_42 : memref<512x16xf32, #tpu.memory_space<vmem_shared>>) dst(%arg20 : memref<512x16xf32, #tpu.memory_space<vmem>>)
    %add3A_43 = arith.constant 65024 : i32
    %add3A_44 = arith.addi %mul3A_2, %add3A_43 : i32
    %dma_start3A_45 = arith.constant 0 : i32
    %dma_start3A_46 = tpu.memref_slice %arg4[%add3A_44, %dma_start3A_45] : memref<2097152x16xf32, #tpu.memory_space<hbm>> -> memref<512x16xf32, #tpu.memory_space<hbm>>
    %dma_start3A_47 = arith.constant 0 : i32
    %dma_start3A_48 = tpu.memref_slice %arg4[%add3A_44, %dma_start3A_47] : memref<2097152x16xf32, #tpu.memory_space<hbm>> -> memref<512x16xf32, #tpu.memory_space<hbm>>
    tpu.enqueue_dma source(%arg20 : memref<512x16xf32, #tpu.memory_space<vmem>>) target(%dma_start3A_48 : memref<512x16xf32, #tpu.memory_space<hbm>>) target_semaphore(%arg45 : memref<!tpu.dma_semaphore, #tpu.memory_space<semaphore_mem>>)
    %add3A_49 = arith.constant 61440 : i32
    %add3A_50 = arith.addi %mul3A_2, %add3A_49 : i32
    %dma_wait3A_51 = arith.constant 0 : i32
    %dma_wait3A_52 = tpu.memref_slice %arg4[%add3A_50, %dma_wait3A_51] : memref<2097152x16xf32, #tpu.memory_space<hbm>> -> memref<512x16xf32, #tpu.memory_space<hbm>>
    %dma_wait3A_53 = arith.constant 0 : i32
    %dma_wait3A_54 = tpu.memref_slice %arg4[%add3A_50, %dma_wait3A_53] : memref<2097152x16xf32, #tpu.memory_space<hbm>> -> memref<512x16xf32, #tpu.memory_space<hbm>>
    tpu.wait_dma2 semaphore(%arg38 : memref<!tpu.dma_semaphore, #tpu.memory_space<semaphore_mem>>) src(%arg13 : memref<512x16xf32, #tpu.memory_space<vmem>>) dst(%dma_wait3A_54 : memref<512x16xf32, #tpu.memory_space<hbm>>)
    %add3A_55 = arith.constant 61952 : i32
    %add3A_56 = arith.addi %mul3A_2, %add3A_55 : i32
    %dma_wait3A_57 = arith.constant 0 : i32
    %dma_wait3A_58 = tpu.memref_slice %arg4[%add3A_56, %dma_wait3A_57] : memref<2097152x16xf32, #tpu.memory_space<hbm>> -> memref<512x16xf32, #tpu.memory_space<hbm>>
    %dma_wait3A_59 = arith.constant 0 : i32
    %dma_wait3A_60 = tpu.memref_slice %arg4[%add3A_56, %dma_wait3A_59] : memref<2097152x16xf32, #tpu.memory_space<hbm>> -> memref<512x16xf32, #tpu.memory_space<hbm>>
    tpu.wait_dma2 semaphore(%arg39 : memref<!tpu.dma_semaphore, #tpu.memory_space<semaphore_mem>>) src(%arg14 : memref<512x16xf32, #tpu.memory_space<vmem>>) dst(%dma_wait3A_60 : memref<512x16xf32, #tpu.memory_space<hbm>>)
    %add3A_61 = arith.constant 62464 : i32
    %add3A_62 = arith.addi %mul3A_2, %add3A_61 : i32
    %dma_wait3A_63 = arith.constant 0 : i32
    %dma_wait3A_64 = tpu.memref_slice %arg4[%add3A_62, %dma_wait3A_63] : memref<2097152x16xf32, #tpu.memory_space<hbm>> -> memref<512x16xf32, #tpu.memory_space<hbm>>
    %dma_wait3A_65 = arith.constant 0 : i32
    %dma_wait3A_66 = tpu.memref_slice %arg4[%add3A_62, %dma_wait3A_65] : memref<2097152x16xf32, #tpu.memory_space<hbm>> -> memref<512x16xf32, #tpu.memory_space<hbm>>
    tpu.wait_dma2 semaphore(%arg40 : memref<!tpu.dma_semaphore, #tpu.memory_space<semaphore_mem>>) src(%arg15 : memref<512x16xf32, #tpu.memory_space<vmem>>) dst(%dma_wait3A_66 : memref<512x16xf32, #tpu.memory_space<hbm>>)
    %add3A_67 = arith.constant 62976 : i32
    %add3A_68 = arith.addi %mul3A_2, %add3A_67 : i32
    %dma_wait3A_69 = arith.constant 0 : i32
    %dma_wait3A_70 = tpu.memref_slice %arg4[%add3A_68, %dma_wait3A_69] : memref<2097152x16xf32, #tpu.memory_space<hbm>> -> memref<512x16xf32, #tpu.memory_space<hbm>>
    %dma_wait3A_71 = arith.constant 0 : i32
    %dma_wait3A_72 = tpu.memref_slice %arg4[%add3A_68, %dma_wait3A_71] : memref<2097152x16xf32, #tpu.memory_space<hbm>> -> memref<512x16xf32, #tpu.memory_space<hbm>>
    tpu.wait_dma2 semaphore(%arg41 : memref<!tpu.dma_semaphore, #tpu.memory_space<semaphore_mem>>) src(%arg16 : memref<512x16xf32, #tpu.memory_space<vmem>>) dst(%dma_wait3A_72 : memref<512x16xf32, #tpu.memory_space<hbm>>)
    %add3A_73 = arith.constant 63488 : i32
    %add3A_74 = arith.addi %mul3A_2, %add3A_73 : i32
    %dma_wait3A_75 = arith.constant 0 : i32
    %dma_wait3A_76 = tpu.memref_slice %arg4[%add3A_74, %dma_wait3A_75] : memref<2097152x16xf32, #tpu.memory_space<hbm>> -> memref<512x16xf32, #tpu.memory_space<hbm>>
    %dma_wait3A_77 = arith.constant 0 : i32
    %dma_wait3A_78 = tpu.memref_slice %arg4[%add3A_74, %dma_wait3A_77] : memref<2097152x16xf32, #tpu.memory_space<hbm>> -> memref<512x16xf32, #tpu.memory_space<hbm>>
    tpu.wait_dma2 semaphore(%arg42 : memref<!tpu.dma_semaphore, #tpu.memory_space<semaphore_mem>>) src(%arg17 : memref<512x16xf32, #tpu.memory_space<vmem>>) dst(%dma_wait3A_78 : memref<512x16xf32, #tpu.memory_space<hbm>>)
    %add3A_79 = arith.constant 64000 : i32
    %add3A_80 = arith.addi %mul3A_2, %add3A_79 : i32
    %dma_wait3A_81 = arith.constant 0 : i32
    %dma_wait3A_82 = tpu.memref_slice %arg4[%add3A_80, %dma_wait3A_81] : memref<2097152x16xf32, #tpu.memory_space<hbm>> -> memref<512x16xf32, #tpu.memory_space<hbm>>
    %dma_wait3A_83 = arith.constant 0 : i32
    %dma_wait3A_84 = tpu.memref_slice %arg4[%add3A_80, %dma_wait3A_83] : memref<2097152x16xf32, #tpu.memory_space<hbm>> -> memref<512x16xf32, #tpu.memory_space<hbm>>
    tpu.wait_dma2 semaphore(%arg43 : memref<!tpu.dma_semaphore, #tpu.memory_space<semaphore_mem>>) src(%arg18 : memref<512x16xf32, #tpu.memory_space<vmem>>) dst(%dma_wait3A_84 : memref<512x16xf32, #tpu.memory_space<hbm>>)
    %add3A_85 = arith.constant 64512 : i32
    %add3A_86 = arith.addi %mul3A_2, %add3A_85 : i32
    %dma_wait3A_87 = arith.constant 0 : i32
    %dma_wait3A_88 = tpu.memref_slice %arg4[%add3A_86, %dma_wait3A_87] : memref<2097152x16xf32, #tpu.memory_space<hbm>> -> memref<512x16xf32, #tpu.memory_space<hbm>>
    %dma_wait3A_89 = arith.constant 0 : i32
    %dma_wait3A_90 = tpu.memref_slice %arg4[%add3A_86, %dma_wait3A_89] : memref<2097152x16xf32, #tpu.memory_space<hbm>> -> memref<512x16xf32, #tpu.memory_space<hbm>>
    tpu.wait_dma2 semaphore(%arg44 : memref<!tpu.dma_semaphore, #tpu.memory_space<semaphore_mem>>) src(%arg19 : memref<512x16xf32, #tpu.memory_space<vmem>>) dst(%dma_wait3A_90 : memref<512x16xf32, #tpu.memory_space<hbm>>)
    %add3A_91 = arith.constant 65024 : i32
    %add3A_92 = arith.addi %mul3A_2, %add3A_91 : i32
    %dma_wait3A_93 = arith.constant 0 : i32
    %dma_wait3A_94 = tpu.memref_slice %arg4[%add3A_92, %dma_wait3A_93] : memref<2097152x16xf32, #tpu.memory_space<hbm>> -> memref<512x16xf32, #tpu.memory_space<hbm>>
    %dma_wait3A_95 = arith.constant 0 : i32
    %dma_wait3A_96 = tpu.memref_slice %arg4[%add3A_92, %dma_wait3A_95] : memref<2097152x16xf32, #tpu.memory_space<hbm>> -> memref<512x16xf32, #tpu.memory_space<hbm>>
    tpu.wait_dma2 semaphore(%arg45 : memref<!tpu.dma_semaphore, #tpu.memory_space<semaphore_mem>>) src(%arg20 : memref<512x16xf32, #tpu.memory_space<vmem>>) dst(%dma_wait3A_96 : memref<512x16xf32, #tpu.memory_space<hbm>>)
    return
  }
}

</mosaic_0001>

<sc_bundles>
// kernel: kernel.3.cloned.1.call-start
scs
__scs_entry_jumppad:
0x0: {  	(pc) =	sbr.rel $0x88, $3  }
0x1: {  	(tag) =	ssettag $0x0;
	lr =	simm.s32 $0x1  }
0x2: {  	[smem:$0x3F9F] =	sst lr;
	_ =	strace $0xD0000000  }
0x3: {  	_ = 	snop  }
0x4: {  	_ = 	snop  }
0x5: {  	_ = 	snop  }
0x6: {  	_ = 	snop  }
0x7: {  	_ = 	snop  }
__scs_overlays_trampoline_lowered:
0x8: {  	[smem:$0x3FAE] =	sst s0  }
0x9: {  	[smem:$0x3FAF] =	sst s1  }
0xa: {  	[smem:$0x3FB0] =	sst s2  }
0xb: {  	[smem:$0x3FB1] =	sst s3  }
0xc: {  	[smem:$0x3FB2] =	sst s4  }
0xd: {  	[smem:$0x3FB3] =	sst s5  }
0xe: {  	[smem:$0x3FB4] =	sst s6  }
0xf: {  	[smem:$0x3FB5] =	sst s7  }
0x10: {  	[smem:$0x3FB6] =	sst s8  }
0x11: {  	[smem:$0x3FB7] =	sst s9;
	s0 =	simm.s32 @!p0 $0x0  }
0x12: {  	s1 =	sld [smem:$0x3F9D];
	s0 =	simm.s32 @p0 $0x1  }
0x13: {  	[smem:$0x3FB8] =	sst s0;
	s0 =	simm.s32 @!p1 $0x0  }
0x14: {  	s2 =	sld [smem:$0x3F9C];
	s0 =	simm.s32 @p1 $0x1  }
0x15: {  	[smem:$0x3FB9] =	sst s0;
	s0 =	simm.s32 @!p2 $0x0  }
0x16: {  	s3 =	sld [smem:$0x3FDB];
	s0 =	simm.s32 @p2 $0x1  }
0x17: {  	s4 =	simm.s32 $0x1BF5;
	[smem:$0x3FBB] =	sst s0  }
0x18: {  	s0 =	sld [smem:$0x3F9E];
	_ =	swait.ge [sflag:s4], $0x0  }
0x19: {  	s7 =	sld [smem:$0x3F9F]  }
0x1a: {  	s8 =	sadd.s32 $0xFFFFE003, lr  }
0x1b: {  	s9 =	sadd.s32 $0xFFFFFEF7, lr;
	s5 =	simm.s32 $0xFFFFFFFF;
	p2 =	slt.u32 s8, $0xFFFFF086  }
0x1c: {  	p1 =	slt.u32 s9, $0xF7A;
	s5 =	simm.s32 @!p2 $0x0  }
0x1d: {  	s5 =	simm.s32 @p1 $0x1;
	p0 =	seq.s32 s7, s2  }
0x1e: {  	s7 =	smul.u32 @!p0 $0xF7A, s2;
	p2 =	seq.s32 @!p0 s5, $0x0  }
0x1f: {  	s9 =	smul.u32 $0xF7A, s1;
	s8 =	simm.s32 @!p0 $0x1BF5;
	p2 =	por !p2, p0  }
0x20: {  	[sflag:s8] =	ssyncset.s32 @!p0 $0xFFFFF086;
	s6 =	sadd.s32 @!p0 s3, s7;
	s7 =	simm.s32 @!p0 $0x108  }
0x21: {  	s3 =	sadd.s32 s3, s9;
	s6 =	sadd.s32 @!p0 $0x88, s6;
	s7 =	simm.s32 @p2 $0x1082  }
0x22: {  	[simem:s7], [sflag:s8] =	dma.local @!p0 [hbm:s6], $0xF7A  }
0x23: {  	s9 =	sor.u32 $0xD0000000, s2;
	s6 =	simm.s32 $0x108;
	_ =	swait.ge @!p0 [sflag:s8], $0x0  }
0x24: {  	s3 =	sadd.s32 $0x88, s3;
	s6 =	simm.s32 @!p1 $0x1082;
	[sflag:s4] =	ssyncset.s32 $0xFFFFF086  }
0x25: {  	[simem:s6], [sflag:s4] =	dma.local [hbm:s3], $0xF7A  }
0x26: {  	[smem:$0x3F9F] =	sst s1;
	(tag) =	ssettag s2;
	_ =	strace s9  }
0x27: {  	s1 =	sld [smem:$0x3FAF]  }
0x28: {  	s2 =	sld [smem:$0x3FB0]  }
0x29: {  	s4 =	sld [smem:$0x3FB2]  }
0x2a: {  	p0 =	seq.s32 s5, $0x0;
	s5 =	sld [smem:$0x3FB3]  }
0x2b: {  	s6 =	sld [smem:$0x3FB4]  }
0x2c: {  	s7 =	sld [smem:$0x3FB5]  }
0x2d: {  	s3 =	simm.s32 $0x108;
	s8 =	sld [smem:$0x3FB6]  }
0x2e: {  	s3 =	simm.s32 @!p0 $0x1082;
	s9 =	sld [smem:$0x3FB7]  }
0x2f: {  	lr =	sadd.s32 s0, s3;
	s0 =	sld [smem:$0x3FAE]  }
0x30: {  	s3 =	sld [smem:$0x3FB1]  }
0x31: {  	[smem:$0x3FBA] =	sst s10  }
0x32: {  	s10 =	sld [smem:$0x3FB8];
	_ =	sdelay $0x3  }
0x33: {  	p0 =	seq.s32 s10, $0x1;
	s10 =	sld [smem:$0x3FBA];
	_ =	sdelay $0x3  }
0x34: {  	[smem:$0x3FBA] =	sst s10  }
0x35: {  	s10 =	sld [smem:$0x3FB9];
	_ =	sdelay $0x3  }
0x36: {  	p1 =	seq.s32 s10, $0x1;
	s10 =	sld [smem:$0x3FBA];
	_ =	sdelay $0x3  }
0x37: {  	[smem:$0x3FBA] =	sst s10  }
0x38: {  	s10 =	sld [smem:$0x3FBB]  }
0x39: {  	_ = 	snop;
	(pc) =	sbr.ind lr, $3  }
0x3a: {  	_ = 	snop  }
0x3b: {  	_ = 	snop  }
0x3c: {  	p2 =	seq.s32 s10, $0x1;
	s10 =	sld [smem:$0x3FBA]  }
0x3d: {  	_ =	shalt  }
0x3e: {  	_ =	shalt  }
0x3f: {  	_ =	shalt  }
0x40: {  	_ =	shalt  }
0x41: {  	_ =	shalt  }
0x42: {  	_ =	shalt  }
0x43: {  	_ =	shalt  }
0x44: {  	_ =	shalt  }
0x45: {  	_ =	shalt  }
0x46: {  	_ =	shalt  }
0x47: {  	_ =	shalt  }
0x48: {  	_ =	shalt  }
0x49: {  	_ =	shalt  }
0x4a: {  	_ =	shalt  }
0x4b: {  	_ =	shalt  }
0x4c: {  	_ =	shalt  }
0x4d: {  	_ =	shalt  }
0x4e: {  	_ =	shalt  }
0x4f: {  	_ =	shalt  }
0x50: {  	_ =	shalt  }
0x51: {  	_ =	shalt  }
0x52: {  	_ =	shalt  }
0x53: {  	_ =	shalt  }
0x54: {  	_ =	shalt  }
0x55: {  	_ =	shalt  }
0x56: {  	_ =	shalt  }
0x57: {  	_ =	shalt  }
0x58: {  	_ =	shalt  }
0x59: {  	_ =	shalt  }
0x5a: {  	_ =	shalt  }
0x5b: {  	_ =	shalt  }
0x5c: {  	_ =	shalt  }
0x5d: {  	_ =	shalt  }
0x5e: {  	_ =	shalt  }
0x5f: {  	_ =	shalt  }
0x60: {  	_ =	shalt  }
0x61: {  	_ =	shalt  }
0x62: {  	_ =	shalt  }
0x63: {  	_ =	shalt  }
0x64: {  	_ =	shalt  }
0x65: {  	_ =	shalt  }
0x66: {  	_ =	shalt  }
0x67: {  	_ =	shalt  }
0x68: {  	_ =	shalt  }
0x69: {  	_ =	shalt  }
0x6a: {  	_ =	shalt  }
0x6b: {  	_ =	shalt  }
0x6c: {  	_ =	shalt  }
0x6d: {  	_ =	shalt  }
0x6e: {  	_ =	shalt  }
0x6f: {  	_ =	shalt  }
0x70: {  	_ =	shalt  }
0x71: {  	_ =	shalt  }
0x72: {  	_ =	shalt  }
0x73: {  	_ =	shalt  }
0x74: {  	_ =	shalt  }
0x75: {  	_ =	shalt  }
0x76: {  	_ =	shalt  }
0x77: {  	_ =	shalt  }
0x78: {  	_ =	shalt  }
0x79: {  	_ =	shalt  }
0x7a: {  	_ =	shalt  }
0x7b: {  	_ =	shalt  }
0x7c: {  	_ =	shalt  }
0x7d: {  	_ =	shalt  }
0x7e: {  	_ =	shalt  }
0x7f: {  	_ =	shalt  }
0x80: {  	_ =	shalt  }
0x81: {  	_ =	shalt  }
0x82: {  	_ =	shalt  }
0x83: {  	_ =	shalt  }
0x84: {  	_ =	shalt  }
0x85: {  	_ =	shalt  }
0x86: {  	_ =	shalt  }
0x87: {  	_ =	shalt  }
.Lfunc_end0:
.L_simem_size_0:
called_computation.1_lowered:
.L_overlay_start_0:
0x88: {  	s2 =	sld [smem:$0x3FD9]  }
0x89: {  	s3 =	sld [smem:$0x3FFE];
	_ =	sdelay $0x1  }
0x8a: {  	s1 =	srdreg.scid  }
0x8b: {  	s0 =	sand.u32 $0x1, s1  }
0x8c: {  	s17 =	sshll.u32 s0, $0xA;
	s2 =	sadd.s32 s3, s2  }
0x8d: {  	s2 =	sadd.s32 s2, s17  }
0x8e: {  	[smem:$0x3FC6] =	sst s2  }
0x8f: {  	_ = 	snop  }
0x90: {  	s2 =	sld [smem:$0x3FD0];
	(tm) =	ssettm $0x1  }
0x91: {  	s18 =	sld [smem:$0x3FFB];
	_ =	sdelay $0x3  }
0x92: {  	_ =	strace s18  }
0x93: {  	s3 =	sld [smem:$0x3FFC];
	_ =	sdelay $0x3  }
0x94: {  	_ =	strace s3  }
0x95: {  	s3 =	sld [smem:$0x3FFD];
	_ =	sdelay $0x3  }
0x96: {  	_ =	strace s3  }
0x97: {  	_ =	strace $0x8FFFFFFF  }
0x98: {  	s19 =	sld [smem:$0x3FDB];
	_ =	sdelay $0x1  }
0x99: {  	s4 =	simm.s32 $_scs_section_size  }
0x9a: {  	s5 =	simm.s32 $_size__tile_overlayer_lowered;
	s6 =	simm.s32 $_tile_overlayer_lowered  }
0x9b: {  	s22 =	simm.s32 $0x1BFF;
	s21 =	sshll.u32 s6, $0x1;
	s3 =	sadd.s32 s4, s19  }
0x9c: {  	s7 =	simm.s32 $0x0;
	s20 =	sshll.u32 s5, $0x1;
	s5 =	sadd.s32 s21, s3  }
0x9d: {  	[timem:s7], [sflag:s22] =	dma.local [hbm:s5], s20  }
0x9e: {  	_ =	swait.ge [sflag:s22], s20  }
0x9f: {  	s4 =	ssub.s32 $0x0, s20;
	[sflag:s22] =	ssyncset.done $0x0  }
0xa0: {  	[sflag:s22] =	ssyncadd.s32 s4;
	_ =	sdelay $0x1  }
0xa1: {  	s23 =	simm.s32 $0x1B8B  }
0xa2: {  	_ =	swait.ge [sflag:s23], $0x1  }
0xa3: {  	[sflag:s23] =	ssyncset.done $0x0  }
0xa4: {  	s25 =	simm.s32 $0x1B8E;
	s24 =	sld [smem:$0x3FFE];
	[sflag:s23] =	ssyncadd.s32 $0xFFFFFFFF  }
0xa5: {  	s26 =	simm.s32 $execute0_lowered;
	[smem:$0x3FD2] =	sst s25  }
0xa6: {  	s5 =	sshll.u32 s26, $0x1;
	_ =	strace $0x80000046;
	[dreg:$0x1] =	wrdreg $0xFFFFFFFF  }
0xa7: {  	s28 =	simm.s32 $_size_execute0_lowered;
	s3 =	sadd.s32 s3, s5;
	[dreg:$0x0] =	wrdreg $0x0  }
0xa8: {  	s5 =	sshll.u32 s28, $0x1;
	[dreg:$0x2] =	wrdreg s3  }
0xa9: {  	[dreg:$0x3] =	wrdreg s5  }
0xaa: {  	[dreg:$0x4] =	wrdreg $0xC0  }
0xab: {  	_ =	task [dreg:s7], $0x5FFFF  }
0xac: {  	[dreg:$0x1] =	wrdreg $0xFFFFFFFF  }
0xad: {  	[dreg:$0x0] =	wrdreg $0x60  }
0xae: {  	[dreg:$0x2] =	wrdreg s24  }
0xaf: {  	[dreg:$0x3] =	wrdreg s2  }
0xb0: {  	[dreg:$0x4] =	wrdreg $0x110000  }
0xb1: {  	[dreg:$0x5] =	wrdreg $0x9  }
0xb2: {  	_ =	task.clear_ibuf [dreg:s7], $0x6FFFF;
	_ =	strace $0x90000046  }
0xb3: {  	s29 =	simm.s32 $0x9;
	_ =	strace $0x80000048  }
0xb4: {  	_ =	swait.ge [sflag:s29], $0x1  }
0xb5: {  	[sflag:s29] =	ssyncadd.s32 $0xFFFFFFFF  }
0xb6: {  	_ =	strace $0x90000048  }
0xb7: {  	_ =	sfence  }
0xb8: {  	s30 =	sld [smem:$0x0];
	_ =	sdelay $0x2  }
0xb9: {  	s31 =	sshll.u32 s1, $0xD;
	s1 =	sshrl.u32 s1, $0x2  }
0xba: {  	s3 =	sand.u32 $0x4000, s31;
	s1 =	sadd.s32 s1, s30  }
0xbb: {  	s0 =	sor.u32 s3, s0;
	s1 =	sshll.u32 s1, $0x11  }
0xbc: {  	s0 =	sor.u32 s1, s0  }
0xbd: {  	s0 =	sadd.s32 $0x8F2B, s0  }
0xbe: {  	[sflag:s0] =	ssyncadd.remote.s32 $0x1  }
0xbf: {  	_ =	sfence.sel $0xFFFF  }
0xc0: {  	[dreg:$0x0] =	wrdreg $0xFFFFFFFF;
	(pc) =	sbr.abs _section_cstart, $3  }
0xc1: {  	[dreg:$0x1] =	wrdreg $0xFFFFFFFF  }
0xc2: {  	_ =	task.clear_ibuf [dreg:s7], $0x2FFFF;
	_ =	strace $0x9FFFFFFF  }
0xc3: {  	(tm) =	ssettm $0x7FFFFFFF  }
tec
execute0_lowered:
.L_overlay_start_1:
0x0: {  	(tag) =	ssettag $0x1  }
0x1: {  	s0 =	rddreg [dreg:$0x0]  }
0x2: {  	s1 =	rddreg [dreg:$0x1]  }
0x3: {  	s2 =	rddreg [dreg:$0x2];
	s4 =	srdreg.scid  }
0x4: {  	s3 =	simm.s32 $0x0;
	s6 =	stileid.u32;
	s31 =	simm.s32 $0x5  }
0x5: {  	s7 =	sand.u32 $0x1, s4;
	[smem:$0x7FF] =	sst s3;
	s19 =	sadd.s32 $0x800, s1  }
0x6: {  	s21 =	sadd.s32 $0xC00, s1;
	_ =	strace $0x80000047;
	[dreg:$0x11] =	wrdreg s19  }
0x7: {  	s28 =	sshll.u32 s6, $0x11;
	s23 =	sadd.s32 $0x1000, s1;
	[dreg:$0x13] =	wrdreg s21  }
0x8: {  	p0 =	sne.s32 s6, $0x0;
	s26 =	sadd.s32 $0x1400, s1;
	[dreg:$0x15] =	wrdreg s23  }
0x9: {  	s5 =	sshll.u32 s7, $0x10;
	s7 =	ssub.s32 $0x2, s7;
	[dreg:$0x19] =	wrdreg s26  }
0xa: {  	s4 =	sor.u32 s5, s28;
	s5 =	sadd.s32 $0xC00, s0;
	s0 =	sadd.s32 $0x800, s0  }
0xb: {  	s19 =	simm.s32 $0xD;
	[dreg:$0x4] =	wrdreg s0;
	s15 =	sadd.s32 $0xFFFFE00, s4  }
0xc: {  	s21 =	simm.s32 $0xD000;
	s17 =	sor.u32 $0x1000, s4;
	[dreg:$0xd] =	wrdreg s15  }
0xd: {  	s23 =	simm.s32 $0x8;
	s18 =	sor.u32 $0x1200, s4;
	[dreg:$0xf] =	wrdreg s17  }
0xe: {  	s26 =	simm.s32 $0xF;
	s20 =	sor.u32 $0x1400, s4;
	[dreg:$0x10] =	wrdreg s18  }
0xf: {  	s29 =	sshrl.u32 s7, $0x1;
	s22 =	sor.u32 $0x1600, s4;
	[dreg:$0x12] =	wrdreg s20  }
0x10: {  	s8 =	sshrl.u32 s4, $0x3;
	s16 =	sshll.u32 s4, $0x1;
	[dreg:$0x14] =	wrdreg s22  }
0x11: {  	s0 =	ssub.s32 s7, s29;
	s25 =	sor.u32 $0x1800, s4;
	[dreg:$0xe] =	wrdreg s16  }
0x12: {  	s28 =	sor.u32 $0x1A00, s4;
	s29 =	sadd.s32 $0x1800, s1;
	[dreg:$0x18] =	wrdreg s25  }
0x13: {  	s8 =	sadd.s32 s5, s8;
	s7 =	sadd.s32 s16, s1;
	[dreg:$0x1a] =	wrdreg s28  }
0x14: {  	s0 =	smax.u32 s0, $0x1;
	[dreg:$0x1b] =	wrdreg s29;
	s25 =	simm.s32 $0x9  }
0x15: {  	s15 =	simm.s32 $0x9000;
	s17 =	simm.s32 $0xC;
	[dreg:$0x5] =	wrdreg s8  }
0x16: {  	s16 =	simm.s32 $0x6;
	s30 =	sadd.s32 $0x40, s8;
	[dreg:$0x17] =	wrdreg s0  }
0x17: {  	s18 =	simm.s32 $0xB000;
	s9 =	sadd.s32 $0x80, s8;
	[dreg:$0x6] =	wrdreg s30  }
0x18: {  	s20 =	simm.s32 $0x7;
	s10 =	sadd.s32 $0xC0, s8;
	[dreg:$0x7] =	wrdreg s9  }
0x19: {  	s22 =	simm.s32 $0xE;
	s11 =	sadd.s32 $0x100, s8;
	[dreg:$0x8] =	wrdreg s10  }
0x1a: {  	s12 =	sadd.s32 $0x140, s8;
	s13 =	sadd.s32 $0x180, s8;
	[dreg:$0x9] =	wrdreg s11  }
0x1b: {  	s14 =	sadd.s32 $0x1C0, s8;
	s24 =	sadd.s32 $0x1FC00, s7;
	[dreg:$0xa] =	wrdreg s12  }
.Ltmp0:
0x1c: {  	s0 =	simm.s32 $0x200;
	[dreg:$0xb] =	wrdreg s13;
	(pc) =	sbr.rel .LBB2_1-.Ltmp0, $4  }
0x1d: {  	s7 =	simm.s32 $0x3;
	s8 =	simm.s32 $0xA;
	[dreg:$0xc] =	wrdreg s14  }
0x1e: {  	[dreg:$0x16] =	wrdreg s24;
	s30 =	sor.u32 $0x1C00, s4;
	s24 =	simm.s32 $0xC00  }
0x1f: {  	s13 =	simm.s32 $0x1;
	s14 =	simm.s32 $0x2;
	s9 =	simm.s32 $0x4  }
0x20: {  	s12 =	simm.s32 $0xB;
	s11 =	simm.s32 $0x0;
	[dreg:$0x1c] =	wrdreg s30  }
.LBB2_20:
0x21: {  	s6 =	simm.s32 $0x10  }
0x22: {  	_ =	swait.ge [sflag:s6], $0x2000  }
0x23: {  	s10 =	simm.s32 $0xF000;
	[sflag:s6] =	ssyncset.done $0x0  }
0x24: {  	s11 =	simm.s32 $0x11;
	s30 =	rddreg [dreg:$0x16];
	[sflag:s6] =	ssyncadd.s32 $0xFFFFE000  }
0x25: {  	[hbm4b:s30+s3] =	stream.linear.scatter [tilespmem:s10], [sflag:$0x18], $0x2000, $0x38;
	[tilespmem:$0x11200] =	vst v63  }
0x26: {  	_ =	swait.ge [sflag:s11], $0x2000  }
0x27: {  	[sflag:s11] =	ssyncset.done $0x0  }
0x28: {  	s28 =	simm.s32 $0x12;
	[sflag:s11] =	ssyncadd.s32 $0xFFFFE000  }
0x29: {  	_ =	swait.ge [sflag:s28], $0x2000  }
0x2a: {  	[sflag:s28] =	ssyncset.done $0x0  }
0x2b: {  	s29 =	simm.s32 $0x13;
	[sflag:s28] =	ssyncadd.s32 $0xFFFFE000  }
0x2c: {  	_ =	swait.ge [sflag:s29], $0x2000  }
0x2d: {  	[sflag:s29] =	ssyncset.done $0x0  }
0x2e: {  	s30 =	simm.s32 $0x14;
	[sflag:s29] =	ssyncadd.s32 $0xFFFFE000  }
0x2f: {  	_ =	swait.ge [sflag:s30], $0x2000  }
0x30: {  	[sflag:s30] =	ssyncset.done $0x0  }
0x31: {  	s10 =	simm.s32 $0x15;
	[sflag:s30] =	ssyncadd.s32 $0xFFFFE000  }
0x32: {  	_ =	swait.ge [sflag:s10], $0x2000  }
0x33: {  	[sflag:s10] =	ssyncset.done $0x0  }
0x34: {  	s11 =	simm.s32 $0x16;
	[sflag:s10] =	ssyncadd.s32 $0xFFFFE000  }
0x35: {  	_ =	swait.ge [sflag:s11], $0x2000  }
0x36: {  	[sflag:s11] =	ssyncset.done $0x0  }
0x37: {  	s28 =	simm.s32 $0x17;
	[sflag:s11] =	ssyncadd.s32 $0xFFFFE000  }
0x38: {  	_ =	swait.ge [sflag:s28], $0x2000  }
0x39: {  	[sflag:s28] =	ssyncset.done $0x0  }
0x3a: {  	s29 =	simm.s32 $0x18;
	[sflag:s28] =	ssyncadd.s32 $0xFFFFE000  }
0x3b: {  	_ =	swait.ge [sflag:s29], $0x2000  }
0x3c: {  	s11 =	rddreg [dreg:$0x1d]  }
0x3d: {  	s30 =	rddreg [dreg:$0x17];
	s11 =	sadd.s32 $0x1, s11  }
0x3e: {  	p1 =	sne.s32 s11, s30  }
.Ltmp1:
0x3f: {  	_ = 	snop;
	(pc) =	sbr.rel @!p1 .LBB2_21-.Ltmp1, $3  }
0x40: {  	_ =	sdelay $0x1  }
0x41: {  	[sflag:s29] =	ssyncset.done $0x0  }
0x42: {  	[sflag:s29] =	ssyncadd.s32 $0xFFFFE000  }
.LBB2_1:
0x43: {  	[dreg:$0x1d] =	wrdreg s11  }
0x44: {  	s6 =	sshrl.u32 @!p0 s2, $0x3;
	s10 =	simm.s32 @!p0 $0x1C19;
	s11 =	rddreg [dreg:$0x4]  }
0x45: {  	[spmem:s6], [sflag:s10] =	dma.local @!p0 [hbm:s11], $0x400  }
0x46: {  	s6 =	simm.s32 @!p0 $0x19  }
0x47: {  	_ =	swait.ge @!p0 [sflag:s6], $0x400  }
0x48: {  	[sflag:s6] =	ssyncset.done @!p0 $0x0  }
0x49: {  	[sflag:s6] =	ssyncadd.s32 @!p0 $0xFFFFFC00  }
0x4a: {  	[bflag:$0x0] =	sbarrier.arrive $0xFFFF  }
0x4b: {  	s29 =	rddreg [dreg:$0x5]  }
0x4c: {  	[tilespmem:s3], [sflag:$0x1] =	stream.linear.gather [hbm4b:s29+s3], $0x200, $0x38;
	[tilespmem:$0x11200] =	vst v63  }
0x4d: {  	s30 =	rddreg [dreg:$0x6]  }
0x4e: {  	[tilespmem:s0], [sflag:$0x2] =	stream.linear.gather [hbm4b:s30+s3], $0x200, $0x38;
	[tilespmem:$0x11200] =	vst v63  }
0x4f: {  	s11 =	simm.s32 $0x400;
	s10 =	rddreg [dreg:$0x7]  }
0x50: {  	[tilespmem:s11], [sflag:$0x3] =	stream.linear.gather [hbm4b:s10+s3], $0x200, $0x38;
	[tilespmem:$0x11200] =	vst v63  }
0x51: {  	s29 =	rddreg [dreg:$0x8];
	s30 =	simm.s32 $0x600  }
0x52: {  	[tilespmem:s30], [sflag:$0x4] =	stream.linear.gather [hbm4b:s29+s3], $0x200, $0x38;
	[tilespmem:$0x11200] =	vst v63  }
0x53: {  	s10 =	rddreg [dreg:$0x9];
	s11 =	simm.s32 $0x800  }
0x54: {  	[tilespmem:s11], [sflag:$0x5] =	stream.linear.gather [hbm4b:s10+s3], $0x200, $0x38;
	[tilespmem:$0x11200] =	vst v63  }
0x55: {  	s29 =	rddreg [dreg:$0xa];
	s30 =	simm.s32 $0xA00  }
0x56: {  	[tilespmem:s30], [sflag:$0x6] =	stream.linear.gather [hbm4b:s29+s3], $0x200, $0x38;
	[tilespmem:$0x11200] =	vst v63  }
0x57: {  	s11 =	rddreg [dreg:$0xb]  }
0x58: {  	[tilespmem:s24], [sflag:$0x7] =	stream.linear.gather [hbm4b:s11+s3], $0x200, $0x38;
	[tilespmem:$0x11200] =	vst v63  }
0x59: {  	s28 =	simm.s32 $0x0;
	s29 =	rddreg [dreg:$0xc];
	s30 =	simm.s32 $0xE00  }
0x5a: {  	[tilespmem:s30], [sflag:$0x8] =	stream.linear.gather [hbm4b:s29+s3], $0x200, $0x38;
	[tilespmem:$0x11200] =	vst v63  }
.LBB2_2:
0x5b: {  	_ =	swait.ge [sflag:s13], $0x200  }
0x5c: {  	[sflag:s13] =	ssyncset.done $0x0  }
0x5d: {  	s11 =	simm.s32 $0x40;
	[sflag:s13] =	ssyncadd.s32 $0xFFFFFE00  }
0x5e: {  	v0 =	vld [tilespmem:s11+$0xFFFFFFE0]  }
0x5f: {  	v1 =	vld [tilespmem:s11+$0x30]  }
0x60: {  	v2 =	vld [tilespmem:s11+$0x10]  }
0x61: {  	v3 =	vld [tilespmem:s11+$0x20]  }
0x62: {  	v5 =	vld [tilespmem:s11+$0xFFFFFFC0];
	_ =	sdelay $0x1  }
0x63: {  	v4 =	vshra.s32 v0, $0x1F  }
0x64: {  	v6 =	vshra.s32 v2, $0x1F;
	v0 =	vor.u32 v4, v0;
	v4 =	vshra.s32 v1, $0x1F  }
0x65: {  	v7 =	vshra.s32 v3, $0x1F;
	v6 =	vor.u32 v6, v2;
	v4 =	vor.u32 v4, v1;
	v1 =	vld [tilespmem:s11+$0xFFFFFFD0]  }
0x66: {  	v2 =	vld [tilespmem:s11+$0x0];
	v3 =	vor.u32 v7, v3;
	v7 =	vshra.s32 v5, $0x1F;
	vm0 =	vlt.s32 v0, $0x1FE  }
0x67: {  	vm1 =	vlt.s32 v4, $0x1FE;
	v8 =	vnsel vm0, $0x1FE, v0;
	vm0 =	vlt.s32 v6, $0x1FE  }
0x68: {  	v0 =	vld [tilespmem:s11+$0xFFFFFFF0];
	v9 =	vnsel vm1, $0x1FE, v4;
	v4 =	vadd.s32 $0x1, v8;
	v6 =	vnsel vm0, $0x1FE, v6  }
0x69: {  	v5 =	vor.u32 v7, v5;
	vm0 =	vlt.s32 v3, $0x1FE;
	[tilespmem:s11+$0xFFFFFFE0] =	vst v4;
	v6 =	vadd.s32 $0x1, v6  }
0x6a: {  	s24 =	simm.s32 $0x0;
	s6 =	simm.s32 $0xC0;
	vm1 =	vlt.s32 v5, $0x1FE;
	[tilespmem:s11+$0x10] =	vst v6;
	v6 =	vadd.s32 $0x1, v9;
	v4 =	vshra.s32 v1, $0x1F  }
.LBB2_3:
0x6b: {  	v7 =	vld [tilespmem:s6+$0xFFFFFFE0];
	s24 =	sadd.s32 $0x8, s24;
	v8 =	vshra.s32 v2, $0x1F;
	v3 =	vnsel vm0, $0x1FE, v3;
	[tilespmem:s11+$0x30] =	vst v6  }
0x6c: {  	v5 =	vnsel vm1, $0x1FE, v5;
	v6 =	vld [tilespmem:s6+$0x30];
	p1 =	slt.u32 s24, $0x18;
	v3 =	vadd.s32 $0x1, v3  }
0x6d: {  	v10 =	vshra.s32 v0, $0x1F;
	v5 =	vadd.s32 $0x1, v5;
	v2 =	vor.u32 v8, v2;
	v9 =	vld [tilespmem:s6+$0x10];
	[tilespmem:s11+$0x20] =	vst v3  }
0x6e: {  	v1 =	vor.u32 v4, v1;
	v4 =	vor.u32 v10, v0;
	vm0 =	vlt.s32 v2, $0x1FE;
	v3 =	vld [tilespmem:s6+$0x20];
	[tilespmem:s11+$0xFFFFFFC0] =	vst v5  }
0x6f: {  	vm1 =	vlt.s32 v1, $0x1FE;
	vm2 =	vlt.s32 v4, $0x1FE;
	v2 =	vnsel vm0, $0x1FE, v2  }
0x70: {  	v1 =	vnsel vm1, $0x1FE, v1;
	v2 =	vadd.s32 $0x1, v2;
	v5 =	vshra.s32 v7, $0x1F;
	v0 =	vld [tilespmem:s6+$0xFFFFFFF0]  }
0x71: {  	v1 =	vadd.s32 $0x1, v1;
	v8 =	vld [tilespmem:s6+$0xFFFFFFC0];
	v5 =	vor.u32 v5, v7;
	v7 =	vshra.s32 v6, $0x1F;
	[tilespmem:s11+$0x0] =	vst v2  }
0x72: {  	v4 =	vnsel vm2, $0x1FE, v4;
	v10 =	vshra.s32 v9, $0x1F;
	v6 =	vor.u32 v7, v6;
	[tilespmem:s11+$0xFFFFFFD0] =	vst v1  }
0x73: {  	vm0 =	vlt.s32 v5, $0x1FE;
	v1 =	vld [tilespmem:s6+$0xFFFFFFD0];
	v7 =	vshra.s32 v3, $0x1F;
	vm1 =	vlt.s32 v6, $0x1FE  }
.Ltmp2:
0x74: {  	v5 =	vnsel vm0, $0x1FE, v5;
	v9 =	vor.u32 v10, v9;
	v2 =	vld [tilespmem:s6+$0x0];
	v6 =	vnsel vm1, $0x1FE, v6;
	(pc) =	sbr.rel @p1 .LBB2_3-.Ltmp2, $4  }
0x75: {  	v5 =	vadd.s32 $0x1, v5;
	vm0 =	vlt.s32 v9, $0x1FE;
	v3 =	vor.u32 v7, v3  }
0x76: {  	v4 =	vadd.s32 $0x1, v4;
	v9 =	vnsel vm0, $0x1FE, v9;
	v7 =	vshra.s32 v8, $0x1F;
	[tilespmem:s6+$0xFFFFFFE0] =	vst v5  }
0x77: {  	vm0 =	vlt.s32 v3, $0x1FE;
	v5 =	vor.u32 v7, v8;
	v7 =	vadd.s32 $0x1, v9;
	[tilespmem:s11+$0xFFFFFFF0] =	vst v4;
	s11 =	smov.u32 s6  }
0x78: {  	v6 =	vadd.s32 $0x1, v6;
	s6 =	sadd.s32 $0x80, s6;
	vm1 =	vlt.s32 v5, $0x1FE;
	v4 =	vshra.s32 v1, $0x1F;
	[tilespmem:s11+$0x10] =	vst v7  }
0x79: {  	v7 =	vshra.s32 v2, $0x1F;
	v3 =	vnsel vm0, $0x1FE, v3;
	v5 =	vnsel vm1, $0x1FE, v5  }
0x7a: {  	[tilespmem:s11+$0x30] =	vst v6;
	v6 =	vshra.s32 v0, $0x1F;
	v1 =	vor.u32 v4, v1;
	v3 =	vadd.s32 $0x1, v3  }
0x7b: {  	v5 =	vadd.s32 $0x1, v5;
	v2 =	vor.u32 v7, v2;
	vm1 =	vlt.s32 v1, $0x1FE  }
0x7c: {  	v0 =	vor.u32 v6, v0;
	vm0 =	vlt.s32 v2, $0x1FE;
	[tilespmem:s11+$0x20] =	vst v3;
	v1 =	vnsel vm1, $0x1FE, v1  }
0x7d: {  	[tilespmem:s11+$0xFFFFFFC0] =	vst v5;
	v2 =	vnsel vm0, $0x1FE, v2;
	vm0 =	vlt.s32 v0, $0x1FE;
	v1 =	vadd.s32 $0x1, v1  }
0x7e: {  	v2 =	vadd.s32 $0x1, v2;
	v0 =	vnsel vm0, $0x1FE, v0;
	[tilespmem:s11+$0xFFFFFFD0] =	vst v1  }
0x7f: {  	p1 =	sne.s32 s28, $0x0;
	[tilespmem:s11+$0x0] =	vst v2;
	v0 =	vadd.s32 $0x1, v0  }
0x80: {  	s6 =	simm.s32 @p1 $0x11;
	[tilespmem:s11+$0xFFFFFFF0] =	vst v0  }
0x81: {  	_ =	swait.ge @p1 [sflag:s6], $0x2000  }
0x82: {  	s10 =	simm.s32 @p1 $0x0;
	[sflag:s6] =	ssyncset.done @p1 $0x0  }
0x83: {  	s11 =	simm.s32 @p1 $0x1000;
	[sflag:s6] =	ssyncadd.s32 @p1 $0xFFFFE000;
	s6 =	simm.s32 @p1 $0x200  }
0x84: {  	[tilespmem:s11], [sflag:$0x9] =	stream.indirect.gather @p1 [spmem:s2], $0x10, s10, s6, $0xb8;
	[tilespmem:$0x11200] =	vst v63  }
0x85: {  	s29 =	sshll.u32 s28, $0xC;
	s11 =	rddreg [dreg:$0xd]  }
0x86: {  	s6 =	simm.s32 @p1 $0x10;
	s11 =	sadd.s32 @p1 s29, s11  }
0x87: {  	_ =	swait.ge @p1 [sflag:s6], $0x2000;
	s11 =	sshll.u32 @p1 s11, $0x1  }
0x88: {  	[sflag:s6] =	ssyncset.done @p1 $0x0;
	s11 =	sand.u32 @p1 $0x1FFFFC00, s11  }
0x89: {  	[sflag:s6] =	ssyncadd.s32 @p1 $0xFFFFE000;
	s6 =	sadd.s32 @p1 s1, s11;
	s11 =	simm.s32 @p1 $0xF000  }
0x8a: {  	[hbm4b:s6+s10] =	stream.linear.scatter @p1 [tilespmem:s11], [sflag:$0x18], $0x2000, $0x38;
	[tilespmem:$0x11200] =	vst v63  }
0x8b: {  	s6 =	sor.u32 @p1 s29, s4  }
0x8c: {  	s6 =	sshrl.u32 @p1 s6, $0x3  }
0x8d: {  	s6 =	sadd.s32 @p1 s6, s5  }
0x8e: {  	s11 =	simm.s32 @p1 $0xE00;
	s6 =	sadd.s32 @p1 $0x1C0, s6  }
0x8f: {  	[tilespmem:s11], [sflag:$0x8] =	stream.linear.gather @p1 [hbm4b:s6+s10], $0x200, $0x38;
	[tilespmem:$0x11200] =	vst v63  }
0x90: {  	s6 =	simm.s32 @!p1 $0x200;
	s10 =	simm.s32 @!p1 $0x0;
	s11 =	simm.s32 @!p1 $0x1000  }
0x91: {  	[tilespmem:s11], [sflag:$0x9] =	stream.indirect.gather @!p1 [spmem:s2], $0x10, s10, s6, $0xb8;
	[tilespmem:$0x11200] =	vst v63  }
0x92: {  	_ =	swait.ge [sflag:s14], $0x200  }
0x93: {  	[sflag:s14] =	ssyncset.done $0x0  }
0x94: {  	s11 =	simm.s32 $0x240;
	[sflag:s14] =	ssyncadd.s32 $0xFFFFFE00  }
0x95: {  	v0 =	vld [tilespmem:s11+$0xFFFFFFE0]  }
0x96: {  	v1 =	vld [tilespmem:s11+$0x30]  }
0x97: {  	v2 =	vld [tilespmem:s11+$0x10]  }
0x98: {  	v3 =	vld [tilespmem:s11+$0x20]  }
0x99: {  	v5 =	vld [tilespmem:s11+$0xFFFFFFC0];
	_ =	sdelay $0x1  }
0x9a: {  	v4 =	vshra.s32 v0, $0x1F  }
0x9b: {  	v6 =	vshra.s32 v2, $0x1F;
	v0 =	vor.u32 v4, v0;
	v4 =	vshra.s32 v1, $0x1F  }
0x9c: {  	v7 =	vshra.s32 v3, $0x1F;
	v6 =	vor.u32 v6, v2;
	v4 =	vor.u32 v4, v1;
	v1 =	vld [tilespmem:s11+$0xFFFFFFD0]  }
0x9d: {  	v2 =	vld [tilespmem:s11+$0x0];
	v3 =	vor.u32 v7, v3;
	v7 =	vshra.s32 v5, $0x1F;
	vm0 =	vlt.s32 v0, $0x1FE  }
0x9e: {  	vm1 =	vlt.s32 v4, $0x1FE;
	v8 =	vnsel vm0, $0x1FE, v0;
	vm0 =	vlt.s32 v6, $0x1FE  }
0x9f: {  	v0 =	vld [tilespmem:s11+$0xFFFFFFF0];
	v9 =	vnsel vm1, $0x1FE, v4;
	v4 =	vadd.s32 $0x1, v8;
	v6 =	vnsel vm0, $0x1FE, v6  }
0xa0: {  	v5 =	vor.u32 v7, v5;
	vm0 =	vlt.s32 v3, $0x1FE;
	[tilespmem:s11+$0xFFFFFFE0] =	vst v4;
	v6 =	vadd.s32 $0x1, v6  }
0xa1: {  	s24 =	simm.s32 $0x0;
	s6 =	simm.s32 $0x2C0;
	vm1 =	vlt.s32 v5, $0x1FE;
	[tilespmem:s11+$0x10] =	vst v6;
	v6 =	vadd.s32 $0x1, v9;
	v4 =	vshra.s32 v1, $0x1F  }
.LBB2_5:
0xa2: {  	v7 =	vld [tilespmem:s6+$0xFFFFFFE0];
	s24 =	sadd.s32 $0x8, s24;
	v8 =	vshra.s32 v2, $0x1F;
	v3 =	vnsel vm0, $0x1FE, v3;
	[tilespmem:s11+$0x30] =	vst v6  }
0xa3: {  	v5 =	vnsel vm1, $0x1FE, v5;
	v6 =	vld [tilespmem:s6+$0x30];
	p1 =	slt.u32 s24, $0x18;
	v3 =	vadd.s32 $0x1, v3  }
0xa4: {  	v10 =	vshra.s32 v0, $0x1F;
	v5 =	vadd.s32 $0x1, v5;
	v2 =	vor.u32 v8, v2;
	v9 =	vld [tilespmem:s6+$0x10];
	[tilespmem:s11+$0x20] =	vst v3  }
0xa5: {  	v1 =	vor.u32 v4, v1;
	v4 =	vor.u32 v10, v0;
	vm0 =	vlt.s32 v2, $0x1FE;
	v3 =	vld [tilespmem:s6+$0x20];
	[tilespmem:s11+$0xFFFFFFC0] =	vst v5  }
0xa6: {  	vm1 =	vlt.s32 v1, $0x1FE;
	vm2 =	vlt.s32 v4, $0x1FE;
	v2 =	vnsel vm0, $0x1FE, v2  }
0xa7: {  	v1 =	vnsel vm1, $0x1FE, v1;
	v2 =	vadd.s32 $0x1, v2;
	v5 =	vshra.s32 v7, $0x1F;
	v0 =	vld [tilespmem:s6+$0xFFFFFFF0]  }
0xa8: {  	v1 =	vadd.s32 $0x1, v1;
	v8 =	vld [tilespmem:s6+$0xFFFFFFC0];
	v5 =	vor.u32 v5, v7;
	v7 =	vshra.s32 v6, $0x1F;
	[tilespmem:s11+$0x0] =	vst v2  }
0xa9: {  	v4 =	vnsel vm2, $0x1FE, v4;
	v10 =	vshra.s32 v9, $0x1F;
	v6 =	vor.u32 v7, v6;
	[tilespmem:s11+$0xFFFFFFD0] =	vst v1  }
0xaa: {  	vm0 =	vlt.s32 v5, $0x1FE;
	v1 =	vld [tilespmem:s6+$0xFFFFFFD0];
	v7 =	vshra.s32 v3, $0x1F;
	vm1 =	vlt.s32 v6, $0x1FE  }
.Ltmp3:
0xab: {  	v5 =	vnsel vm0, $0x1FE, v5;
	v9 =	vor.u32 v10, v9;
	v2 =	vld [tilespmem:s6+$0x0];
	v6 =	vnsel vm1, $0x1FE, v6;
	(pc) =	sbr.rel @p1 .LBB2_5-.Ltmp3, $4  }
0xac: {  	v5 =	vadd.s32 $0x1, v5;
	vm0 =	vlt.s32 v9, $0x1FE;
	v3 =	vor.u32 v7, v3  }
0xad: {  	v4 =	vadd.s32 $0x1, v4;
	v9 =	vnsel vm0, $0x1FE, v9;
	v7 =	vshra.s32 v8, $0x1F;
	[tilespmem:s6+$0xFFFFFFE0] =	vst v5  }
0xae: {  	vm0 =	vlt.s32 v3, $0x1FE;
	v5 =	vor.u32 v7, v8;
	v7 =	vadd.s32 $0x1, v9;
	[tilespmem:s11+$0xFFFFFFF0] =	vst v4;
	s11 =	smov.u32 s6  }
0xaf: {  	v6 =	vadd.s32 $0x1, v6;
	s6 =	sadd.s32 $0x80, s6;
	vm1 =	vlt.s32 v5, $0x1FE;
	v4 =	vshra.s32 v1, $0x1F;
	[tilespmem:s11+$0x10] =	vst v7  }
0xb0: {  	v7 =	vshra.s32 v2, $0x1F;
	v3 =	vnsel vm0, $0x1FE, v3;
	v5 =	vnsel vm1, $0x1FE, v5  }
0xb1: {  	[tilespmem:s11+$0x30] =	vst v6;
	v6 =	vshra.s32 v0, $0x1F;
	v1 =	vor.u32 v4, v1;
	v3 =	vadd.s32 $0x1, v3  }
0xb2: {  	v5 =	vadd.s32 $0x1, v5;
	v2 =	vor.u32 v7, v2;
	vm1 =	vlt.s32 v1, $0x1FE  }
0xb3: {  	v0 =	vor.u32 v6, v0;
	vm0 =	vlt.s32 v2, $0x1FE;
	[tilespmem:s11+$0x20] =	vst v3;
	v1 =	vnsel vm1, $0x1FE, v1  }
0xb4: {  	[tilespmem:s11+$0xFFFFFFC0] =	vst v5;
	v2 =	vnsel vm0, $0x1FE, v2;
	vm0 =	vlt.s32 v0, $0x1FE;
	v1 =	vadd.s32 $0x1, v1  }
0xb5: {  	v2 =	vadd.s32 $0x1, v2;
	v0 =	vnsel vm0, $0x1FE, v0;
	[tilespmem:s11+$0xFFFFFFD0] =	vst v1  }
0xb6: {  	p1 =	seq.s32 s28, $0x0;
	[tilespmem:s11+$0x0] =	vst v2;
	v0 =	vadd.s32 $0x1, v0  }
0xb7: {  	s6 =	simm.s32 @!p1 $0x12;
	[tilespmem:s11+$0xFFFFFFF0] =	vst v0  }
0xb8: {  	_ =	swait.ge @!p1 [sflag:s6], $0x2000  }
0xb9: {  	[sflag:s6] =	ssyncset.done @!p1 $0x0  }
0xba: {  	s11 =	simm.s32 $0x3000;
	[sflag:s6] =	ssyncadd.s32 @!p1 $0xFFFFE000  }
0xbb: {  	[tilespmem:s11], [sflag:$0xA] =	stream.indirect.gather [spmem:s2], $0x10, s0, s0, $0xb8;
	[tilespmem:$0x11200] =	vst v63  }
0xbc: {  	_ =	swait.ge [sflag:s25], $0x2000  }
0xbd: {  	s24 =	sshll.u32 s28, $0xD;
	s10 =	rddreg [dreg:$0xe]  }
0xbe: {  	[sflag:s25] =	ssyncset.done $0x0;
	s30 =	sadd.s32 s10, s24  }
0xbf: {  	s11 =	simm.s32 $0x1000;
	[sflag:s25] =	ssyncadd.s32 $0xFFFFE000;
	s6 =	sadd.s32 s1, s30  }
0xc0: {  	[hbm4b:s6+s3] =	stream.linear.scatter [tilespmem:s11], [sflag:$0x11], $0x2000, $0x38;
	[tilespmem:$0x11200] =	vst v63  }
0xc1: {  	p2 =	seq.s32 s28, $0xF;
	s6 =	rddreg [dreg:$0xf]  }
0xc2: {  	s6 =	sadd.s32 @!p2 s29, s6  }
0xc3: {  	s6 =	sshrl.u32 @!p2 s6, $0x3  }
0xc4: {  	s10 =	simm.s32 @!p2 $0x0;
	s6 =	sadd.s32 @!p2 s5, s6  }
0xc5: {  	[tilespmem:s10], [sflag:$0x1] =	stream.linear.gather @!p2 [hbm4b:s6+s10], $0x200, $0x38;
	[tilespmem:$0x11200] =	vst v63  }
0xc6: {  	_ =	swait.ge [sflag:s7], $0x200  }
0xc7: {  	[sflag:s7] =	ssyncset.done $0x0  }
0xc8: {  	s11 =	simm.s32 $0x440;
	[sflag:s7] =	ssyncadd.s32 $0xFFFFFE00  }
0xc9: {  	v0 =	vld [tilespmem:s11+$0xFFFFFFE0]  }
0xca: {  	v1 =	vld [tilespmem:s11+$0x30]  }
0xcb: {  	v2 =	vld [tilespmem:s11+$0x10]  }
0xcc: {  	v3 =	vld [tilespmem:s11+$0x20]  }
0xcd: {  	v5 =	vld [tilespmem:s11+$0xFFFFFFC0];
	_ =	sdelay $0x1  }
0xce: {  	v4 =	vshra.s32 v0, $0x1F  }
0xcf: {  	v6 =	vshra.s32 v2, $0x1F;
	v0 =	vor.u32 v4, v0;
	v4 =	vshra.s32 v1, $0x1F  }
0xd0: {  	v7 =	vshra.s32 v3, $0x1F;
	v6 =	vor.u32 v6, v2;
	v4 =	vor.u32 v4, v1;
	v1 =	vld [tilespmem:s11+$0xFFFFFFD0]  }
0xd1: {  	v2 =	vld [tilespmem:s11+$0x0];
	v3 =	vor.u32 v7, v3;
	v7 =	vshra.s32 v5, $0x1F;
	vm0 =	vlt.s32 v0, $0x1FE  }
0xd2: {  	vm1 =	vlt.s32 v4, $0x1FE;
	v8 =	vnsel vm0, $0x1FE, v0;
	vm0 =	vlt.s32 v6, $0x1FE  }
0xd3: {  	v0 =	vld [tilespmem:s11+$0xFFFFFFF0];
	v9 =	vnsel vm1, $0x1FE, v4;
	v4 =	vadd.s32 $0x1, v8;
	v6 =	vnsel vm0, $0x1FE, v6  }
0xd4: {  	s24 =	sadd.s32 s29, s4;
	v5 =	vor.u32 v7, v5;
	vm0 =	vlt.s32 v3, $0x1FE;
	[tilespmem:s11+$0xFFFFFFE0] =	vst v4;
	v6 =	vadd.s32 $0x1, v6  }
0xd5: {  	s24 =	sadd.s32 $0x200, s24;
	s6 =	simm.s32 $0x0;
	s10 =	simm.s32 $0x4C0;
	vm1 =	vlt.s32 v5, $0x1FE;
	[tilespmem:s11+$0x10] =	vst v6;
	v6 =	vadd.s32 $0x1, v9;
	v4 =	vshra.s32 v1, $0x1F  }
.LBB2_7:
0xd6: {  	v7 =	vld [tilespmem:s10+$0xFFFFFFE0];
	s6 =	sadd.s32 $0x8, s6;
	v8 =	vshra.s32 v2, $0x1F;
	v3 =	vnsel vm0, $0x1FE, v3;
	[tilespmem:s11+$0x30] =	vst v6  }
0xd7: {  	v5 =	vnsel vm1, $0x1FE, v5;
	v6 =	vld [tilespmem:s10+$0x30];
	p3 =	slt.u32 s6, $0x18;
	v3 =	vadd.s32 $0x1, v3  }
0xd8: {  	v10 =	vshra.s32 v0, $0x1F;
	v5 =	vadd.s32 $0x1, v5;
	v2 =	vor.u32 v8, v2;
	v9 =	vld [tilespmem:s10+$0x10];
	[tilespmem:s11+$0x20] =	vst v3  }
0xd9: {  	v1 =	vor.u32 v4, v1;
	v4 =	vor.u32 v10, v0;
	vm0 =	vlt.s32 v2, $0x1FE;
	v3 =	vld [tilespmem:s10+$0x20];
	[tilespmem:s11+$0xFFFFFFC0] =	vst v5  }
0xda: {  	vm1 =	vlt.s32 v1, $0x1FE;
	vm2 =	vlt.s32 v4, $0x1FE;
	v2 =	vnsel vm0, $0x1FE, v2  }
0xdb: {  	v1 =	vnsel vm1, $0x1FE, v1;
	v2 =	vadd.s32 $0x1, v2;
	v5 =	vshra.s32 v7, $0x1F;
	v0 =	vld [tilespmem:s10+$0xFFFFFFF0]  }
0xdc: {  	v1 =	vadd.s32 $0x1, v1;
	v8 =	vld [tilespmem:s10+$0xFFFFFFC0];
	v5 =	vor.u32 v5, v7;
	v7 =	vshra.s32 v6, $0x1F;
	[tilespmem:s11+$0x0] =	vst v2  }
0xdd: {  	v4 =	vnsel vm2, $0x1FE, v4;
	v10 =	vshra.s32 v9, $0x1F;
	v6 =	vor.u32 v7, v6;
	[tilespmem:s11+$0xFFFFFFD0] =	vst v1  }
0xde: {  	vm0 =	vlt.s32 v5, $0x1FE;
	v1 =	vld [tilespmem:s10+$0xFFFFFFD0];
	v7 =	vshra.s32 v3, $0x1F;
	vm1 =	vlt.s32 v6, $0x1FE  }
.Ltmp4:
0xdf: {  	v5 =	vnsel vm0, $0x1FE, v5;
	v9 =	vor.u32 v10, v9;
	v2 =	vld [tilespmem:s10+$0x0];
	v6 =	vnsel vm1, $0x1FE, v6;
	(pc) =	sbr.rel @p3 .LBB2_7-.Ltmp4, $4  }
0xe0: {  	v5 =	vadd.s32 $0x1, v5;
	vm0 =	vlt.s32 v9, $0x1FE;
	v3 =	vor.u32 v7, v3  }
0xe1: {  	v4 =	vadd.s32 $0x1, v4;
	v9 =	vnsel vm0, $0x1FE, v9;
	v7 =	vshra.s32 v8, $0x1F;
	[tilespmem:s10+$0xFFFFFFE0] =	vst v5  }
0xe2: {  	vm0 =	vlt.s32 v3, $0x1FE;
	v5 =	vor.u32 v7, v8;
	v7 =	vadd.s32 $0x1, v9;
	[tilespmem:s11+$0xFFFFFFF0] =	vst v4;
	s11 =	smov.u32 s10  }
0xe3: {  	v6 =	vadd.s32 $0x1, v6;
	s10 =	sadd.s32 $0x80, s10;
	vm1 =	vlt.s32 v5, $0x1FE;
	v4 =	vshra.s32 v1, $0x1F;
	[tilespmem:s11+$0x10] =	vst v7  }
0xe4: {  	v7 =	vshra.s32 v2, $0x1F;
	v3 =	vnsel vm0, $0x1FE, v3;
	v5 =	vnsel vm1, $0x1FE, v5  }
0xe5: {  	[tilespmem:s11+$0x30] =	vst v6;
	v6 =	vshra.s32 v0, $0x1F;
	v1 =	vor.u32 v4, v1;
	v3 =	vadd.s32 $0x1, v3  }
0xe6: {  	v5 =	vadd.s32 $0x1, v5;
	v2 =	vor.u32 v7, v2;
	vm1 =	vlt.s32 v1, $0x1FE  }
0xe7: {  	v0 =	vor.u32 v6, v0;
	vm0 =	vlt.s32 v2, $0x1FE;
	[tilespmem:s11+$0x20] =	vst v3;
	v1 =	vnsel vm1, $0x1FE, v1  }
0xe8: {  	[tilespmem:s11+$0xFFFFFFC0] =	vst v5;
	v2 =	vnsel vm0, $0x1FE, v2;
	vm0 =	vlt.s32 v0, $0x1FE;
	v1 =	vadd.s32 $0x1, v1  }
0xe9: {  	v2 =	vadd.s32 $0x1, v2;
	v0 =	vnsel vm0, $0x1FE, v0;
	[tilespmem:s11+$0xFFFFFFD0] =	vst v1  }
0xea: {  	[tilespmem:s11+$0x0] =	vst v2;
	v0 =	vadd.s32 $0x1, v0  }
0xeb: {  	s6 =	simm.s32 @!p1 $0x13;
	[tilespmem:s11+$0xFFFFFFF0] =	vst v0  }
0xec: {  	_ =	swait.ge @!p1 [sflag:s6], $0x2000  }
0xed: {  	[sflag:s6] =	ssyncset.done @!p1 $0x0  }
0xee: {  	s10 =	simm.s32 $0x5000;
	s11 =	simm.s32 $0x400;
	[sflag:s6] =	ssyncadd.s32 @!p1 $0xFFFFE000  }
0xef: {  	[tilespmem:s10], [sflag:$0xB] =	stream.indirect.gather [spmem:s2], $0x10, s11, s0, $0xb8;
	[tilespmem:$0x11200] =	vst v63  }
0xf0: {  	_ =	swait.ge [sflag:s8], $0x2000  }
0xf1: {  	s11 =	sshll.u32 s24, $0x1;
	[sflag:s8] =	ssyncset.done $0x0  }
0xf2: {  	s24 =	simm.s32 $0x3000;
	s6 =	sadd.s32 s1, s11;
	[sflag:s8] =	ssyncadd.s32 $0xFFFFE000  }
0xf3: {  	[hbm4b:s6+s3] =	stream.linear.scatter [tilespmem:s24], [sflag:$0x12], $0x2000, $0x38;
	[tilespmem:$0x11200] =	vst v63  }
0xf4: {  	s6 =	rddreg [dreg:$0x10]  }
0xf5: {  	s6 =	sadd.s32 @!p2 s29, s6  }
0xf6: {  	s6 =	sshrl.u32 @!p2 s6, $0x3  }
0xf7: {  	s10 =	simm.s32 @!p2 $0x0;
	s11 =	simm.s32 @!p2 $0x200;
	s6 =	sadd.s32 @!p2 s5, s6  }
0xf8: {  	[tilespmem:s11], [sflag:$0x2] =	stream.linear.gather @!p2 [hbm4b:s6+s10], $0x200, $0x38;
	[tilespmem:$0x11200] =	vst v63  }
0xf9: {  	_ =	swait.ge [sflag:s9], $0x200  }
0xfa: {  	[sflag:s9] =	ssyncset.done $0x0  }
0xfb: {  	s11 =	simm.s32 $0x640;
	[sflag:s9] =	ssyncadd.s32 $0xFFFFFE00  }
0xfc: {  	v0 =	vld [tilespmem:s11+$0xFFFFFFE0]  }
0xfd: {  	v1 =	vld [tilespmem:s11+$0x30]  }
0xfe: {  	v2 =	vld [tilespmem:s11+$0x10]  }
0xff: {  	v3 =	vld [tilespmem:s11+$0x20]  }
0x100: {  	v5 =	vld [tilespmem:s11+$0xFFFFFFC0];
	_ =	sdelay $0x1  }
0x101: {  	v4 =	vshra.s32 v0, $0x1F  }
0x102: {  	v6 =	vshra.s32 v2, $0x1F;
	v0 =	vor.u32 v4, v0;
	v4 =	vshra.s32 v1, $0x1F  }
0x103: {  	v7 =	vshra.s32 v3, $0x1F;
	v6 =	vor.u32 v6, v2;
	v4 =	vor.u32 v4, v1;
	v1 =	vld [tilespmem:s11+$0xFFFFFFD0]  }
0x104: {  	v2 =	vld [tilespmem:s11+$0x0];
	v3 =	vor.u32 v7, v3;
	v7 =	vshra.s32 v5, $0x1F;
	vm0 =	vlt.s32 v0, $0x1FE  }
0x105: {  	vm1 =	vlt.s32 v4, $0x1FE;
	v8 =	vnsel vm0, $0x1FE, v0;
	vm0 =	vlt.s32 v6, $0x1FE  }
0x106: {  	v0 =	vld [tilespmem:s11+$0xFFFFFFF0];
	v9 =	vnsel vm1, $0x1FE, v4;
	v4 =	vadd.s32 $0x1, v8;
	v6 =	vnsel vm0, $0x1FE, v6  }
0x107: {  	v5 =	vor.u32 v7, v5;
	vm0 =	vlt.s32 v3, $0x1FE;
	[tilespmem:s11+$0xFFFFFFE0] =	vst v4;
	v6 =	vadd.s32 $0x1, v6  }
0x108: {  	s6 =	simm.s32 $0x0;
	s10 =	simm.s32 $0x6C0;
	vm1 =	vlt.s32 v5, $0x1FE;
	[tilespmem:s11+$0x10] =	vst v6;
	v6 =	vadd.s32 $0x1, v9;
	v4 =	vshra.s32 v1, $0x1F  }
.LBB2_9:
0x109: {  	v7 =	vld [tilespmem:s10+$0xFFFFFFE0];
	s6 =	sadd.s32 $0x8, s6;
	v8 =	vshra.s32 v2, $0x1F;
	v3 =	vnsel vm0, $0x1FE, v3;
	[tilespmem:s11+$0x30] =	vst v6  }
0x10a: {  	v5 =	vnsel vm1, $0x1FE, v5;
	v6 =	vld [tilespmem:s10+$0x30];
	p3 =	slt.u32 s6, $0x18;
	v3 =	vadd.s32 $0x1, v3  }
0x10b: {  	v10 =	vshra.s32 v0, $0x1F;
	v5 =	vadd.s32 $0x1, v5;
	v2 =	vor.u32 v8, v2;
	v9 =	vld [tilespmem:s10+$0x10];
	[tilespmem:s11+$0x20] =	vst v3  }
0x10c: {  	v1 =	vor.u32 v4, v1;
	v4 =	vor.u32 v10, v0;
	vm0 =	vlt.s32 v2, $0x1FE;
	v3 =	vld [tilespmem:s10+$0x20];
	[tilespmem:s11+$0xFFFFFFC0] =	vst v5  }
0x10d: {  	vm1 =	vlt.s32 v1, $0x1FE;
	vm2 =	vlt.s32 v4, $0x1FE;
	v2 =	vnsel vm0, $0x1FE, v2  }
0x10e: {  	v1 =	vnsel vm1, $0x1FE, v1;
	v2 =	vadd.s32 $0x1, v2;
	v5 =	vshra.s32 v7, $0x1F;
	v0 =	vld [tilespmem:s10+$0xFFFFFFF0]  }
0x10f: {  	v1 =	vadd.s32 $0x1, v1;
	v8 =	vld [tilespmem:s10+$0xFFFFFFC0];
	v5 =	vor.u32 v5, v7;
	v7 =	vshra.s32 v6, $0x1F;
	[tilespmem:s11+$0x0] =	vst v2  }
0x110: {  	v4 =	vnsel vm2, $0x1FE, v4;
	v10 =	vshra.s32 v9, $0x1F;
	v6 =	vor.u32 v7, v6;
	[tilespmem:s11+$0xFFFFFFD0] =	vst v1  }
0x111: {  	vm0 =	vlt.s32 v5, $0x1FE;
	v1 =	vld [tilespmem:s10+$0xFFFFFFD0];
	v7 =	vshra.s32 v3, $0x1F;
	vm1 =	vlt.s32 v6, $0x1FE  }
.Ltmp5:
0x112: {  	v5 =	vnsel vm0, $0x1FE, v5;
	v9 =	vor.u32 v10, v9;
	v2 =	vld [tilespmem:s10+$0x0];
	v6 =	vnsel vm1, $0x1FE, v6;
	(pc) =	sbr.rel @p3 .LBB2_9-.Ltmp5, $4  }
0x113: {  	v5 =	vadd.s32 $0x1, v5;
	vm0 =	vlt.s32 v9, $0x1FE;
	v3 =	vor.u32 v7, v3  }
0x114: {  	v4 =	vadd.s32 $0x1, v4;
	v9 =	vnsel vm0, $0x1FE, v9;
	v7 =	vshra.s32 v8, $0x1F;
	[tilespmem:s10+$0xFFFFFFE0] =	vst v5  }
0x115: {  	vm0 =	vlt.s32 v3, $0x1FE;
	v5 =	vor.u32 v7, v8;
	v7 =	vadd.s32 $0x1, v9;
	[tilespmem:s11+$0xFFFFFFF0] =	vst v4;
	s11 =	smov.u32 s10  }
0x116: {  	v6 =	vadd.s32 $0x1, v6;
	s10 =	sadd.s32 $0x80, s10;
	vm1 =	vlt.s32 v5, $0x1FE;
	v4 =	vshra.s32 v1, $0x1F;
	[tilespmem:s11+$0x10] =	vst v7  }
0x117: {  	v7 =	vshra.s32 v2, $0x1F;
	v3 =	vnsel vm0, $0x1FE, v3;
	v5 =	vnsel vm1, $0x1FE, v5  }
0x118: {  	[tilespmem:s11+$0x30] =	vst v6;
	v6 =	vshra.s32 v0, $0x1F;
	v1 =	vor.u32 v4, v1;
	v3 =	vadd.s32 $0x1, v3  }
0x119: {  	v5 =	vadd.s32 $0x1, v5;
	v2 =	vor.u32 v7, v2;
	vm1 =	vlt.s32 v1, $0x1FE  }
0x11a: {  	v0 =	vor.u32 v6, v0;
	vm0 =	vlt.s32 v2, $0x1FE;
	[tilespmem:s11+$0x20] =	vst v3;
	v1 =	vnsel vm1, $0x1FE, v1  }
0x11b: {  	[tilespmem:s11+$0xFFFFFFC0] =	vst v5;
	v2 =	vnsel vm0, $0x1FE, v2;
	vm0 =	vlt.s32 v0, $0x1FE;
	v1 =	vadd.s32 $0x1, v1  }
0x11c: {  	v2 =	vadd.s32 $0x1, v2;
	v0 =	vnsel vm0, $0x1FE, v0;
	[tilespmem:s11+$0xFFFFFFD0] =	vst v1  }
0x11d: {  	[tilespmem:s11+$0x0] =	vst v2;
	v0 =	vadd.s32 $0x1, v0  }
0x11e: {  	s6 =	simm.s32 @!p1 $0x14;
	[tilespmem:s11+$0xFFFFFFF0] =	vst v0  }
0x11f: {  	_ =	swait.ge @!p1 [sflag:s6], $0x2000  }
0x120: {  	[sflag:s6] =	ssyncset.done @!p1 $0x0  }
0x121: {  	s24 =	simm.s32 $0x600;
	s10 =	simm.s32 $0x7000;
	[sflag:s6] =	ssyncadd.s32 @!p1 $0xFFFFE000  }
0x122: {  	[tilespmem:s10], [sflag:$0xC] =	stream.indirect.gather [spmem:s2], $0x10, s24, s0, $0xb8;
	[tilespmem:$0x11200] =	vst v63  }
0x123: {  	_ =	swait.ge [sflag:s12], $0x2000  }
0x124: {  	[sflag:s12] =	ssyncset.done $0x0;
	s11 =	rddreg [dreg:$0x11]  }
0x125: {  	s24 =	simm.s32 $0x5000;
	[sflag:s12] =	ssyncadd.s32 $0xFFFFE000;
	s6 =	sadd.s32 s30, s11  }
0x126: {  	[hbm4b:s6+s3] =	stream.linear.scatter [tilespmem:s24], [sflag:$0x13], $0x2000, $0x38;
	[tilespmem:$0x11200] =	vst v63  }
0x127: {  	s6 =	rddreg [dreg:$0x12]  }
0x128: {  	s6 =	sadd.s32 @!p2 s29, s6  }
0x129: {  	s6 =	sshrl.u32 @!p2 s6, $0x3  }
0x12a: {  	s10 =	simm.s32 @!p2 $0x0;
	s11 =	simm.s32 @!p2 $0x400;
	s6 =	sadd.s32 @!p2 s5, s6  }
0x12b: {  	[tilespmem:s11], [sflag:$0x3] =	stream.linear.gather @!p2 [hbm4b:s6+s10], $0x200, $0x38;
	[tilespmem:$0x11200] =	vst v63  }
0x12c: {  	_ =	swait.ge [sflag:s31], $0x200  }
0x12d: {  	[sflag:s31] =	ssyncset.done $0x0  }
0x12e: {  	s11 =	simm.s32 $0x840;
	[sflag:s31] =	ssyncadd.s32 $0xFFFFFE00  }
0x12f: {  	v0 =	vld [tilespmem:s11+$0xFFFFFFE0]  }
0x130: {  	v1 =	vld [tilespmem:s11+$0x30]  }
0x131: {  	v2 =	vld [tilespmem:s11+$0x10]  }
0x132: {  	v3 =	vld [tilespmem:s11+$0x20]  }
0x133: {  	v5 =	vld [tilespmem:s11+$0xFFFFFFC0];
	_ =	sdelay $0x1  }
0x134: {  	v4 =	vshra.s32 v0, $0x1F  }
0x135: {  	v6 =	vshra.s32 v2, $0x1F;
	v0 =	vor.u32 v4, v0;
	v4 =	vshra.s32 v1, $0x1F  }
0x136: {  	v7 =	vshra.s32 v3, $0x1F;
	v6 =	vor.u32 v6, v2;
	v4 =	vor.u32 v4, v1;
	v1 =	vld [tilespmem:s11+$0xFFFFFFD0]  }
0x137: {  	v2 =	vld [tilespmem:s11+$0x0];
	v3 =	vor.u32 v7, v3;
	v7 =	vshra.s32 v5, $0x1F;
	vm0 =	vlt.s32 v0, $0x1FE  }
0x138: {  	vm1 =	vlt.s32 v4, $0x1FE;
	v8 =	vnsel vm0, $0x1FE, v0;
	vm0 =	vlt.s32 v6, $0x1FE  }
0x139: {  	v0 =	vld [tilespmem:s11+$0xFFFFFFF0];
	v9 =	vnsel vm1, $0x1FE, v4;
	v4 =	vadd.s32 $0x1, v8;
	v6 =	vnsel vm0, $0x1FE, v6  }
0x13a: {  	v5 =	vor.u32 v7, v5;
	vm0 =	vlt.s32 v3, $0x1FE;
	[tilespmem:s11+$0xFFFFFFE0] =	vst v4;
	v6 =	vadd.s32 $0x1, v6  }
0x13b: {  	s24 =	simm.s32 $0xC00;
	s6 =	simm.s32 $0x0;
	s10 =	simm.s32 $0x8C0;
	vm1 =	vlt.s32 v5, $0x1FE;
	[tilespmem:s11+$0x10] =	vst v6;
	v6 =	vadd.s32 $0x1, v9;
	v4 =	vshra.s32 v1, $0x1F  }
.LBB2_11:
0x13c: {  	v7 =	vld [tilespmem:s10+$0xFFFFFFE0];
	s6 =	sadd.s32 $0x8, s6;
	v8 =	vshra.s32 v2, $0x1F;
	v3 =	vnsel vm0, $0x1FE, v3;
	[tilespmem:s11+$0x30] =	vst v6  }
0x13d: {  	v5 =	vnsel vm1, $0x1FE, v5;
	v6 =	vld [tilespmem:s10+$0x30];
	p3 =	slt.u32 s6, $0x18;
	v3 =	vadd.s32 $0x1, v3  }
0x13e: {  	v10 =	vshra.s32 v0, $0x1F;
	v5 =	vadd.s32 $0x1, v5;
	v2 =	vor.u32 v8, v2;
	v9 =	vld [tilespmem:s10+$0x10];
	[tilespmem:s11+$0x20] =	vst v3  }
0x13f: {  	v1 =	vor.u32 v4, v1;
	v4 =	vor.u32 v10, v0;
	vm0 =	vlt.s32 v2, $0x1FE;
	v3 =	vld [tilespmem:s10+$0x20];
	[tilespmem:s11+$0xFFFFFFC0] =	vst v5  }
0x140: {  	vm1 =	vlt.s32 v1, $0x1FE;
	vm2 =	vlt.s32 v4, $0x1FE;
	v2 =	vnsel vm0, $0x1FE, v2  }
0x141: {  	v1 =	vnsel vm1, $0x1FE, v1;
	v2 =	vadd.s32 $0x1, v2;
	v5 =	vshra.s32 v7, $0x1F;
	v0 =	vld [tilespmem:s10+$0xFFFFFFF0]  }
0x142: {  	v1 =	vadd.s32 $0x1, v1;
	v8 =	vld [tilespmem:s10+$0xFFFFFFC0];
	v5 =	vor.u32 v5, v7;
	v7 =	vshra.s32 v6, $0x1F;
	[tilespmem:s11+$0x0] =	vst v2  }
0x143: {  	v4 =	vnsel vm2, $0x1FE, v4;
	v10 =	vshra.s32 v9, $0x1F;
	v6 =	vor.u32 v7, v6;
	[tilespmem:s11+$0xFFFFFFD0] =	vst v1  }
0x144: {  	vm0 =	vlt.s32 v5, $0x1FE;
	v1 =	vld [tilespmem:s10+$0xFFFFFFD0];
	v7 =	vshra.s32 v3, $0x1F;
	vm1 =	vlt.s32 v6, $0x1FE  }
.Ltmp6:
0x145: {  	v5 =	vnsel vm0, $0x1FE, v5;
	v9 =	vor.u32 v10, v9;
	v2 =	vld [tilespmem:s10+$0x0];
	v6 =	vnsel vm1, $0x1FE, v6;
	(pc) =	sbr.rel @p3 .LBB2_11-.Ltmp6, $4  }
0x146: {  	v5 =	vadd.s32 $0x1, v5;
	vm0 =	vlt.s32 v9, $0x1FE;
	v3 =	vor.u32 v7, v3  }
0x147: {  	v4 =	vadd.s32 $0x1, v4;
	v9 =	vnsel vm0, $0x1FE, v9;
	v7 =	vshra.s32 v8, $0x1F;
	[tilespmem:s10+$0xFFFFFFE0] =	vst v5  }
0x148: {  	vm0 =	vlt.s32 v3, $0x1FE;
	v5 =	vor.u32 v7, v8;
	v7 =	vadd.s32 $0x1, v9;
	[tilespmem:s11+$0xFFFFFFF0] =	vst v4;
	s11 =	smov.u32 s10  }
0x149: {  	v6 =	vadd.s32 $0x1, v6;
	s10 =	sadd.s32 $0x80, s10;
	vm1 =	vlt.s32 v5, $0x1FE;
	v4 =	vshra.s32 v1, $0x1F;
	[tilespmem:s11+$0x10] =	vst v7  }
0x14a: {  	v7 =	vshra.s32 v2, $0x1F;
	v3 =	vnsel vm0, $0x1FE, v3;
	v5 =	vnsel vm1, $0x1FE, v5  }
0x14b: {  	[tilespmem:s11+$0x30] =	vst v6;
	v6 =	vshra.s32 v0, $0x1F;
	v1 =	vor.u32 v4, v1;
	v3 =	vadd.s32 $0x1, v3  }
0x14c: {  	v5 =	vadd.s32 $0x1, v5;
	v2 =	vor.u32 v7, v2;
	vm1 =	vlt.s32 v1, $0x1FE  }
0x14d: {  	v0 =	vor.u32 v6, v0;
	vm0 =	vlt.s32 v2, $0x1FE;
	[tilespmem:s11+$0x20] =	vst v3;
	v1 =	vnsel vm1, $0x1FE, v1  }
0x14e: {  	[tilespmem:s11+$0xFFFFFFC0] =	vst v5;
	v2 =	vnsel vm0, $0x1FE, v2;
	vm0 =	vlt.s32 v0, $0x1FE;
	v1 =	vadd.s32 $0x1, v1  }
0x14f: {  	v2 =	vadd.s32 $0x1, v2;
	v0 =	vnsel vm0, $0x1FE, v0;
	[tilespmem:s11+$0xFFFFFFD0] =	vst v1  }
0x150: {  	[tilespmem:s11+$0x0] =	vst v2;
	v0 =	vadd.s32 $0x1, v0  }
0x151: {  	s6 =	simm.s32 @!p1 $0x15;
	[tilespmem:s11+$0xFFFFFFF0] =	vst v0  }
0x152: {  	_ =	swait.ge @!p1 [sflag:s6], $0x2000  }
0x153: {  	[sflag:s6] =	ssyncset.done @!p1 $0x0  }
0x154: {  	s10 =	simm.s32 $0x800;
	[sflag:s6] =	ssyncadd.s32 @!p1 $0xFFFFE000  }
0x155: {  	[tilespmem:s15], [sflag:$0xD] =	stream.indirect.gather [spmem:s2], $0x10, s10, s0, $0xb8;
	[tilespmem:$0x11200] =	vst v63  }
0x156: {  	_ =	swait.ge [sflag:s17], $0x2000  }
0x157: {  	[sflag:s17] =	ssyncset.done $0x0;
	s11 =	rddreg [dreg:$0x13]  }
0x158: {  	s10 =	simm.s32 $0x7000;
	[sflag:s17] =	ssyncadd.s32 $0xFFFFE000;
	s6 =	sadd.s32 s30, s11  }
0x159: {  	[hbm4b:s6+s3] =	stream.linear.scatter [tilespmem:s10], [sflag:$0x14], $0x2000, $0x38;
	[tilespmem:$0x11200] =	vst v63  }
0x15a: {  	s6 =	rddreg [dreg:$0x14]  }
0x15b: {  	s6 =	sadd.s32 @!p2 s29, s6  }
0x15c: {  	s6 =	sshrl.u32 @!p2 s6, $0x3  }
0x15d: {  	s11 =	simm.s32 @!p2 $0x600;
	s10 =	simm.s32 @!p2 $0x0;
	s6 =	sadd.s32 @!p2 s5, s6  }
0x15e: {  	[tilespmem:s11], [sflag:$0x4] =	stream.linear.gather @!p2 [hbm4b:s6+s10], $0x200, $0x38;
	[tilespmem:$0x11200] =	vst v63  }
0x15f: {  	_ =	swait.ge [sflag:s16], $0x200  }
0x160: {  	[sflag:s16] =	ssyncset.done $0x0  }
0x161: {  	s11 =	simm.s32 $0xA40;
	[sflag:s16] =	ssyncadd.s32 $0xFFFFFE00  }
0x162: {  	v0 =	vld [tilespmem:s11+$0xFFFFFFE0]  }
0x163: {  	v1 =	vld [tilespmem:s11+$0x30]  }
0x164: {  	v2 =	vld [tilespmem:s11+$0x10]  }
0x165: {  	v3 =	vld [tilespmem:s11+$0x20]  }
0x166: {  	v5 =	vld [tilespmem:s11+$0xFFFFFFC0];
	_ =	sdelay $0x1  }
0x167: {  	v4 =	vshra.s32 v0, $0x1F  }
0x168: {  	v6 =	vshra.s32 v2, $0x1F;
	v0 =	vor.u32 v4, v0;
	v4 =	vshra.s32 v1, $0x1F  }
0x169: {  	v7 =	vshra.s32 v3, $0x1F;
	v6 =	vor.u32 v6, v2;
	v4 =	vor.u32 v4, v1;
	v1 =	vld [tilespmem:s11+$0xFFFFFFD0]  }
0x16a: {  	v2 =	vld [tilespmem:s11+$0x0];
	v3 =	vor.u32 v7, v3;
	v7 =	vshra.s32 v5, $0x1F;
	vm0 =	vlt.s32 v0, $0x1FE  }
0x16b: {  	vm1 =	vlt.s32 v4, $0x1FE;
	v8 =	vnsel vm0, $0x1FE, v0;
	vm0 =	vlt.s32 v6, $0x1FE  }
0x16c: {  	v0 =	vld [tilespmem:s11+$0xFFFFFFF0];
	v9 =	vnsel vm1, $0x1FE, v4;
	v4 =	vadd.s32 $0x1, v8;
	v6 =	vnsel vm0, $0x1FE, v6  }
0x16d: {  	v5 =	vor.u32 v7, v5;
	vm0 =	vlt.s32 v3, $0x1FE;
	[tilespmem:s11+$0xFFFFFFE0] =	vst v4;
	v6 =	vadd.s32 $0x1, v6  }
0x16e: {  	s6 =	simm.s32 $0x0;
	s10 =	simm.s32 $0xAC0;
	vm1 =	vlt.s32 v5, $0x1FE;
	[tilespmem:s11+$0x10] =	vst v6;
	v6 =	vadd.s32 $0x1, v9;
	v4 =	vshra.s32 v1, $0x1F  }
.LBB2_13:
0x16f: {  	v7 =	vld [tilespmem:s10+$0xFFFFFFE0];
	s6 =	sadd.s32 $0x8, s6;
	v8 =	vshra.s32 v2, $0x1F;
	v3 =	vnsel vm0, $0x1FE, v3;
	[tilespmem:s11+$0x30] =	vst v6  }
0x170: {  	v5 =	vnsel vm1, $0x1FE, v5;
	v6 =	vld [tilespmem:s10+$0x30];
	p3 =	slt.u32 s6, $0x18;
	v3 =	vadd.s32 $0x1, v3  }
0x171: {  	v10 =	vshra.s32 v0, $0x1F;
	v5 =	vadd.s32 $0x1, v5;
	v2 =	vor.u32 v8, v2;
	v9 =	vld [tilespmem:s10+$0x10];
	[tilespmem:s11+$0x20] =	vst v3  }
0x172: {  	v1 =	vor.u32 v4, v1;
	v4 =	vor.u32 v10, v0;
	vm0 =	vlt.s32 v2, $0x1FE;
	v3 =	vld [tilespmem:s10+$0x20];
	[tilespmem:s11+$0xFFFFFFC0] =	vst v5  }
0x173: {  	vm1 =	vlt.s32 v1, $0x1FE;
	vm2 =	vlt.s32 v4, $0x1FE;
	v2 =	vnsel vm0, $0x1FE, v2  }
0x174: {  	v1 =	vnsel vm1, $0x1FE, v1;
	v2 =	vadd.s32 $0x1, v2;
	v5 =	vshra.s32 v7, $0x1F;
	v0 =	vld [tilespmem:s10+$0xFFFFFFF0]  }
0x175: {  	v1 =	vadd.s32 $0x1, v1;
	v8 =	vld [tilespmem:s10+$0xFFFFFFC0];
	v5 =	vor.u32 v5, v7;
	v7 =	vshra.s32 v6, $0x1F;
	[tilespmem:s11+$0x0] =	vst v2  }
0x176: {  	v4 =	vnsel vm2, $0x1FE, v4;
	v10 =	vshra.s32 v9, $0x1F;
	v6 =	vor.u32 v7, v6;
	[tilespmem:s11+$0xFFFFFFD0] =	vst v1  }
0x177: {  	vm0 =	vlt.s32 v5, $0x1FE;
	v1 =	vld [tilespmem:s10+$0xFFFFFFD0];
	v7 =	vshra.s32 v3, $0x1F;
	vm1 =	vlt.s32 v6, $0x1FE  }
.Ltmp7:
0x178: {  	v5 =	vnsel vm0, $0x1FE, v5;
	v9 =	vor.u32 v10, v9;
	v2 =	vld [tilespmem:s10+$0x0];
	v6 =	vnsel vm1, $0x1FE, v6;
	(pc) =	sbr.rel @p3 .LBB2_13-.Ltmp7, $4  }
0x179: {  	v5 =	vadd.s32 $0x1, v5;
	vm0 =	vlt.s32 v9, $0x1FE;
	v3 =	vor.u32 v7, v3  }
0x17a: {  	v4 =	vadd.s32 $0x1, v4;
	v9 =	vnsel vm0, $0x1FE, v9;
	v7 =	vshra.s32 v8, $0x1F;
	[tilespmem:s10+$0xFFFFFFE0] =	vst v5  }
0x17b: {  	vm0 =	vlt.s32 v3, $0x1FE;
	v5 =	vor.u32 v7, v8;
	v7 =	vadd.s32 $0x1, v9;
	[tilespmem:s11+$0xFFFFFFF0] =	vst v4;
	s11 =	smov.u32 s10  }
0x17c: {  	v6 =	vadd.s32 $0x1, v6;
	s10 =	sadd.s32 $0x80, s10;
	vm1 =	vlt.s32 v5, $0x1FE;
	v4 =	vshra.s32 v1, $0x1F;
	[tilespmem:s11+$0x10] =	vst v7  }
0x17d: {  	v7 =	vshra.s32 v2, $0x1F;
	v3 =	vnsel vm0, $0x1FE, v3;
	v5 =	vnsel vm1, $0x1FE, v5  }
0x17e: {  	[tilespmem:s11+$0x30] =	vst v6;
	v6 =	vshra.s32 v0, $0x1F;
	v1 =	vor.u32 v4, v1;
	v3 =	vadd.s32 $0x1, v3  }
0x17f: {  	v5 =	vadd.s32 $0x1, v5;
	v2 =	vor.u32 v7, v2;
	vm1 =	vlt.s32 v1, $0x1FE  }
0x180: {  	v0 =	vor.u32 v6, v0;
	vm0 =	vlt.s32 v2, $0x1FE;
	[tilespmem:s11+$0x20] =	vst v3;
	v1 =	vnsel vm1, $0x1FE, v1  }
0x181: {  	[tilespmem:s11+$0xFFFFFFC0] =	vst v5;
	v2 =	vnsel vm0, $0x1FE, v2;
	vm0 =	vlt.s32 v0, $0x1FE;
	v1 =	vadd.s32 $0x1, v1  }
0x182: {  	v2 =	vadd.s32 $0x1, v2;
	v0 =	vnsel vm0, $0x1FE, v0;
	[tilespmem:s11+$0xFFFFFFD0] =	vst v1  }
0x183: {  	[tilespmem:s11+$0x0] =	vst v2;
	v0 =	vadd.s32 $0x1, v0  }
0x184: {  	s6 =	simm.s32 @!p1 $0x16;
	[tilespmem:s11+$0xFFFFFFF0] =	vst v0  }
0x185: {  	_ =	swait.ge @!p1 [sflag:s6], $0x2000  }
0x186: {  	[sflag:s6] =	ssyncset.done @!p1 $0x0  }
0x187: {  	s10 =	simm.s32 $0xA00;
	[sflag:s6] =	ssyncadd.s32 @!p1 $0xFFFFE000  }
0x188: {  	[tilespmem:s18], [sflag:$0xE] =	stream.indirect.gather [spmem:s2], $0x10, s10, s0, $0xb8;
	[tilespmem:$0x11200] =	vst v63  }
0x189: {  	_ =	swait.ge [sflag:s19], $0x2000  }
0x18a: {  	[sflag:s19] =	ssyncset.done $0x0;
	s11 =	rddreg [dreg:$0x15]  }
0x18b: {  	[sflag:s19] =	ssyncadd.s32 $0xFFFFE000;
	s6 =	sadd.s32 s30, s11  }
0x18c: {  	[hbm4b:s6+s3] =	stream.linear.scatter [tilespmem:s15], [sflag:$0x15], $0x2000, $0x38;
	[tilespmem:$0x11200] =	vst v63  }
0x18d: {  	s6 =	rddreg [dreg:$0x18]  }
0x18e: {  	s6 =	sadd.s32 @!p2 s29, s6  }
0x18f: {  	s6 =	sshrl.u32 @!p2 s6, $0x3  }
0x190: {  	s10 =	simm.s32 @!p2 $0x0;
	s11 =	simm.s32 @!p2 $0x800;
	s6 =	sadd.s32 @!p2 s5, s6  }
0x191: {  	[tilespmem:s11], [sflag:$0x5] =	stream.linear.gather @!p2 [hbm4b:s6+s10], $0x200, $0x38;
	[tilespmem:$0x11200] =	vst v63  }
0x192: {  	_ =	swait.ge [sflag:s20], $0x200  }
0x193: {  	[sflag:s20] =	ssyncset.done $0x0  }
0x194: {  	s11 =	simm.s32 $0xC40;
	[sflag:s20] =	ssyncadd.s32 $0xFFFFFE00  }
0x195: {  	v0 =	vld [tilespmem:s11+$0xFFFFFFE0]  }
0x196: {  	v1 =	vld [tilespmem:s11+$0x30]  }
0x197: {  	v2 =	vld [tilespmem:s11+$0x10]  }
0x198: {  	v3 =	vld [tilespmem:s11+$0x20]  }
0x199: {  	v5 =	vld [tilespmem:s11+$0xFFFFFFC0];
	_ =	sdelay $0x1  }
0x19a: {  	v4 =	vshra.s32 v0, $0x1F  }
0x19b: {  	v6 =	vshra.s32 v2, $0x1F;
	v0 =	vor.u32 v4, v0;
	v4 =	vshra.s32 v1, $0x1F  }
0x19c: {  	v7 =	vshra.s32 v3, $0x1F;
	v6 =	vor.u32 v6, v2;
	v4 =	vor.u32 v4, v1;
	v1 =	vld [tilespmem:s11+$0xFFFFFFD0]  }
0x19d: {  	v2 =	vld [tilespmem:s11+$0x0];
	v3 =	vor.u32 v7, v3;
	v7 =	vshra.s32 v5, $0x1F;
	vm0 =	vlt.s32 v0, $0x1FE  }
0x19e: {  	vm1 =	vlt.s32 v4, $0x1FE;
	v8 =	vnsel vm0, $0x1FE, v0;
	vm0 =	vlt.s32 v6, $0x1FE  }
0x19f: {  	v0 =	vld [tilespmem:s11+$0xFFFFFFF0];
	v9 =	vnsel vm1, $0x1FE, v4;
	v4 =	vadd.s32 $0x1, v8;
	v6 =	vnsel vm0, $0x1FE, v6  }
0x1a0: {  	v5 =	vor.u32 v7, v5;
	vm0 =	vlt.s32 v3, $0x1FE;
	[tilespmem:s11+$0xFFFFFFE0] =	vst v4;
	v6 =	vadd.s32 $0x1, v6  }
0x1a1: {  	s6 =	simm.s32 $0x0;
	s10 =	simm.s32 $0xCC0;
	vm1 =	vlt.s32 v5, $0x1FE;
	[tilespmem:s11+$0x10] =	vst v6;
	v6 =	vadd.s32 $0x1, v9;
	v4 =	vshra.s32 v1, $0x1F  }
.LBB2_15:
0x1a2: {  	v7 =	vld [tilespmem:s10+$0xFFFFFFE0];
	s6 =	sadd.s32 $0x8, s6;
	v8 =	vshra.s32 v2, $0x1F;
	v3 =	vnsel vm0, $0x1FE, v3;
	[tilespmem:s11+$0x30] =	vst v6  }
0x1a3: {  	v5 =	vnsel vm1, $0x1FE, v5;
	v6 =	vld [tilespmem:s10+$0x30];
	p3 =	slt.u32 s6, $0x18;
	v3 =	vadd.s32 $0x1, v3  }
0x1a4: {  	v10 =	vshra.s32 v0, $0x1F;
	v5 =	vadd.s32 $0x1, v5;
	v2 =	vor.u32 v8, v2;
	v9 =	vld [tilespmem:s10+$0x10];
	[tilespmem:s11+$0x20] =	vst v3  }
0x1a5: {  	v1 =	vor.u32 v4, v1;
	v4 =	vor.u32 v10, v0;
	vm0 =	vlt.s32 v2, $0x1FE;
	v3 =	vld [tilespmem:s10+$0x20];
	[tilespmem:s11+$0xFFFFFFC0] =	vst v5  }
0x1a6: {  	vm1 =	vlt.s32 v1, $0x1FE;
	vm2 =	vlt.s32 v4, $0x1FE;
	v2 =	vnsel vm0, $0x1FE, v2  }
0x1a7: {  	v1 =	vnsel vm1, $0x1FE, v1;
	v2 =	vadd.s32 $0x1, v2;
	v5 =	vshra.s32 v7, $0x1F;
	v0 =	vld [tilespmem:s10+$0xFFFFFFF0]  }
0x1a8: {  	v1 =	vadd.s32 $0x1, v1;
	v8 =	vld [tilespmem:s10+$0xFFFFFFC0];
	v5 =	vor.u32 v5, v7;
	v7 =	vshra.s32 v6, $0x1F;
	[tilespmem:s11+$0x0] =	vst v2  }
0x1a9: {  	v4 =	vnsel vm2, $0x1FE, v4;
	v10 =	vshra.s32 v9, $0x1F;
	v6 =	vor.u32 v7, v6;
	[tilespmem:s11+$0xFFFFFFD0] =	vst v1  }
0x1aa: {  	vm0 =	vlt.s32 v5, $0x1FE;
	v1 =	vld [tilespmem:s10+$0xFFFFFFD0];
	v7 =	vshra.s32 v3, $0x1F;
	vm1 =	vlt.s32 v6, $0x1FE  }
.Ltmp8:
0x1ab: {  	v5 =	vnsel vm0, $0x1FE, v5;
	v9 =	vor.u32 v10, v9;
	v2 =	vld [tilespmem:s10+$0x0];
	v6 =	vnsel vm1, $0x1FE, v6;
	(pc) =	sbr.rel @p3 .LBB2_15-.Ltmp8, $4  }
0x1ac: {  	v5 =	vadd.s32 $0x1, v5;
	vm0 =	vlt.s32 v9, $0x1FE;
	v3 =	vor.u32 v7, v3  }
0x1ad: {  	v4 =	vadd.s32 $0x1, v4;
	v9 =	vnsel vm0, $0x1FE, v9;
	v7 =	vshra.s32 v8, $0x1F;
	[tilespmem:s10+$0xFFFFFFE0] =	vst v5  }
0x1ae: {  	vm0 =	vlt.s32 v3, $0x1FE;
	v5 =	vor.u32 v7, v8;
	v7 =	vadd.s32 $0x1, v9;
	[tilespmem:s11+$0xFFFFFFF0] =	vst v4;
	s11 =	smov.u32 s10  }
0x1af: {  	v6 =	vadd.s32 $0x1, v6;
	s10 =	sadd.s32 $0x80, s10;
	vm1 =	vlt.s32 v5, $0x1FE;
	v4 =	vshra.s32 v1, $0x1F;
	[tilespmem:s11+$0x10] =	vst v7  }
0x1b0: {  	v7 =	vshra.s32 v2, $0x1F;
	v3 =	vnsel vm0, $0x1FE, v3;
	v5 =	vnsel vm1, $0x1FE, v5  }
0x1b1: {  	[tilespmem:s11+$0x30] =	vst v6;
	v6 =	vshra.s32 v0, $0x1F;
	v1 =	vor.u32 v4, v1;
	v3 =	vadd.s32 $0x1, v3  }
0x1b2: {  	v5 =	vadd.s32 $0x1, v5;
	v2 =	vor.u32 v7, v2;
	vm1 =	vlt.s32 v1, $0x1FE  }
0x1b3: {  	v0 =	vor.u32 v6, v0;
	vm0 =	vlt.s32 v2, $0x1FE;
	[tilespmem:s11+$0x20] =	vst v3;
	v1 =	vnsel vm1, $0x1FE, v1  }
0x1b4: {  	[tilespmem:s11+$0xFFFFFFC0] =	vst v5;
	v2 =	vnsel vm0, $0x1FE, v2;
	vm0 =	vlt.s32 v0, $0x1FE;
	v1 =	vadd.s32 $0x1, v1  }
0x1b5: {  	v2 =	vadd.s32 $0x1, v2;
	v0 =	vnsel vm0, $0x1FE, v0;
	[tilespmem:s11+$0xFFFFFFD0] =	vst v1  }
0x1b6: {  	[tilespmem:s11+$0x0] =	vst v2;
	v0 =	vadd.s32 $0x1, v0  }
0x1b7: {  	s6 =	simm.s32 @!p1 $0x17;
	[tilespmem:s11+$0xFFFFFFF0] =	vst v0  }
0x1b8: {  	_ =	swait.ge @!p1 [sflag:s6], $0x2000  }
0x1b9: {  	[sflag:s6] =	ssyncset.done @!p1 $0x0  }
0x1ba: {  	[sflag:s6] =	ssyncadd.s32 @!p1 $0xFFFFE000  }
0x1bb: {  	[tilespmem:s21], [sflag:$0xF] =	stream.indirect.gather [spmem:s2], $0x10, s24, s0, $0xb8;
	[tilespmem:$0x11200] =	vst v63  }
0x1bc: {  	_ =	swait.ge [sflag:s22], $0x2000  }
0x1bd: {  	[sflag:s22] =	ssyncset.done $0x0;
	s11 =	rddreg [dreg:$0x19]  }
0x1be: {  	[sflag:s22] =	ssyncadd.s32 $0xFFFFE000;
	s6 =	sadd.s32 s30, s11  }
0x1bf: {  	[hbm4b:s6+s3] =	stream.linear.scatter [tilespmem:s18], [sflag:$0x16], $0x2000, $0x38;
	[tilespmem:$0x11200] =	vst v63  }
0x1c0: {  	s6 =	rddreg [dreg:$0x1a]  }
0x1c1: {  	s6 =	sadd.s32 @!p2 s29, s6  }
0x1c2: {  	s6 =	sshrl.u32 @!p2 s6, $0x3  }
0x1c3: {  	s10 =	simm.s32 @!p2 $0x0;
	s11 =	simm.s32 @!p2 $0xA00;
	s6 =	sadd.s32 @!p2 s5, s6  }
0x1c4: {  	[tilespmem:s11], [sflag:$0x6] =	stream.linear.gather @!p2 [hbm4b:s6+s10], $0x200, $0x38;
	[tilespmem:$0x11200] =	vst v63  }
0x1c5: {  	_ =	swait.ge [sflag:s23], $0x200  }
0x1c6: {  	[sflag:s23] =	ssyncset.done $0x0  }
0x1c7: {  	s11 =	simm.s32 $0xE40;
	[sflag:s23] =	ssyncadd.s32 $0xFFFFFE00  }
0x1c8: {  	v0 =	vld [tilespmem:s11+$0xFFFFFFE0]  }
0x1c9: {  	v1 =	vld [tilespmem:s11+$0x30]  }
0x1ca: {  	v2 =	vld [tilespmem:s11+$0x10]  }
0x1cb: {  	v3 =	vld [tilespmem:s11+$0x20]  }
0x1cc: {  	v5 =	vld [tilespmem:s11+$0xFFFFFFC0];
	_ =	sdelay $0x1  }
0x1cd: {  	v4 =	vshra.s32 v0, $0x1F  }
0x1ce: {  	v6 =	vshra.s32 v2, $0x1F;
	v0 =	vor.u32 v4, v0;
	v4 =	vshra.s32 v1, $0x1F  }
0x1cf: {  	v7 =	vshra.s32 v3, $0x1F;
	v6 =	vor.u32 v6, v2;
	v4 =	vor.u32 v4, v1;
	v1 =	vld [tilespmem:s11+$0xFFFFFFD0]  }
0x1d0: {  	v2 =	vld [tilespmem:s11+$0x0];
	v3 =	vor.u32 v7, v3;
	v7 =	vshra.s32 v5, $0x1F;
	vm0 =	vlt.s32 v0, $0x1FE  }
0x1d1: {  	vm1 =	vlt.s32 v4, $0x1FE;
	v8 =	vnsel vm0, $0x1FE, v0;
	vm0 =	vlt.s32 v6, $0x1FE  }
0x1d2: {  	v0 =	vld [tilespmem:s11+$0xFFFFFFF0];
	v9 =	vnsel vm1, $0x1FE, v4;
	v4 =	vadd.s32 $0x1, v8;
	v6 =	vnsel vm0, $0x1FE, v6  }
0x1d3: {  	v5 =	vor.u32 v7, v5;
	vm0 =	vlt.s32 v3, $0x1FE;
	[tilespmem:s11+$0xFFFFFFE0] =	vst v4;
	v6 =	vadd.s32 $0x1, v6  }
0x1d4: {  	s6 =	simm.s32 $0x0;
	s10 =	simm.s32 $0xEC0;
	vm1 =	vlt.s32 v5, $0x1FE;
	[tilespmem:s11+$0x10] =	vst v6;
	v6 =	vadd.s32 $0x1, v9;
	v4 =	vshra.s32 v1, $0x1F  }
.LBB2_17:
0x1d5: {  	v7 =	vld [tilespmem:s10+$0xFFFFFFE0];
	s6 =	sadd.s32 $0x8, s6;
	v8 =	vshra.s32 v2, $0x1F;
	v3 =	vnsel vm0, $0x1FE, v3;
	[tilespmem:s11+$0x30] =	vst v6  }
0x1d6: {  	v5 =	vnsel vm1, $0x1FE, v5;
	v6 =	vld [tilespmem:s10+$0x30];
	p3 =	slt.u32 s6, $0x18;
	v3 =	vadd.s32 $0x1, v3  }
0x1d7: {  	v10 =	vshra.s32 v0, $0x1F;
	v5 =	vadd.s32 $0x1, v5;
	v2 =	vor.u32 v8, v2;
	v9 =	vld [tilespmem:s10+$0x10];
	[tilespmem:s11+$0x20] =	vst v3  }
0x1d8: {  	v1 =	vor.u32 v4, v1;
	v4 =	vor.u32 v10, v0;
	vm0 =	vlt.s32 v2, $0x1FE;
	v3 =	vld [tilespmem:s10+$0x20];
	[tilespmem:s11+$0xFFFFFFC0] =	vst v5  }
0x1d9: {  	vm1 =	vlt.s32 v1, $0x1FE;
	vm2 =	vlt.s32 v4, $0x1FE;
	v2 =	vnsel vm0, $0x1FE, v2  }
0x1da: {  	v1 =	vnsel vm1, $0x1FE, v1;
	v2 =	vadd.s32 $0x1, v2;
	v5 =	vshra.s32 v7, $0x1F;
	v0 =	vld [tilespmem:s10+$0xFFFFFFF0]  }
0x1db: {  	v1 =	vadd.s32 $0x1, v1;
	v8 =	vld [tilespmem:s10+$0xFFFFFFC0];
	v5 =	vor.u32 v5, v7;
	v7 =	vshra.s32 v6, $0x1F;
	[tilespmem:s11+$0x0] =	vst v2  }
0x1dc: {  	v4 =	vnsel vm2, $0x1FE, v4;
	v10 =	vshra.s32 v9, $0x1F;
	v6 =	vor.u32 v7, v6;
	[tilespmem:s11+$0xFFFFFFD0] =	vst v1  }
0x1dd: {  	vm0 =	vlt.s32 v5, $0x1FE;
	v1 =	vld [tilespmem:s10+$0xFFFFFFD0];
	v7 =	vshra.s32 v3, $0x1F;
	vm1 =	vlt.s32 v6, $0x1FE  }
.Ltmp9:
0x1de: {  	v5 =	vnsel vm0, $0x1FE, v5;
	v9 =	vor.u32 v10, v9;
	v2 =	vld [tilespmem:s10+$0x0];
	v6 =	vnsel vm1, $0x1FE, v6;
	(pc) =	sbr.rel @p3 .LBB2_17-.Ltmp9, $4  }
0x1df: {  	v5 =	vadd.s32 $0x1, v5;
	vm0 =	vlt.s32 v9, $0x1FE;
	v3 =	vor.u32 v7, v3  }
0x1e0: {  	v4 =	vadd.s32 $0x1, v4;
	v9 =	vnsel vm0, $0x1FE, v9;
	v7 =	vshra.s32 v8, $0x1F;
	[tilespmem:s10+$0xFFFFFFE0] =	vst v5  }
0x1e1: {  	vm0 =	vlt.s32 v3, $0x1FE;
	v5 =	vor.u32 v7, v8;
	v7 =	vadd.s32 $0x1, v9;
	[tilespmem:s11+$0xFFFFFFF0] =	vst v4;
	s11 =	smov.u32 s10  }
0x1e2: {  	v6 =	vadd.s32 $0x1, v6;
	s10 =	sadd.s32 $0x80, s10;
	vm1 =	vlt.s32 v5, $0x1FE;
	v4 =	vshra.s32 v1, $0x1F;
	[tilespmem:s11+$0x10] =	vst v7  }
0x1e3: {  	v7 =	vshra.s32 v2, $0x1F;
	v3 =	vnsel vm0, $0x1FE, v3;
	v5 =	vnsel vm1, $0x1FE, v5  }
0x1e4: {  	v63 =	vshra.s32 v0, $0x1F;
	v1 =	vor.u32 v4, v1;
	v3 =	vadd.s32 $0x1, v3  }
0x1e5: {  	[tilespmem:s11+$0x30] =	vst v6;
	v5 =	vadd.s32 $0x1, v5;
	v2 =	vor.u32 v7, v2;
	vm14 =	vlt.s32 v1, $0x1FE  }
0x1e6: {  	v0 =	vor.u32 v63, v0;
	vm13 =	vlt.s32 v2, $0x1FE;
	[tilespmem:s11+$0x20] =	vst v3;
	v1 =	vnsel vm14, $0x1FE, v1  }
0x1e7: {  	[tilespmem:s11+$0xFFFFFFC0] =	vst v5;
	vm15 =	vlt.s32 v0, $0x1FE;
	v2 =	vnsel vm13, $0x1FE, v2;
	v1 =	vadd.s32 $0x1, v1  }
0x1e8: {  	v0 =	vnsel vm15, $0x1FE, v0;
	v2 =	vadd.s32 $0x1, v2;
	[tilespmem:s11+$0xFFFFFFD0] =	vst v1  }
0x1e9: {  	v0 =	vadd.s32 $0x1, v0;
	[tilespmem:s11+$0x0] =	vst v2  }
0x1ea: {  	s6 =	simm.s32 @!p1 $0x18;
	[tilespmem:s11+$0xFFFFFFF0] =	vst v0  }
0x1eb: {  	_ =	swait.ge @!p1 [sflag:s6], $0x2000  }
0x1ec: {  	[sflag:s6] =	ssyncset.done @!p1 $0x0  }
0x1ed: {  	s10 =	simm.s32 $0xF000;
	s11 =	simm.s32 $0xE00;
	[sflag:s6] =	ssyncadd.s32 @!p1 $0xFFFFE000  }
0x1ee: {  	[tilespmem:s10], [sflag:$0x10] =	stream.indirect.gather [spmem:s2], $0x10, s11, s0, $0xb8;
	[tilespmem:$0x11200] =	vst v63  }
.Ltmp10:
0x1ef: {  	_ = 	snop;
	(pc) =	sbr.rel @p2 .LBB2_20-.Ltmp10, $4  }
0x1f0: {  	_ =	swait.ge [sflag:s26], $0x2000  }
0x1f1: {  	[sflag:s26] =	ssyncset.done $0x0;
	s11 =	rddreg [dreg:$0x1b]  }
0x1f2: {  	[sflag:s26] =	ssyncadd.s32 $0xFFFFE000;
	s6 =	sadd.s32 s30, s11  }
0x1f3: {  	[hbm4b:s6+s3] =	stream.linear.scatter [tilespmem:s21], [sflag:$0x17], $0x2000, $0x38;
	[tilespmem:$0x11200] =	vst v63  }
.Ltmp11:
0x1f4: {  	s6 =	rddreg [dreg:$0x1c];
	(pc) =	sbr.rel .LBB2_2-.Ltmp11, $4  }
0x1f5: {  	s6 =	sadd.s32 s29, s6  }
0x1f6: {  	s6 =	sshrl.u32 s6, $0x3  }
0x1f7: {  	s28 =	sadd.s32 $0x1, s28;
	s6 =	sadd.s32 s5, s6  }
0x1f8: {  	[tilespmem:s24], [sflag:$0x7] =	stream.linear.gather [hbm4b:s6+s3], $0x200, $0x38;
	[tilespmem:$0x11200] =	vst v63  }
.LBB2_21:
0x1f9: {  	_ =	sfence.sel $0x180000  }
0x1fa: {  	[bflag:$0x0] =	sbarrier.arrive $0xFFFF  }
0x1fb: {  	_ =	strace $0x90000047  }
0x1fc: {  	[bflag:$0x2] =	sbarrier.arrive $0xFFFF  }
0x1fd: {  	s0 =	rddreg [dreg:$0x3]  }
0x1fe: {  	s0 =	sadd.s32 @!p0 $0x100000, s0  }
0x1ff: {  	[sflag:s0] =	ssyncadd.tile.s32 @!p0 $0x1;
	_ =	shalt  }
.Lfunc_end2:
_tile_overlayer_lowered:
.L_overlay_start_2:
0x200: {  	(tag) =	ssettag $0x2  }
0x201: {  	s0 =	rddreg [dreg:$0x0];
	s2 =	stileid.u32  }
0x202: {  	s1 =	rddreg [dreg:$0x1];
	p0 =	sne.s32 s2, $0x0  }
0x203: {  	s3 =	rddreg [dreg:$0x2];
	[bflag:$0x3] =	sbarrier.arrive $0xFFFF;
	s2 =	simm.s32 @!p0 $0x1C19  }
0x204: {  	[timem:s3], [sflag:s2] =	dma.local @!p0 [hbm:s0], s1  }
0x205: {  	s0 =	simm.s32 @!p0 $0x19  }
0x206: {  	_ =	swait.ge @!p0 [sflag:s0], s1  }
0x207: {  	s1 =	ssub.s32 @!p0 $0x0, s1;
	[sflag:s0] =	ssyncset.done @!p0 $0x0  }
0x208: {  	[sflag:s0] =	ssyncadd.s32 @!p0 s1  }
0x209: {  	[bflag:$0x3] =	sbarrier.arrive $0xFFFF  }
0x20a: {  	_ =	shalt  }

// kernel: sparse-core-data-format-call.cloned.1.call-start
scs
called_computation_lowered:
.L_overlay_start_0:
0x0: {  	s2 =	sld [smem:$0x3FD9]  }
0x1: {  	s3 =	sld [smem:$0x3FFE];
	_ =	sdelay $0x1  }
0x2: {  	s1 =	srdreg.scid  }
0x3: {  	s0 =	sand.u32 $0x1, s1  }
0x4: {  	s18 =	sshll.u32 s0, $0xA;
	s2 =	sadd.s32 s3, s2  }
0x5: {  	s2 =	sadd.s32 s2, s18  }
0x6: {  	[smem:$0x3FC6] =	sst s2  }
0x7: {  	_ = 	snop  }
0x8: {  	s2 =	sld [smem:$0x3FD0];
	(tm) =	ssettm $0x1  }
0x9: {  	s19 =	sld [smem:$0x3FFB];
	_ =	sdelay $0x3  }
0xa: {  	_ =	strace s19  }
0xb: {  	s3 =	sld [smem:$0x3FFC];
	_ =	sdelay $0x3  }
0xc: {  	_ =	strace s3  }
0xd: {  	s3 =	sld [smem:$0x3FFD];
	_ =	sdelay $0x3  }
0xe: {  	_ =	strace s3  }
0xf: {  	_ =	strace $0x8FFFFFFF  }
0x10: {  	s20 =	sld [smem:$0x3FDB];
	_ =	sdelay $0x1  }
0x11: {  	s4 =	simm.s32 $_scs_section_size  }
0x12: {  	s5 =	simm.s32 $_size__tile_overlayer_lowered;
	s6 =	simm.s32 $_tile_overlayer_lowered  }
0x13: {  	s23 =	simm.s32 $0x1BFF;
	s22 =	sshll.u32 s6, $0x1;
	s3 =	sadd.s32 s4, s20  }
0x14: {  	s7 =	simm.s32 $0x0;
	s21 =	sshll.u32 s5, $0x1;
	s5 =	sadd.s32 s22, s3  }
0x15: {  	[timem:s7], [sflag:s23] =	dma.local [hbm:s5], s21  }
0x16: {  	_ =	swait.ge [sflag:s23], s21  }
0x17: {  	s4 =	ssub.s32 $0x0, s21;
	[sflag:s23] =	ssyncset.done $0x0  }
0x18: {  	[sflag:s23] =	ssyncadd.s32 s4;
	_ =	sdelay $0x1  }
0x19: {  	s24 =	simm.s32 $0x1B8B  }
0x1a: {  	_ =	swait.ge [sflag:s24], $0x1  }
0x1b: {  	[sflag:s24] =	ssyncset.done $0x0  }
0x1c: {  	s26 =	simm.s32 $0x1B8E;
	s25 =	sld [smem:$0x3FFE];
	[sflag:s24] =	ssyncadd.s32 $0xFFFFFFFF  }
0x1d: {  	s27 =	simm.s32 $execute0_lowered;
	[smem:$0x3FD2] =	sst s26  }
0x1e: {  	s5 =	sshll.u32 s27, $0x1;
	_ =	strace $0x80000049;
	[dreg:$0x1] =	wrdreg $0xFFFFFFFF  }
0x1f: {  	s28 =	simm.s32 $_size_execute0_lowered;
	s3 =	sadd.s32 s3, s5;
	[dreg:$0x0] =	wrdreg $0x0  }
0x20: {  	s5 =	sshll.u32 s28, $0x1;
	[dreg:$0x2] =	wrdreg s3  }
0x21: {  	[dreg:$0x3] =	wrdreg s5  }
0x22: {  	[dreg:$0x4] =	wrdreg $0xC0  }
0x23: {  	_ =	task [dreg:s7], $0x5FFFF  }
0x24: {  	[dreg:$0x1] =	wrdreg $0xFFFFFFFF  }
0x25: {  	[dreg:$0x0] =	wrdreg $0x60  }
0x26: {  	[dreg:$0x2] =	wrdreg s25  }
0x27: {  	[dreg:$0x3] =	wrdreg s2  }
0x28: {  	[dreg:$0x4] =	wrdreg $0x9  }
0x29: {  	_ =	task.clear_ibuf [dreg:s7], $0x5FFFF;
	_ =	strace $0x90000049  }
0x2a: {  	s29 =	simm.s32 $0x9;
	_ =	strace $0x8000004B  }
0x2b: {  	_ =	swait.ge [sflag:s29], $0x1  }
0x2c: {  	[sflag:s29] =	ssyncadd.s32 $0xFFFFFFFF  }
0x2d: {  	_ =	strace $0x9000004B  }
0x2e: {  	_ =	sfence  }
0x2f: {  	s30 =	sld [smem:$0x0];
	_ =	sdelay $0x2  }
0x30: {  	s31 =	sshll.u32 s1, $0xD;
	s1 =	sshrl.u32 s1, $0x2  }
0x31: {  	s3 =	sand.u32 $0x4000, s31;
	s1 =	sadd.s32 s1, s30  }
0x32: {  	s0 =	sor.u32 s3, s0;
	s1 =	sshll.u32 s1, $0x11  }
0x33: {  	s0 =	sor.u32 s1, s0  }
0x34: {  	s0 =	sadd.s32 $0x8F2B, s0  }
0x35: {  	[sflag:s0] =	ssyncadd.remote.s32 $0x1  }
0x36: {  	_ =	sfence.sel $0xFFFF  }
0x37: {  	[dreg:$0x0] =	wrdreg $0xFFFFFFFF;
	(pc) =	sbr.abs _section_cstart, $3  }
0x38: {  	[dreg:$0x1] =	wrdreg $0xFFFFFFFF  }
0x39: {  	_ =	task.clear_ibuf [dreg:s7], $0x2FFFF;
	_ =	strace $0x9FFFFFFF  }
0x3a: {  	(tm) =	ssettm $0x7FFFFFFF  }
0x3b: {  	_ =	shalt  }
tec
execute0_lowered:
.L_overlay_start_1:
0x0: {  	(tag) =	ssettag $0x1  }
0x1: {  	s1 =	srdreg.scid;
	s14 =	rddreg [dreg:$0x0]  }
0x2: {  	s0 =	stileid.u32;
	s2 =	rddreg [dreg:$0x1];
	s7 =	simm.s32 $0x1  }
0x3: {  	s8 =	simm.s32 $0x2;
	s21 =	simm.s32 $0x0;
	s16 =	simm.s32 $0x1000  }
0x4: {  	s22 =	simm.s32 $0x0;
	s23 =	simm.s32 $0x0;
	s17 =	simm.s32 $0x0  }
0x5: {  	s20 =	simm.s32 $0x0;
	s1 =	sshll.u32 s1, $0x4;
	s4 =	sadd.s32 $0x800, s14  }
0x6: {  	s9 =	sadd.s32 $0x4800, s14;
	s10 =	sadd.s32 $0x6800, s14;
	s1 =	sor.u32 s0, s1  }
0x7: {  	s11 =	sadd.s32 $0x8800, s14;
	s12 =	sadd.s32 $0xA800, s14;
	s3 =	sand.u32 $0x18, s1  }
0x8: {  	s13 =	sadd.s32 $0xC800, s14;
	s1 =	rddreg [dreg:$0x2];
	s6 =	ssub.s32 $0x200, s3  }
0x9: {  	_ =	strace $0x8000004A;
	s18 =	smov.u32 s3;
	s5 =	sand.u32 $0x18, s6  }
.Ltmp0:
0xa: {  	p0 =	sne.s32 s5, $0x0;
	s5 =	simm.s32 $0x1;
	(pc) =	sbr.rel .LBB1_1-.Ltmp0, $4  }
0xb: {  	s6 =	sshrl.u32 s6, $0x5;
	s7 =	simm.s32 @!p0 $0x0;
	[sflag:s5] =	ssyncpa.u1 $0x0  }
0xc: {  	p0 =	por $0x0, $0x0;
	s7 =	sadd.s32 s7, s6;
	s6 =	sand.u32 $0x7, s0  }
0xd: {  	[sflag:s8] =	ssyncpa.u1 $0x0;
	s8 =	sadd.s32 $0x2800, s14;
	s7 =	sshll.u32 s7, $0x2  }
0xe: {  	s14 =	sadd.s32 $0xE800, s14;
	s19 =	smov.u32 s6;
	s15 =	sor.u32 $0x1, s7  }
.LBB1_7:
0xf: {  	s24 =	sadd.s32 $0x80, s17  }
0x10: {  	s21 =	sadd.s32 $0x20, s18;
	s25 =	smov.u32 s18;
	p2 =	sgt.s32 s24, $0x1FF  }
0x11: {  	s25 =	smov.u32 @p2 s21  }
0x12: {  	s27 =	smov.u32 s19;
	s21 =	sadd.s32 $0x8, s19;
	p3 =	sgt.s32 s25, $0x1FF  }
0x13: {  	s27 =	smov.u32 @p3 s21  }
0x14: {  	s24 =	simm.s32 @p2 $0x0;
	p2 =	sgt.s32 s27, $0x7  }
0x15: {  	p1 =	slt.u32 s20, $0x2;
	s27 =	smov.u32 @p2 s6;
	p2 =	sne.s32 s20, s15  }
.Ltmp1:
0x16: {  	s26 =	simm.s32 @!p1 $0x2;
	(pc) =	sbr.rel @!p2 .LBB1_8-.Ltmp1, $4  }
0x17: {  	s22 =	smov.u32 s18;
	s23 =	smov.u32 s19;
	_ =	swait.ge @!p1 [sflag:s26], $0x4000  }
0x18: {  	p0 =	por !p0, !p0;
	[sflag:s26] =	ssyncset.done @!p1 $0x0;
	s25 =	smov.u32 @p3 s3  }
0x19: {  	s21 =	smov.u32 s17;
	[sflag:s26] =	ssyncadd.s32 @!p1 $0xFFFFC000;
	s17 =	smov.u32 s24  }
0x1a: {  	s18 =	smov.u32 s25;
	s20 =	sadd.s32 $0x1, s20;
	s19 =	smov.u32 s27  }
.LBB1_1:
0x1b: {  	p1 =	sge.u32 s20, s7  }
0x1c: {  	s24 =	sxor.u32 @!p1 $0xFFFFFFFF, s20;
	s25 =	sshll.u32 @!p1 s19, $0x16;
	s26 =	sshll.u32 @!p1 s18, $0xD  }
0x1d: {  	s28 =	sshll.u32 @!p1 s17, $0x4;
	s29 =	simm.s32 @!p1 $0x10;
	s27 =	sadd.s32 @!p1 s25, s26  }
0x1e: {  	s24 =	sshll.u32 @!p1 s24, $0xE;
	s28 =	sand.u32 @!p1 $0x1FF0, s28;
	s27 =	sadd.s32 @!p1 s4, s27  }
0x1f: {  	s30 =	simm.s32 @!p1 $0x80;
	s24 =	sand.u32 @!p1 $0x4000, s24;
	s27 =	sadd.s32 @!p1 s28, s27  }
0x20: {  	[tilespmem:s24], [sflag:$0x1] =	stream.strided.gather @!p1 [hbm4b:s27+s29], $0x800, s30, s29, $0x38;
	[tilespmem:$0x10100] =	vst v63  }
0x21: {  	s27 =	sadd.s32 @!p1 s25, s8  }
0x22: {  	s27 =	sadd.s32 @!p1 s26, s27  }
0x23: {  	s31 =	sor.u32 @!p1 $0x800, s24;
	s27 =	sadd.s32 @!p1 s28, s27  }
0x24: {  	[tilespmem:s31], [sflag:$0x1] =	stream.strided.gather @!p1 [hbm4b:s27+s29], $0x800, s30, s29, $0x38;
	[tilespmem:$0x10100] =	vst v63  }
0x25: {  	s27 =	sadd.s32 @!p1 s25, s9  }
0x26: {  	s27 =	sadd.s32 @!p1 s26, s27  }
0x27: {  	s31 =	sor.u32 @!p1 $0x1000, s24;
	s27 =	sadd.s32 @!p1 s28, s27  }
0x28: {  	[tilespmem:s31], [sflag:$0x1] =	stream.strided.gather @!p1 [hbm4b:s27+s29], $0x800, s30, s29, $0x38;
	[tilespmem:$0x10100] =	vst v63  }
0x29: {  	s27 =	sadd.s32 @!p1 s25, s10  }
0x2a: {  	s27 =	sadd.s32 @!p1 s26, s27  }
0x2b: {  	s31 =	sor.u32 @!p1 $0x1800, s24;
	s27 =	sadd.s32 @!p1 s28, s27  }
0x2c: {  	[tilespmem:s31], [sflag:$0x1] =	stream.strided.gather @!p1 [hbm4b:s27+s29], $0x800, s30, s29, $0x38;
	[tilespmem:$0x10100] =	vst v63  }
0x2d: {  	s27 =	sadd.s32 @!p1 s25, s11  }
0x2e: {  	s27 =	sadd.s32 @!p1 s26, s27  }
0x2f: {  	s31 =	sor.u32 @!p1 $0x2000, s24;
	s27 =	sadd.s32 @!p1 s28, s27  }
0x30: {  	[tilespmem:s31], [sflag:$0x1] =	stream.strided.gather @!p1 [hbm4b:s27+s29], $0x800, s30, s29, $0x38;
	[tilespmem:$0x10100] =	vst v63  }
0x31: {  	s27 =	sadd.s32 @!p1 s25, s12  }
0x32: {  	s27 =	sadd.s32 @!p1 s26, s27  }
0x33: {  	s31 =	sor.u32 @!p1 $0x2800, s24;
	s27 =	sadd.s32 @!p1 s28, s27  }
0x34: {  	[tilespmem:s31], [sflag:$0x1] =	stream.strided.gather @!p1 [hbm4b:s27+s29], $0x800, s30, s29, $0x38;
	[tilespmem:$0x10100] =	vst v63  }
0x35: {  	s27 =	sadd.s32 @!p1 s25, s13  }
0x36: {  	s25 =	sadd.s32 @!p1 s25, s14;
	s27 =	sadd.s32 @!p1 s26, s27  }
0x37: {  	s31 =	sor.u32 @!p1 $0x3000, s24;
	s25 =	sadd.s32 @!p1 s26, s25;
	s27 =	sadd.s32 @!p1 s28, s27  }
0x38: {  	[tilespmem:s31], [sflag:$0x1] =	stream.strided.gather @!p1 [hbm4b:s27+s29], $0x800, s30, s29, $0x38;
	[tilespmem:$0x10100] =	vst v63  }
0x39: {  	s24 =	sor.u32 @!p1 $0x3800, s24;
	s25 =	sadd.s32 @!p1 s28, s25;
	s31 =	sadd.s32 $0xFFFFFFFF, s20  }
0x3a: {  	[tilespmem:s24], [sflag:$0x1] =	stream.strided.gather @!p1 [hbm4b:s25+s29], $0x800, s30, s29, $0x38;
	[tilespmem:$0x10100] =	vst v63  }
0x3b: {  	p1 =	sge.u32 s31, s7  }
.Ltmp2:
0x3c: {  	_ = 	snop;
	(pc) =	sbr.rel @p1 .LBB1_7-.Ltmp2, $1  }
0x3d: {  	_ =	sdelay $0x3  }
0x3e: {  	s24 =	simm.s32 $0x1;
	s26 =	sand.u32 $0x1, s20  }
0x3f: {  	_ =	swait.ge [sflag:s5], $0x4000;
	s24 =	simm.s32 @!p0 $0x0;
	s27 =	smul.u32 $0x10200, s26  }
0x40: {  	[sflag:s5] =	ssyncset.done $0x0;
	s25 =	smul.u32 $0x10200, s24  }
0x41: {  	s24 =	sshll.u32 s24, $0xE;
	[sflag:s5] =	ssyncadd.s32 $0xFFFFC000  }
0x42: {  	s26 =	sor.u32 $0x40, s24;
	s31 =	sshrl.u32 s27, $0x2;
	s25 =	sshrl.u32 s25, $0x2  }
0x43: {  	s27 =	simm.s32 $0x0;
	s24 =	sor.u32 $0x8000, s31;
	s25 =	sor.u32 $0x8007, s25  }
.LBB1_3:
0x44: {  	v3 =	vld [tilespmem:s26+$0x30]  }
0x45: {  	v4 =	vld [tilespmem:s26+$0xFFFFFFD0]  }
0x46: {  	v5 =	vld [tilespmem:s26+$0xFFFFFFE0]  }
0x47: {  	v1 =	vld [tilespmem:s26+$0xFFFFFFF0]  }
0x48: {  	v0 =	vld [tilespmem:s26+$0x0]  }
0x49: {  	v2 =	vld [tilespmem:s26+$0x10];
	[tilespmem:s25+$0x0 ss:$0x81] =	vst.msk $0xffff, v3  }
0x4a: {  	[tilespmem:s25+$0xFFFFFFFA ss:$0x81] =	vst.msk $0xffff, v4;
	v4 =	vld [tilespmem:s26+$0x20]  }
0x4b: {  	s29 =	simm.s32 $0x0;
	s30 =	sadd.s32 $0x80, s26;
	s28 =	smov.u32 s25;
	v3 =	vld [tilespmem:s26+$0xFFFFFFC0];
	[tilespmem:s25+$0xFFFFFFFB ss:$0x81] =	vst.msk $0xffff, v5  }
.LBB1_4:
0x4c: {  	v5 =	vld [tilespmem:s30+$0x30];
	s29 =	sadd.s32 $0x8, s29;
	[tilespmem:s28+$0xFFFFFFFC ss:$0x81] =	vst.msk $0xffff, v1  }
0x4d: {  	v6 =	vld [tilespmem:s30+$0xFFFFFFD0];
	p1 =	slt.u32 s29, $0x78;
	[tilespmem:s28+$0xFFFFFFFD ss:$0x81] =	vst.msk $0xffff, v0  }
0x4e: {  	v7 =	vld [tilespmem:s30+$0xFFFFFFE0];
	[tilespmem:s28+$0xFFFFFFFE ss:$0x81] =	vst.msk $0xffff, v2  }
.Ltmp3:
0x4f: {  	v1 =	vld [tilespmem:s30+$0xFFFFFFF0];
	[tilespmem:s28+$0xFFFFFFFF ss:$0x81] =	vst.msk $0xffff, v4;
	(pc) =	sbr.rel @p1 .LBB1_4-.Ltmp3, $4  }
0x50: {  	v0 =	vld [tilespmem:s30+$0x0];
	[tilespmem:s28+$0xFFFFFFF9 ss:$0x81] =	vst.msk $0xffff, v3;
	s28 =	sadd.s32 $0x8, s28  }
0x51: {  	v2 =	vld [tilespmem:s30+$0x10];
	[tilespmem:s28+$0x0 ss:$0x81] =	vst.msk $0xffff, v5  }
0x52: {  	[tilespmem:s28+$0xFFFFFFFA ss:$0x81] =	vst.msk $0xffff, v6;
	v4 =	vld [tilespmem:s30+$0x20]  }
0x53: {  	v3 =	vld [tilespmem:s30+$0xFFFFFFC0];
	[tilespmem:s28+$0xFFFFFFFB ss:$0x81] =	vst.msk $0xffff, v7;
	s30 =	sadd.s32 $0x80, s30  }
0x54: {  	s27 =	sadd.s32 $0x1, s27  }
0x55: {  	p1 =	sne.s32 s27, $0x8  }
.Ltmp4:
0x56: {  	[tilespmem:s28+$0xFFFFFFFC ss:$0x81] =	vst.msk $0xffff, v1;
	(pc) =	sbr.rel @p1 .LBB1_3-.Ltmp4, $4  }
0x57: {  	[tilespmem:s28+$0xFFFFFFFD ss:$0x81] =	vst.msk $0xffff, v0  }
0x58: {  	[tilespmem:s28+$0xFFFFFFFE ss:$0x81] =	vst.msk $0xffff, v2  }
0x59: {  	[tilespmem:s28+$0xFFFFFFFF ss:$0x81] =	vst.msk $0xffff, v4  }
0x5a: {  	s25 =	sadd.s32 $0x810, s25;
	s26 =	sadd.s32 $0x800, s26;
	[tilespmem:s28+$0xFFFFFFF9 ss:$0x81] =	vst.msk $0xffff, v3  }
0x5b: {  	s23 =	sshll.u32 s23, $0x13;
	s25 =	sand.u32 $0x380, s21  }
.Ltmp5:
0x5c: {  	s22 =	sshll.u32 s22, $0xA;
	s23 =	sadd.s32 s2, s23;
	(pc) =	sbr.rel .LBB1_7-.Ltmp5, $4  }
0x5d: {  	s26 =	sshrl.u32 s21, $0x3;
	s30 =	sand.u32 $0x7, s21;
	s22 =	sadd.s32 s22, s23  }
0x5e: {  	s31 =	sand.u32 $0xF, s26;
	s21 =	sshll.u32 s30, $0x12;
	s22 =	sadd.s32 s25, s22  }
0x5f: {  	s21 =	sor.u32 $0x400, s21;
	s22 =	sadd.s32 s31, s22  }
0x60: {  	[hbm4b:s22+s21] =	stream.strided.scatter [tilespmem:s24], [sflag:$0x2], $0x4000, s16, s21, $0x20;
	[tilespmem:$0x10100] =	vst v63  }
.LBB1_8:
0x61: {  	_ =	sfence.sel $0x180000  }
0x62: {  	s2 =	simm.s32 $0x1;
	[bflag:$0x0] =	sbarrier.arrive $0xFFFF  }
0x63: {  	s31 =	simm.s32 $0x2;
	[sflag:s2] =	ssyncpa.u1 $0x1  }
0x64: {  	[sflag:s31] =	ssyncpa.u1 $0x1  }
0x65: {  	p0 =	sne.s32 s0, $0x0;
	_ =	strace $0x9000004A  }
0x66: {  	s0 =	sadd.s32 @!p0 $0x100000, s1;
	[bflag:$0x2] =	sbarrier.arrive $0xFFFF  }
0x67: {  	[sflag:s0] =	ssyncadd.tile.s32 @!p0 $0x1;
	_ =	shalt  }
.Lfunc_end1:
_tile_overlayer_lowered:
.L_overlay_start_2:
0x68: {  	(tag) =	ssettag $0x2  }
0x69: {  	s0 =	rddreg [dreg:$0x0];
	s2 =	stileid.u32  }
0x6a: {  	s1 =	rddreg [dreg:$0x1];
	p0 =	sne.s32 s2, $0x0  }
0x6b: {  	s3 =	rddreg [dreg:$0x2];
	[bflag:$0x3] =	sbarrier.arrive $0xFFFF;
	s2 =	simm.s32 @!p0 $0x1C01  }
0x6c: {  	[timem:s3], [sflag:s2] =	dma.local @!p0 [hbm:s0], s1  }
0x6d: {  	s0 =	simm.s32 @!p0 $0x1  }
0x6e: {  	_ =	swait.ge @!p0 [sflag:s0], s1  }
0x6f: {  	s1 =	ssub.s32 @!p0 $0x0, s1;
	[sflag:s0] =	ssyncset.done @!p0 $0x0  }
0x70: {  	[sflag:s0] =	ssyncadd.s32 @!p0 s1  }
0x71: {  	[bflag:$0x3] =	sbarrier.arrive $0xFFFF  }
0x72: {  	_ =	shalt  }

</sc_bundles>
